<compile_context>
chip_gen: v7x
topology: tpu7x:2x2x1
jax: 0.10.2.dev20260603
libtpu: 0.0.44.dev20260713+nightly
codegen_flags: <defaults>
</compile_context>

<pallas_src>
import functools

import jax
import jax.numpy as jnp
from jax import lax
from jax.experimental import pallas as pl
from jax.experimental.pallas import tpu as pltpu
from jax.experimental.pallas import tpu_sc as plsc

N = 10000
E = 160000
D = 16
FT = 16

NC = 2
NS = 16
NW = NC * NS
EPW = E // NW
CHUNK = 125
NCH = EPW // CHUNK
IDX_ROWS = E // CHUNK
NPT = N // NS



def _mesh():
    return plsc.VectorSubcoreMesh(
        core_axis_name="c", subcore_axis_name="s", num_cores=NC, num_subcores=NS
    )


_SC_PARAMS = pltpu.CompilerParams(use_tc_tiling_on_sc=False)


@functools.cache
def _make_sc_gather():
    return functools.partial(
        pl.kernel,
        mesh=_mesh(),
        compiler_params=_SC_PARAMS,
        out_type=jax.ShapeDtypeStruct((E, D), jnp.float32),
        scratch_types=[
            pltpu.VMEM((NCH, CHUNK), jnp.int32),
            pltpu.VMEM((EPW, D), jnp.float32),
            pltpu.SemaphoreType.DMA,
        ],
    )(_sc_gather_body)


def _sc_gather_body(table_hbm, idx_hbm, out_hbm, idx_v, rows_v, sem):
    c = lax.axis_index("c")
    s = lax.axis_index("s")
    wid = c * NS + s
    pltpu.sync_copy(idx_hbm.at[pl.ds(wid * NCH, NCH)], idx_v)

    def fire(j, carry):
        pltpu.async_copy(
            table_hbm.at[idx_v.at[j]], rows_v.at[pl.ds(j * CHUNK, CHUNK)], sem
        )
        return carry

    lax.fori_loop(0, NCH, fire, 0)
    pltpu.make_async_copy(out_hbm.at[pl.ds(wid * EPW, EPW)], rows_v, sem).wait()
    pltpu.sync_copy(rows_v, out_hbm.at[pl.ds(wid * EPW, EPW)])


@functools.cache
def _make_sc_scatter():
    return functools.partial(
        pl.kernel,
        mesh=_mesh(),
        compiler_params=_SC_PARAMS,
        out_type=jax.ShapeDtypeStruct((NC * N, D), jnp.float32),
        scratch_types=[
            pltpu.VMEM_SHARED((N, D), jnp.float32),
            pltpu.VMEM((NCH, CHUNK), jnp.int32),
            pltpu.VMEM((EPW, D), jnp.float32),
            pltpu.SemaphoreType.DMA,
        ],
    )(_sc_scatter_body)


def _sc_scatter_body(msg_hbm, idx_hbm, zeros_hbm, out_hbm, acc_sh, idx_v,
                     data_v, sem):
    c = lax.axis_index("c")
    s = lax.axis_index("s")
    wid = c * NS + s
    pltpu.sync_copy(zeros_hbm, acc_sh.at[pl.ds(s * NPT, NPT)])
    pltpu.sync_copy(idx_hbm.at[pl.ds(wid * NCH, NCH)], idx_v)
    pltpu.sync_copy(msg_hbm.at[pl.ds(wid * EPW, EPW)], data_v)
    plsc.subcore_barrier()

    def fire(j, carry):
        pltpu.async_copy(
            data_v.at[pl.ds(j * CHUNK, CHUNK)], acc_sh.at[idx_v.at[j]], sem,
            add=True,
        )
        return carry

    lax.fori_loop(0, NCH, fire, 0)
    pltpu.make_async_copy(msg_hbm.at[pl.ds(wid * EPW, EPW)], data_v, sem).wait()
    plsc.subcore_barrier()
    pltpu.sync_copy(
        acc_sh.at[pl.ds(s * NPT, NPT)], out_hbm.at[pl.ds(c * N + s * NPT, NPT)]
    )


@functools.cache
def _make_sc_count():
    return functools.partial(
        pl.kernel,
        mesh=_mesh(),
        compiler_params=_SC_PARAMS,
        out_type=jax.ShapeDtypeStruct((NC * N, D), jnp.float32),
        scratch_types=[
            pltpu.VMEM_SHARED((N, D), jnp.float32),
            pltpu.VMEM((NCH, CHUNK), jnp.int32),
            pltpu.VMEM((CHUNK, D), jnp.float32),
            pltpu.SemaphoreType.DMA,
        ],
    )(_sc_count_body)


def _sc_count_body(idx_hbm, ones_hbm, zeros_hbm, out_hbm, acc_sh, idx_v,
                   ones_v, sem):
    c = lax.axis_index("c")
    s = lax.axis_index("s")
    wid = c * NS + s
    pltpu.sync_copy(zeros_hbm, acc_sh.at[pl.ds(s * NPT, NPT)])
    pltpu.sync_copy(idx_hbm.at[pl.ds(wid * NCH, NCH)], idx_v)
    pltpu.sync_copy(ones_hbm, ones_v)
    plsc.subcore_barrier()

    def fire(j, carry):
        pltpu.async_copy(ones_v, acc_sh.at[idx_v.at[j]], sem, add=True)
        return carry

    lax.fori_loop(0, NCH, fire, 0)

    def drain(j, carry):
        pltpu.make_async_copy(ones_hbm, ones_v, sem).wait()
        return carry

    lax.fori_loop(0, NCH, drain, 0)
    plsc.subcore_barrier()
    pltpu.sync_copy(
        acc_sh.at[pl.ds(s * NPT, NPT)], out_hbm.at[pl.ds(c * N + s * NPT, NPT)]
    )



BQ = 2000
ER = E * D // 128
NR = N * D // 128


def _split(a):
    hi = a.astype(jnp.bfloat16)
    lo = (a - hi.astype(jnp.float32)).astype(jnp.bfloat16)
    return hi, lo


def _bdot(a, b):
    return jnp.dot(a, b, preferred_element_type=jnp.float32)


def _dot3(x, wh, w2):
    xh, xl = _split(x)
    x2 = jnp.concatenate([xh, xl], axis=1)
    return _bdot(xh, wh) + _bdot(x2, w2)


def _msg_body(ea_ref, hs_ref, wh_ref, w2_ref, bm_ref, r2_ref, out_ref):
    eah, eal = _split(ea_ref[...])
    hsh, hsl = _split(hs_ref[...])
    ea2 = jnp.concatenate([eah, eal], axis=1)
    hs2 = jnp.concatenate([hsh, hsl], axis=1)
    acc = None
    for ii in range(8):
        cs = pl.ds(ii * 256, 256)
        pre = _bdot(eah, wh_ref[:, cs]) + _bdot(ea2, w2_ref[:, cs]) + bm_ref[:, cs]
        t = jnp.tanh(pre)
        p = t * _bdot(hs2, r2_ref[:, cs])
        m = p[:, :128] + p[:, 128:]
        acc = m if acc is None else acc + m
    out_ref[...] = acc


_msg_call = pl.pallas_call(
    _msg_body,
    grid=(ER // BQ,),
    in_specs=[
        pl.BlockSpec((BQ, 128), lambda i: (i, 0)),
        pl.BlockSpec((BQ, 128), lambda i: (i, 0)),
        pl.BlockSpec((128, 16 * 128), lambda i: (0, 0)),
        pl.BlockSpec((256, 16 * 128), lambda i: (0, 0)),
        pl.BlockSpec((1, 16 * 128), lambda i: (0, 0)),
        pl.BlockSpec((256, 16 * 128), lambda i: (0, 0)),
    ],
    out_specs=pl.BlockSpec((BQ, 128), lambda i: (i, 0)),
    out_shape=jax.ShapeDtypeStruct((ER, 128), jnp.float32),
)


def _msgf_body(ea_ref, hs_ref, wh_ref, w2_ref, bm_ref, out_ref):
    eah, eal = _split(ea_ref[...])
    ea2 = jnp.concatenate([eah, eal], axis=1)
    t = jnp.tanh(_bdot(eah, wh_ref[...]) + _bdot(ea2, w2_ref[...]) + bm_ref[...])
    out_ref[...] = t * hs_ref[...]


_msgf_call = pl.pallas_call(
    _msgf_body,
    grid=(ER // BQ,),
    in_specs=[
        pl.BlockSpec((BQ, 128), lambda i: (i, 0)),
        pl.BlockSpec((BQ, 128), lambda i: (i, 0)),
        pl.BlockSpec((128, 128), lambda i: (0, 0)),
        pl.BlockSpec((256, 128), lambda i: (0, 0)),
        pl.BlockSpec((1, 128), lambda i: (0, 0)),
    ],
    out_specs=pl.BlockSpec((BQ, 128), lambda i: (i, 0)),
    out_shape=jax.ShapeDtypeStruct((ER, 128), jnp.float32),
)


def _tile8(v16):
    return jnp.concatenate([v16] * 8, axis=1)


def _fold8(v):
    m = v[:, :64] + v[:, 64:]
    m = m[:, :32] + m[:, 32:]
    return m[:, :16] + m[:, 16:]


def _node_body(pacc_ref, cacc_ref, h_ref, rh_ref, r2_ref, bias_ref, gamma_ref,
               beta_ref, out_ref):
    pa = pacc_ref[...]
    ca = cacc_ref[...]
    h = h_ref[...]
    agg = pa[:NR] + pa[NR:]
    cnt = ca[:NR] + ca[NR:]
    inv = 1.0 / jnp.maximum(cnt, 1.0)
    t = agg * inv + _dot3(h, rh_ref[...], r2_ref[...]) + bias_ref[...]
    mu = _tile8(_fold8(jnp.mean(t, axis=0, keepdims=True)) * 0.125)
    e = t - mu
    var = _tile8(_fold8(jnp.mean(e * e, axis=0, keepdims=True)) * 0.125)
    tb = e * lax.rsqrt(var + 1e-5) * gamma_ref[...] + beta_ref[...]
    out_ref[...] = h + jnp.maximum(tb, 0.0)


_node_call = pl.pallas_call(
    _node_body,
    out_shape=jax.ShapeDtypeStruct((NR, 128), jnp.float32),
)


def _final_body(pacc_ref, cacc_ref, h_ref, rootf_ref, biasf_ref, fh_ref,
                out_ref):
    pa = pacc_ref[...]
    ca = cacc_ref[...]
    aggf = pa[:NR] + pa[NR:]
    cnt = ca[:NR] + ca[NR:]
    q = aggf / jnp.maximum(cnt, 1.0) + h_ref[...] * rootf_ref[...]
    qh, ql = _split(q)
    f = fh_ref[...]
    out_ref[...] = _bdot(qh, f) + _bdot(ql, f) + biasf_ref[...]


_final_call = pl.pallas_call(
    _final_body,
    out_shape=jax.ShapeDtypeStruct((NR, 8), jnp.float32),
)



def kernel(x, edge_index, edge_attr, Wm0, bm0, root0, bias0, gamma0, beta0,
           Wm1, bm1, root1, bias1, gamma1, beta1, Wm2, bm2, root2, bias2,
           gamma2, beta2, Wmf, bmf, rootf, biasf):
    f32 = jnp.float32
    bf16 = jnp.bfloat16
    src = edge_index[0].reshape(IDX_ROWS, CHUNK)
    dst = edge_index[1].reshape(IDX_ROWS, CHUNK)
    zeros_t = jnp.zeros((NPT, D), f32)
    ones_c = jnp.ones((CHUNK, D), f32)
    eye8 = jnp.eye(8, dtype=f32)

    def wsplit(w):
        hi = w.astype(bf16)
        lo = (w - hi.astype(f32)).astype(bf16)
        return hi, lo

    def bdmask(ncols):
        row = jnp.arange(128, dtype=jnp.int32)[:, None]
        col = jnp.arange(ncols, dtype=jnp.int32)[None, :]
        return (row // 16 == (col // 16) % 8).astype(bf16)

    def kron1(w):
        if w.shape[1] == D * D:
            a = jnp.broadcast_to(
                w.reshape(FT, D, 1, D), (FT, D, 8, D)
            ).reshape(FT, 16 * 128)
        else:
            a = jnp.tile(w, (1, 8))
        return jnp.tile(a, (8, 1)) * bdmask(a.shape[1])

    def kron_w(w):
        hi, lo = wsplit(w)
        kh, kl = kron1(hi), kron1(lo)
        return kh, jnp.concatenate([kl, kh], axis=0)

    def bm_cols(bm):
        return jnp.broadcast_to(bm.reshape(D, 1, D), (D, 8, D)).reshape(
            1, 16 * 128
        )

    def tile8v(v):
        return jnp.tile(v.reshape(1, D), (1, 8))

    r8 = jnp.einsum(
        'xy,ki,o->xkiyo', eye8, jnp.eye(D, dtype=f32), jnp.ones((D,), f32)
    ).reshape(128, 16 * 128).astype(bf16)
    r2 = jnp.concatenate([r8, r8], axis=0)
    f8h = jnp.einsum('xy,o->xoy', eye8, jnp.ones((D,), f32)).reshape(
        128, 8
    ).astype(bf16)

    sc_count = _make_sc_count()
    sc_gather = _make_sc_gather()
    sc_scatter = _make_sc_scatter()

    cacc = sc_count(dst, ones_c, zeros_t).reshape(2 * NR, 128)
    ea128 = edge_attr.reshape(ER, 128)

    h = x
    h128 = x.reshape(NR, 128)
    for Wm, bm, root, bias, gamma, beta in (
        (Wm0, bm0, root0, bias0, gamma0, beta0),
        (Wm1, bm1, root1, bias1, gamma1, beta1),
        (Wm2, bm2, root2, bias2, gamma2, beta2),
    ):
        hs = sc_gather(h, src).reshape(ER, 128)
        wh, wl = kron_w(Wm)
        msg = _msg_call(ea128, hs, wh, wl, bm_cols(bm), r2)
        pacc = sc_scatter(msg.reshape(E, D), dst, zeros_t).reshape(2 * NR, 128)
        rh, rl = kron_w(root)
        h128 = _node_call(pacc, cacc, h128, rh, rl, tile8v(bias),
                          tile8v(gamma), tile8v(beta))
        h = h128.reshape(N, D)

    hs = sc_gather(h, src).reshape(ER, 128)
    wfh, wfl = kron_w(Wmf)
    prodf = _msgf_call(ea128, hs, wfh, wfl, tile8v(bmf))
    paccf = sc_scatter(prodf.reshape(E, D), dst, zeros_t).reshape(2 * NR, 128)
    out8 = _final_call(paccf, cacc, h128, tile8v(rootf.reshape(D)),
                       biasf.reshape(1, 1), f8h)
    return out8.reshape(N, 1)

# --- scband reference (transcript-rebuilt; emitter-appended) ---
"""Pipeline reference for scband-gnn-network-infer-3324304687116 (READ-ONLY COPY).

The authoritative reference and input builder live on the scoring server;
editing this copy changes nothing except your own understanding.
"""

import jax, jax.numpy as jnp
import numpy as np

N = 10000
E = 160000
D = 16
FT = 16

def setup_inputs(seed: int = 0) -> dict:
    key = jax.random.key(seed)
    ks = jax.random.split(key, 40)
    inp = {}
    inp["x"] = jax.random.normal(ks[0], (N, D), dtype=jnp.float32)
    inp["edge_index"] = jax.random.randint(ks[1], (2, E), 0, N, dtype=jnp.int32)
    inp["edge_attr"] = jax.random.normal(ks[2], (E, FT), dtype=jnp.float32)
    j = 3
    for i in range(3):
        inp["Wm%d" % i] = jax.random.normal(ks[j], (FT, D * D), dtype=jnp.float32) * 0.1; j += 1
        inp["bm%d" % i] = jnp.zeros((D * D,), dtype=jnp.float32)
        inp["root%d" % i] = jax.random.normal(ks[j], (D, D), dtype=jnp.float32) * 0.1; j += 1
        inp["bias%d" % i] = jnp.zeros((D,), dtype=jnp.float32)
        inp["gamma%d" % i] = jnp.ones((D,), dtype=jnp.float32)
        inp["beta%d" % i] = jnp.zeros((D,), dtype=jnp.float32)
    inp["Wmf"] = jax.random.normal(ks[j], (FT, D), dtype=jnp.float32) * 0.1; j += 1
    inp["bmf"] = jnp.zeros((D,), dtype=jnp.float32)
    inp["rootf"] = jax.random.normal(ks[j], (D, 1), dtype=jnp.float32) * 0.1
    inp["biasf"] = jnp.zeros((1,), dtype=jnp.float32)
    return inp

def _nnconv(x, src, dst, ea, Wm, bm, root, bias, out_ch):
    # edge-conditioned weights: mlp(edge_attr) with Tanh, reshaped to [E, in, out]
    We = jnp.tanh(ea @ Wm + bm).reshape(E, x.shape[1], out_ch)
    msg = jnp.einsum('ei,eio->eo', x[src], We)
    agg = jax.ops.segment_sum(msg, dst, num_segments=N)
    cnt = jax.ops.segment_sum(jnp.ones((E,), jnp.float32), dst, num_segments=N)
    agg = agg / jnp.maximum(cnt, 1.0)[:, None]
    return agg + x @ root + bias

def _bn(h, gamma, beta):
    mu = jnp.mean(h, axis=0)
    var = jnp.var(h, axis=0)
    return (h - mu) / jnp.sqrt(var + 1e-5) * gamma + beta

def reference(x, edge_index, edge_attr, Wm0, bm0, root0, bias0, gamma0, beta0, Wm1, bm1, root1, bias1, gamma1, beta1, Wm2, bm2, root2, bias2, gamma2, beta2, Wmf, bmf, rootf, biasf):
    src = edge_index[0]
    dst = edge_index[1]
    h = x
    for (Wm, bm, root, bias, gamma, beta) in ((Wm0, bm0, root0, bias0, gamma0, beta0), (Wm1, bm1, root1, bias1, gamma1, beta1), (Wm2, bm2, root2, bias2, gamma2, beta2)):
        t = _nnconv(h, src, dst, edge_attr, Wm, bm, root, bias, D)
        t = jax.nn.relu(_bn(t, gamma, beta))
        h = h + t
    out = _nnconv(h, src, dst, edge_attr, Wmf, bmf, rootf, biasf, 1)
    return out

if __name__ == "__main__":
    import jax
    _d = setup_inputs()
    print(jax.jit(kernel)(*tuple(_d.values())))

</pallas_src>

<mosaic_0001>
#map = affine_map<(d0, d1) -> (0, 0)>
module attributes {stable_mosaic.version = 14 : i64} {
  func.func @_sc_gather_body(%arg0: i32, %arg1: i32, %arg2: memref<10000x16xf32, #tpu.memory_space<hbm>>, %arg3: memref<1280x125xi32, #tpu.memory_space<hbm>>, %arg4: memref<160000x16xf32, #tpu.memory_space<hbm>>, %arg5: memref<40x125xi32, #tpu.memory_space<vmem>>, %arg6: memref<5000x16xf32, #tpu.memory_space<vmem>>, %arg7: memref<!tpu.dma_semaphore, #tpu.memory_space<semaphore_mem>>) attributes {dimension_semantics = [#tpu.dimension_semantics<core_parallel>, #tpu.dimension_semantics<subcore_parallel>], iteration_bounds = array<i64: 2, 16>, scalar_prefetch = 0 : i64, scratch_operands = 3 : i64, tpu.core_type = #tpu.core_type<sc_vector_subcore>, window_params = [{transform_indices = #map}, {transform_indices = #map}, {transform_indices = #map}]} {
    %mul3A = arith.constant 16 : i32
    %mul3A_0 = arith.muli %arg0, %mul3A : i32
    %add3A = arith.addi %mul3A_0, %arg1 : i32
    %mul3A_1 = arith.constant 40 : i32
    %mul3A_2 = arith.muli %add3A, %mul3A_1 : i32
    "tpu.region"() ({
      %run_scoped3A = tpu.sem_alloc : memref<!tpu.dma_semaphore, #tpu.memory_space<semaphore_mem>>
      %dma_start3A = arith.constant 0 : i32
      %dma_start3A_15 = tpu.memref_slice %arg3[%mul3A_2, %dma_start3A] : memref<1280x125xi32, #tpu.memory_space<hbm>> -> memref<40x125xi32, #tpu.memory_space<hbm>>
      %dma_start3A_16 = arith.constant 0 : i32
      %dma_start3A_17 = tpu.memref_slice %arg3[%mul3A_2, %dma_start3A_16] : memref<1280x125xi32, #tpu.memory_space<hbm>> -> memref<40x125xi32, #tpu.memory_space<hbm>>
      tpu.enqueue_dma source(%dma_start3A_17 : memref<40x125xi32, #tpu.memory_space<hbm>>) target(%arg5 : memref<40x125xi32, #tpu.memory_space<vmem>>) target_semaphore(%run_scoped3A : memref<!tpu.dma_semaphore, #tpu.memory_space<semaphore_mem>>)
      %dma_wait3A_18 = arith.constant 0 : i32
      %dma_wait3A_19 = tpu.memref_slice %arg3[%mul3A_2, %dma_wait3A_18] : memref<1280x125xi32, #tpu.memory_space<hbm>> -> memref<40x125xi32, #tpu.memory_space<hbm>>
      %dma_wait3A_20 = arith.constant 0 : i32
      %dma_wait3A_21 = tpu.memref_slice %arg3[%mul3A_2, %dma_wait3A_20] : memref<1280x125xi32, #tpu.memory_space<hbm>> -> memref<40x125xi32, #tpu.memory_space<hbm>>
      tpu.wait_dma2 semaphore(%run_scoped3A : memref<!tpu.dma_semaphore, #tpu.memory_space<semaphore_mem>>) src(%dma_wait3A_21 : memref<40x125xi32, #tpu.memory_space<hbm>>) dst(%arg5 : memref<40x125xi32, #tpu.memory_space<vmem>>)
      tpu.yield
    }) : () -> ()
    %scan3A = arith.constant 0 : i32
    %scan3A_3 = arith.constant 0 : i32
    %scan3A_4 = arith.constant 40 : i32
    %scan3A_5 = arith.addi %scan3A_3, %scan3A_4 : i32
    %scan3A_6 = arith.constant 1 : i32
    scf.for %scan3A_15 = %scan3A_3 to %scan3A_5 step %scan3A_6  : i32 {
      %mul3A_16 = arith.constant 125 : i32
      %mul3A_17 = arith.muli %scan3A_15, %mul3A_16 : i32
      %dma_start3A = arith.constant 0 : i32
      %dma_start3A_18 = tpu.memref_slice %arg6[%mul3A_17, %dma_start3A] : memref<5000x16xf32, #tpu.memory_space<vmem>> -> memref<125x16xf32, #tpu.memory_space<vmem>>
      %dma_start3A_19 = arith.constant 0 : i32
      %dma_start3A_20 = tpu.memref_slice %arg5[%scan3A_15, %dma_start3A_19] : memref<40x125xi32, #tpu.memory_space<vmem>> -> memref<1x125xi32, #tpu.memory_space<vmem>>
      %dma_start3A_21 = tpu.memref_squeeze %dma_start3A_20 : memref<1x125xi32, #tpu.memory_space<vmem>> -> memref<125xi32, #tpu.memory_space<vmem>>
      %dma_start3A_22 = arith.constant 0 : i32
      %dma_start3A_23 = arith.constant 0 : i32
      %dma_start3A_24 = tpu.memref_slice %arg2[%dma_start3A_22, %dma_start3A_23] : memref<10000x16xf32, #tpu.memory_space<hbm>> -> memref<10000x16xf32, #tpu.memory_space<hbm>>
      tpu.enqueue_indirect_dma source(%dma_start3A_24 : memref<10000x16xf32, #tpu.memory_space<hbm>>) target(%dma_start3A_18 : memref<125x16xf32, #tpu.memory_space<vmem>>) offsets(%dma_start3A_21 : memref<125xi32, #tpu.memory_space<vmem>>) semaphore(%arg7 : memref<!tpu.dma_semaphore, #tpu.memory_space<semaphore_mem>>)
    }
    %scan3A_7 = arith.constant 40 : i32
    %mul3A_8 = arith.constant 5000 : i32
    %mul3A_9 = arith.muli %add3A, %mul3A_8 : i32
    %dma_wait3A = arith.constant 0 : i32
    %dma_wait3A_10 = tpu.memref_slice %arg4[%mul3A_9, %dma_wait3A] : memref<160000x16xf32, #tpu.memory_space<hbm>> -> memref<5000x16xf32, #tpu.memory_space<hbm>>
    %dma_wait3A_11 = arith.constant 0 : i32
    %dma_wait3A_12 = tpu.memref_slice %arg4[%mul3A_9, %dma_wait3A_11] : memref<160000x16xf32, #tpu.memory_space<hbm>> -> memref<5000x16xf32, #tpu.memory_space<hbm>>
    tpu.wait_dma2 semaphore(%arg7 : memref<!tpu.dma_semaphore, #tpu.memory_space<semaphore_mem>>) src(%dma_wait3A_12 : memref<5000x16xf32, #tpu.memory_space<hbm>>) dst(%arg6 : memref<5000x16xf32, #tpu.memory_space<vmem>>)
    %mul3A_13 = arith.constant 5000 : i32
    %mul3A_14 = arith.muli %add3A, %mul3A_13 : i32
    "tpu.region"() ({
      %run_scoped3A = tpu.sem_alloc : memref<!tpu.dma_semaphore, #tpu.memory_space<semaphore_mem>>
      %dma_start3A = arith.constant 0 : i32
      %dma_start3A_15 = tpu.memref_slice %arg4[%mul3A_14, %dma_start3A] : memref<160000x16xf32, #tpu.memory_space<hbm>> -> memref<5000x16xf32, #tpu.memory_space<hbm>>
      %dma_start3A_16 = arith.constant 0 : i32
      %dma_start3A_17 = tpu.memref_slice %arg4[%mul3A_14, %dma_start3A_16] : memref<160000x16xf32, #tpu.memory_space<hbm>> -> memref<5000x16xf32, #tpu.memory_space<hbm>>
      tpu.enqueue_dma source(%arg6 : memref<5000x16xf32, #tpu.memory_space<vmem>>) target(%dma_start3A_17 : memref<5000x16xf32, #tpu.memory_space<hbm>>) target_semaphore(%run_scoped3A : memref<!tpu.dma_semaphore, #tpu.memory_space<semaphore_mem>>)
      %dma_wait3A_18 = arith.constant 0 : i32
      %dma_wait3A_19 = tpu.memref_slice %arg4[%mul3A_14, %dma_wait3A_18] : memref<160000x16xf32, #tpu.memory_space<hbm>> -> memref<5000x16xf32, #tpu.memory_space<hbm>>
      %dma_wait3A_20 = arith.constant 0 : i32
      %dma_wait3A_21 = tpu.memref_slice %arg4[%mul3A_14, %dma_wait3A_20] : memref<160000x16xf32, #tpu.memory_space<hbm>> -> memref<5000x16xf32, #tpu.memory_space<hbm>>
      tpu.wait_dma2 semaphore(%run_scoped3A : memref<!tpu.dma_semaphore, #tpu.memory_space<semaphore_mem>>) src(%arg6 : memref<5000x16xf32, #tpu.memory_space<vmem>>) dst(%dma_wait3A_21 : memref<5000x16xf32, #tpu.memory_space<hbm>>)
      tpu.yield
    }) : () -> ()
    return
  }
}

#map = affine_map<(d0, d1) -> (0, 0)>
module attributes {stable_mosaic.version = 14 : i64} {
  func.func @_sc_scatter_body(%arg0: i32, %arg1: i32, %arg2: memref<160000x16xf32, #tpu.memory_space<hbm>>, %arg3: memref<1280x125xi32, #tpu.memory_space<hbm>>, %arg4: memref<625x16xf32, #tpu.memory_space<hbm>>, %arg5: memref<20000x16xf32, #tpu.memory_space<hbm>>, %arg6: memref<10000x16xf32, #tpu.memory_space<vmem_shared>>, %arg7: memref<40x125xi32, #tpu.memory_space<vmem>>, %arg8: memref<5000x16xf32, #tpu.memory_space<vmem>>, %arg9: memref<!tpu.dma_semaphore, #tpu.memory_space<semaphore_mem>>) attributes {dimension_semantics = [#tpu.dimension_semantics<core_parallel>, #tpu.dimension_semantics<subcore_parallel>], iteration_bounds = array<i64: 2, 16>, scalar_prefetch = 0 : i64, scratch_operands = 4 : i64, tpu.core_type = #tpu.core_type<sc_vector_subcore>, window_params = [{transform_indices = #map}, {transform_indices = #map}, {transform_indices = #map}, {transform_indices = #map}]} {
    %mul3A = arith.constant 16 : i32
    %mul3A_0 = arith.muli %arg0, %mul3A : i32
    %add3A = arith.addi %mul3A_0, %arg1 : i32
    %mul3A_1 = arith.constant 625 : i32
    %mul3A_2 = arith.muli %arg1, %mul3A_1 : i32
    "tpu.region"() ({
      %run_scoped3A = tpu.sem_alloc : memref<!tpu.dma_semaphore, #tpu.memory_space<semaphore_mem>>
      %dma_start3A = arith.constant 0 : i32
      %dma_start3A_25 = tpu.memref_slice %arg6[%mul3A_2, %dma_start3A] : memref<10000x16xf32, #tpu.memory_space<vmem_shared>> -> memref<625x16xf32, #tpu.memory_space<vmem_shared>>
      tpu.enqueue_dma source(%arg4 : memref<625x16xf32, #tpu.memory_space<hbm>>) target(%dma_start3A_25 : memref<625x16xf32, #tpu.memory_space<vmem_shared>>) target_semaphore(%run_scoped3A : memref<!tpu.dma_semaphore, #tpu.memory_space<semaphore_mem>>)
      %dma_wait3A_26 = arith.constant 0 : i32
      %dma_wait3A_27 = tpu.memref_slice %arg6[%mul3A_2, %dma_wait3A_26] : memref<10000x16xf32, #tpu.memory_space<vmem_shared>> -> memref<625x16xf32, #tpu.memory_space<vmem_shared>>
      tpu.wait_dma2 semaphore(%run_scoped3A : memref<!tpu.dma_semaphore, #tpu.memory_space<semaphore_mem>>) src(%arg4 : memref<625x16xf32, #tpu.memory_space<hbm>>) dst(%dma_wait3A_27 : memref<625x16xf32, #tpu.memory_space<vmem_shared>>)
      tpu.yield
    }) : () -> ()
    %mul3A_3 = arith.constant 40 : i32
    %mul3A_4 = arith.muli %add3A, %mul3A_3 : i32
    "tpu.region"() ({
      %run_scoped3A = tpu.sem_alloc : memref<!tpu.dma_semaphore, #tpu.memory_space<semaphore_mem>>
      %dma_start3A = arith.constant 0 : i32
      %dma_start3A_25 = tpu.memref_slice %arg3[%mul3A_4, %dma_start3A] : memref<1280x125xi32, #tpu.memory_space<hbm>> -> memref<40x125xi32, #tpu.memory_space<hbm>>
      %dma_start3A_26 = arith.constant 0 : i32
      %dma_start3A_27 = tpu.memref_slice %arg3[%mul3A_4, %dma_start3A_26] : memref<1280x125xi32, #tpu.memory_space<hbm>> -> memref<40x125xi32, #tpu.memory_space<hbm>>
      tpu.enqueue_dma source(%dma_start3A_27 : memref<40x125xi32, #tpu.memory_space<hbm>>) target(%arg7 : memref<40x125xi32, #tpu.memory_space<vmem>>) target_semaphore(%run_scoped3A : memref<!tpu.dma_semaphore, #tpu.memory_space<semaphore_mem>>)
      %dma_wait3A_28 = arith.constant 0 : i32
      %dma_wait3A_29 = tpu.memref_slice %arg3[%mul3A_4, %dma_wait3A_28] : memref<1280x125xi32, #tpu.memory_space<hbm>> -> memref<40x125xi32, #tpu.memory_space<hbm>>
      %dma_wait3A_30 = arith.constant 0 : i32
      %dma_wait3A_31 = tpu.memref_slice %arg3[%mul3A_4, %dma_wait3A_30] : memref<1280x125xi32, #tpu.memory_space<hbm>> -> memref<40x125xi32, #tpu.memory_space<hbm>>
      tpu.wait_dma2 semaphore(%run_scoped3A : memref<!tpu.dma_semaphore, #tpu.memory_space<semaphore_mem>>) src(%dma_wait3A_31 : memref<40x125xi32, #tpu.memory_space<hbm>>) dst(%arg7 : memref<40x125xi32, #tpu.memory_space<vmem>>)
      tpu.yield
    }) : () -> ()
    %mul3A_5 = arith.constant 5000 : i32
    %mul3A_6 = arith.muli %add3A, %mul3A_5 : i32
    "tpu.region"() ({
      %run_scoped3A = tpu.sem_alloc : memref<!tpu.dma_semaphore, #tpu.memory_space<semaphore_mem>>
      %dma_start3A = arith.constant 0 : i32
      %dma_start3A_25 = tpu.memref_slice %arg2[%mul3A_6, %dma_start3A] : memref<160000x16xf32, #tpu.memory_space<hbm>> -> memref<5000x16xf32, #tpu.memory_space<hbm>>
      %dma_start3A_26 = arith.constant 0 : i32
      %dma_start3A_27 = tpu.memref_slice %arg2[%mul3A_6, %dma_start3A_26] : memref<160000x16xf32, #tpu.memory_space<hbm>> -> memref<5000x16xf32, #tpu.memory_space<hbm>>
      tpu.enqueue_dma source(%dma_start3A_27 : memref<5000x16xf32, #tpu.memory_space<hbm>>) target(%arg8 : memref<5000x16xf32, #tpu.memory_space<vmem>>) target_semaphore(%run_scoped3A : memref<!tpu.dma_semaphore, #tpu.memory_space<semaphore_mem>>)
      %dma_wait3A_28 = arith.constant 0 : i32
      %dma_wait3A_29 = tpu.memref_slice %arg2[%mul3A_6, %dma_wait3A_28] : memref<160000x16xf32, #tpu.memory_space<hbm>> -> memref<5000x16xf32, #tpu.memory_space<hbm>>
      %dma_wait3A_30 = arith.constant 0 : i32
      %dma_wait3A_31 = tpu.memref_slice %arg2[%mul3A_6, %dma_wait3A_30] : memref<160000x16xf32, #tpu.memory_space<hbm>> -> memref<5000x16xf32, #tpu.memory_space<hbm>>
      tpu.wait_dma2 semaphore(%run_scoped3A : memref<!tpu.dma_semaphore, #tpu.memory_space<semaphore_mem>>) src(%dma_wait3A_31 : memref<5000x16xf32, #tpu.memory_space<hbm>>) dst(%arg8 : memref<5000x16xf32, #tpu.memory_space<vmem>>)
      tpu.yield
    }) : () -> ()
    %barrier3A = arith.constant 0 : index
    tpu.barrier barrier_id(%barrier3A)
    %scan3A = arith.constant 0 : i32
    %scan3A_7 = arith.constant 0 : i32
    %scan3A_8 = arith.constant 40 : i32
    %scan3A_9 = arith.addi %scan3A_7, %scan3A_8 : i32
    %scan3A_10 = arith.constant 1 : i32
    scf.for %scan3A_25 = %scan3A_7 to %scan3A_9 step %scan3A_10  : i32 {
      %mul3A_26 = arith.constant 125 : i32
      %mul3A_27 = arith.muli %scan3A_25, %mul3A_26 : i32
      %dma_start3A = arith.constant 0 : i32
      %dma_start3A_28 = tpu.memref_slice %arg8[%mul3A_27, %dma_start3A] : memref<5000x16xf32, #tpu.memory_space<vmem>> -> memref<125x16xf32, #tpu.memory_space<vmem>>
      %dma_start3A_29 = arith.constant 0 : i32
      %dma_start3A_30 = tpu.memref_slice %arg7[%scan3A_25, %dma_start3A_29] : memref<40x125xi32, #tpu.memory_space<vmem>> -> memref<1x125xi32, #tpu.memory_space<vmem>>
      %dma_start3A_31 = tpu.memref_squeeze %dma_start3A_30 : memref<1x125xi32, #tpu.memory_space<vmem>> -> memref<125xi32, #tpu.memory_space<vmem>>
      %dma_start3A_32 = arith.constant 0 : i32
      %dma_start3A_33 = arith.constant 0 : i32
      %dma_start3A_34 = tpu.memref_slice %arg6[%dma_start3A_32, %dma_start3A_33] : memref<10000x16xf32, #tpu.memory_space<vmem_shared>> -> memref<10000x16xf32, #tpu.memory_space<vmem_shared>>
      tpu.enqueue_indirect_dma source(%dma_start3A_28 : memref<125x16xf32, #tpu.memory_space<vmem>>) target(%dma_start3A_34 : memref<10000x16xf32, #tpu.memory_space<vmem_shared>>) offsets(%dma_start3A_31 : memref<125xi32, #tpu.memory_space<vmem>>) semaphore(%arg9 : memref<!tpu.dma_semaphore, #tpu.memory_space<semaphore_mem>>) {add = true}
    }
    %scan3A_11 = arith.constant 40 : i32
    %mul3A_12 = arith.constant 5000 : i32
    %mul3A_13 = arith.muli %add3A, %mul3A_12 : i32
    %dma_wait3A = arith.constant 0 : i32
    %dma_wait3A_14 = tpu.memref_slice %arg2[%mul3A_13, %dma_wait3A] : memref<160000x16xf32, #tpu.memory_space<hbm>> -> memref<5000x16xf32, #tpu.memory_space<hbm>>
    %dma_wait3A_15 = arith.constant 0 : i32
    %dma_wait3A_16 = tpu.memref_slice %arg2[%mul3A_13, %dma_wait3A_15] : memref<160000x16xf32, #tpu.memory_space<hbm>> -> memref<5000x16xf32, #tpu.memory_space<hbm>>
    tpu.wait_dma2 semaphore(%arg9 : memref<!tpu.dma_semaphore, #tpu.memory_space<semaphore_mem>>) src(%dma_wait3A_16 : memref<5000x16xf32, #tpu.memory_space<hbm>>) dst(%arg8 : memref<5000x16xf32, #tpu.memory_space<vmem>>)
    %barrier3A_17 = arith.constant 0 : index
    tpu.barrier barrier_id(%barrier3A_17)
    %mul3A_18 = arith.constant 625 : i32
    %mul3A_19 = arith.muli %arg1, %mul3A_18 : i32
    %mul3A_20 = arith.constant 10000 : i32
    %mul3A_21 = arith.muli %arg0, %mul3A_20 : i32
    %mul3A_22 = arith.constant 625 : i32
    %mul3A_23 = arith.muli %arg1, %mul3A_22 : i32
    %add3A_24 = arith.addi %mul3A_21, %mul3A_23 : i32
    "tpu.region"() ({
      %run_scoped3A = tpu.sem_alloc : memref<!tpu.dma_semaphore, #tpu.memory_space<semaphore_mem>>
      %dma_start3A = arith.constant 0 : i32
      %dma_start3A_25 = tpu.memref_slice %arg5[%add3A_24, %dma_start3A] : memref<20000x16xf32, #tpu.memory_space<hbm>> -> memref<625x16xf32, #tpu.memory_space<hbm>>
      %dma_start3A_26 = arith.constant 0 : i32
      %dma_start3A_27 = tpu.memref_slice %arg6[%mul3A_19, %dma_start3A_26] : memref<10000x16xf32, #tpu.memory_space<vmem_shared>> -> memref<625x16xf32, #tpu.memory_space<vmem_shared>>
      tpu.enqueue_dma source(%dma_start3A_27 : memref<625x16xf32, #tpu.memory_space<vmem_shared>>) target(%dma_start3A_25 : memref<625x16xf32, #tpu.memory_space<hbm>>) target_semaphore(%run_scoped3A : memref<!tpu.dma_semaphore, #tpu.memory_space<semaphore_mem>>)
      %dma_wait3A_28 = arith.constant 0 : i32
      %dma_wait3A_29 = tpu.memref_slice %arg5[%add3A_24, %dma_wait3A_28] : memref<20000x16xf32, #tpu.memory_space<hbm>> -> memref<625x16xf32, #tpu.memory_space<hbm>>
      %dma_wait3A_30 = arith.constant 0 : i32
      %dma_wait3A_31 = tpu.memref_slice %arg6[%mul3A_19, %dma_wait3A_30] : memref<10000x16xf32, #tpu.memory_space<vmem_shared>> -> memref<625x16xf32, #tpu.memory_space<vmem_shared>>
      tpu.wait_dma2 semaphore(%run_scoped3A : memref<!tpu.dma_semaphore, #tpu.memory_space<semaphore_mem>>) src(%dma_wait3A_31 : memref<625x16xf32, #tpu.memory_space<vmem_shared>>) dst(%dma_wait3A_29 : memref<625x16xf32, #tpu.memory_space<hbm>>)
      tpu.yield
    }) : () -> ()
    return
  }
}

#map = affine_map<(d0, d1) -> (0, 0)>
module attributes {stable_mosaic.version = 14 : i64} {
  func.func @_sc_count_body(%arg0: i32, %arg1: i32, %arg2: memref<1280x125xi32, #tpu.memory_space<hbm>>, %arg3: memref<125x16xf32, #tpu.memory_space<hbm>>, %arg4: memref<625x16xf32, #tpu.memory_space<hbm>>, %arg5: memref<20000x16xf32, #tpu.memory_space<hbm>>, %arg6: memref<10000x16xf32, #tpu.memory_space<vmem_shared>>, %arg7: memref<40x125xi32, #tpu.memory_space<vmem>>, %arg8: memref<125x16xf32, #tpu.memory_space<vmem>>, %arg9: memref<!tpu.dma_semaphore, #tpu.memory_space<semaphore_mem>>) attributes {dimension_semantics = [#tpu.dimension_semantics<core_parallel>, #tpu.dimension_semantics<subcore_parallel>], iteration_bounds = array<i64: 2, 16>, scalar_prefetch = 0 : i64, scratch_operands = 4 : i64, tpu.core_type = #tpu.core_type<sc_vector_subcore>, window_params = [{transform_indices = #map}, {transform_indices = #map}, {transform_indices = #map}, {transform_indices = #map}]} {
    %mul3A = arith.constant 16 : i32
    %mul3A_0 = arith.muli %arg0, %mul3A : i32
    %add3A = arith.addi %mul3A_0, %arg1 : i32
    %mul3A_1 = arith.constant 625 : i32
    %mul3A_2 = arith.muli %arg1, %mul3A_1 : i32
    "tpu.region"() ({
      %run_scoped3A = tpu.sem_alloc : memref<!tpu.dma_semaphore, #tpu.memory_space<semaphore_mem>>
      %dma_start3A = arith.constant 0 : i32
      %dma_start3A_24 = tpu.memref_slice %arg6[%mul3A_2, %dma_start3A] : memref<10000x16xf32, #tpu.memory_space<vmem_shared>> -> memref<625x16xf32, #tpu.memory_space<vmem_shared>>
      tpu.enqueue_dma source(%arg4 : memref<625x16xf32, #tpu.memory_space<hbm>>) target(%dma_start3A_24 : memref<625x16xf32, #tpu.memory_space<vmem_shared>>) target_semaphore(%run_scoped3A : memref<!tpu.dma_semaphore, #tpu.memory_space<semaphore_mem>>)
      %dma_wait3A = arith.constant 0 : i32
      %dma_wait3A_25 = tpu.memref_slice %arg6[%mul3A_2, %dma_wait3A] : memref<10000x16xf32, #tpu.memory_space<vmem_shared>> -> memref<625x16xf32, #tpu.memory_space<vmem_shared>>
      tpu.wait_dma2 semaphore(%run_scoped3A : memref<!tpu.dma_semaphore, #tpu.memory_space<semaphore_mem>>) src(%arg4 : memref<625x16xf32, #tpu.memory_space<hbm>>) dst(%dma_wait3A_25 : memref<625x16xf32, #tpu.memory_space<vmem_shared>>)
      tpu.yield
    }) : () -> ()
    %mul3A_3 = arith.constant 40 : i32
    %mul3A_4 = arith.muli %add3A, %mul3A_3 : i32
    "tpu.region"() ({
      %run_scoped3A = tpu.sem_alloc : memref<!tpu.dma_semaphore, #tpu.memory_space<semaphore_mem>>
      %dma_start3A = arith.constant 0 : i32
      %dma_start3A_24 = tpu.memref_slice %arg2[%mul3A_4, %dma_start3A] : memref<1280x125xi32, #tpu.memory_space<hbm>> -> memref<40x125xi32, #tpu.memory_space<hbm>>
      %dma_start3A_25 = arith.constant 0 : i32
      %dma_start3A_26 = tpu.memref_slice %arg2[%mul3A_4, %dma_start3A_25] : memref<1280x125xi32, #tpu.memory_space<hbm>> -> memref<40x125xi32, #tpu.memory_space<hbm>>
      tpu.enqueue_dma source(%dma_start3A_26 : memref<40x125xi32, #tpu.memory_space<hbm>>) target(%arg7 : memref<40x125xi32, #tpu.memory_space<vmem>>) target_semaphore(%run_scoped3A : memref<!tpu.dma_semaphore, #tpu.memory_space<semaphore_mem>>)
      %dma_wait3A = arith.constant 0 : i32
      %dma_wait3A_27 = tpu.memref_slice %arg2[%mul3A_4, %dma_wait3A] : memref<1280x125xi32, #tpu.memory_space<hbm>> -> memref<40x125xi32, #tpu.memory_space<hbm>>
      %dma_wait3A_28 = arith.constant 0 : i32
      %dma_wait3A_29 = tpu.memref_slice %arg2[%mul3A_4, %dma_wait3A_28] : memref<1280x125xi32, #tpu.memory_space<hbm>> -> memref<40x125xi32, #tpu.memory_space<hbm>>
      tpu.wait_dma2 semaphore(%run_scoped3A : memref<!tpu.dma_semaphore, #tpu.memory_space<semaphore_mem>>) src(%dma_wait3A_29 : memref<40x125xi32, #tpu.memory_space<hbm>>) dst(%arg7 : memref<40x125xi32, #tpu.memory_space<vmem>>)
      tpu.yield
    }) : () -> ()
    "tpu.region"() ({
      %run_scoped3A = tpu.sem_alloc : memref<!tpu.dma_semaphore, #tpu.memory_space<semaphore_mem>>
      tpu.enqueue_dma source(%arg3 : memref<125x16xf32, #tpu.memory_space<hbm>>) target(%arg8 : memref<125x16xf32, #tpu.memory_space<vmem>>) target_semaphore(%run_scoped3A : memref<!tpu.dma_semaphore, #tpu.memory_space<semaphore_mem>>)
      tpu.wait_dma2 semaphore(%run_scoped3A : memref<!tpu.dma_semaphore, #tpu.memory_space<semaphore_mem>>) src(%arg3 : memref<125x16xf32, #tpu.memory_space<hbm>>) dst(%arg8 : memref<125x16xf32, #tpu.memory_space<vmem>>)
      tpu.yield
    }) : () -> ()
    %barrier3A = arith.constant 0 : index
    tpu.barrier barrier_id(%barrier3A)
    %scan3A = arith.constant 0 : i32
    %scan3A_5 = arith.constant 0 : i32
    %scan3A_6 = arith.constant 40 : i32
    %scan3A_7 = arith.addi %scan3A_5, %scan3A_6 : i32
    %scan3A_8 = arith.constant 1 : i32
    scf.for %scan3A_24 = %scan3A_5 to %scan3A_7 step %scan3A_8  : i32 {
      %dma_start3A = arith.constant 0 : i32
      %dma_start3A_25 = tpu.memref_slice %arg7[%scan3A_24, %dma_start3A] : memref<40x125xi32, #tpu.memory_space<vmem>> -> memref<1x125xi32, #tpu.memory_space<vmem>>
      %dma_start3A_26 = tpu.memref_squeeze %dma_start3A_25 : memref<1x125xi32, #tpu.memory_space<vmem>> -> memref<125xi32, #tpu.memory_space<vmem>>
      %dma_start3A_27 = arith.constant 0 : i32
      %dma_start3A_28 = arith.constant 0 : i32
      %dma_start3A_29 = tpu.memref_slice %arg6[%dma_start3A_27, %dma_start3A_28] : memref<10000x16xf32, #tpu.memory_space<vmem_shared>> -> memref<10000x16xf32, #tpu.memory_space<vmem_shared>>
      tpu.enqueue_indirect_dma source(%arg8 : memref<125x16xf32, #tpu.memory_space<vmem>>) target(%dma_start3A_29 : memref<10000x16xf32, #tpu.memory_space<vmem_shared>>) offsets(%dma_start3A_26 : memref<125xi32, #tpu.memory_space<vmem>>) semaphore(%arg9 : memref<!tpu.dma_semaphore, #tpu.memory_space<semaphore_mem>>) {add = true}
    }
    %scan3A_9 = arith.constant 40 : i32
    %scan3A_10 = arith.constant 0 : i32
    %scan3A_11 = arith.constant 0 : i32
    %scan3A_12 = arith.constant 40 : i32
    %scan3A_13 = arith.addi %scan3A_11, %scan3A_12 : i32
    %scan3A_14 = arith.constant 1 : i32
    scf.for %scan3A_24 = %scan3A_11 to %scan3A_13 step %scan3A_14  : i32 {
      tpu.wait_dma2 semaphore(%arg9 : memref<!tpu.dma_semaphore, #tpu.memory_space<semaphore_mem>>) src(%arg3 : memref<125x16xf32, #tpu.memory_space<hbm>>) dst(%arg8 : memref<125x16xf32, #tpu.memory_space<vmem>>)
    }
    %scan3A_15 = arith.constant 40 : i32
    %barrier3A_16 = arith.constant 0 : index
    tpu.barrier barrier_id(%barrier3A_16)
    %mul3A_17 = arith.constant 625 : i32
    %mul3A_18 = arith.muli %arg1, %mul3A_17 : i32
    %mul3A_19 = arith.constant 10000 : i32
    %mul3A_20 = arith.muli %arg0, %mul3A_19 : i32
    %mul3A_21 = arith.constant 625 : i32
    %mul3A_22 = arith.muli %arg1, %mul3A_21 : i32
    %add3A_23 = arith.addi %mul3A_20, %mul3A_22 : i32
    "tpu.region"() ({
      %run_scoped3A = tpu.sem_alloc : memref<!tpu.dma_semaphore, #tpu.memory_space<semaphore_mem>>
      %dma_start3A = arith.constant 0 : i32
      %dma_start3A_24 = tpu.memref_slice %arg5[%add3A_23, %dma_start3A] : memref<20000x16xf32, #tpu.memory_space<hbm>> -> memref<625x16xf32, #tpu.memory_space<hbm>>
      %dma_start3A_25 = arith.constant 0 : i32
      %dma_start3A_26 = tpu.memref_slice %arg6[%mul3A_18, %dma_start3A_25] : memref<10000x16xf32, #tpu.memory_space<vmem_shared>> -> memref<625x16xf32, #tpu.memory_space<vmem_shared>>
      tpu.enqueue_dma source(%dma_start3A_26 : memref<625x16xf32, #tpu.memory_space<vmem_shared>>) target(%dma_start3A_24 : memref<625x16xf32, #tpu.memory_space<hbm>>) target_semaphore(%run_scoped3A : memref<!tpu.dma_semaphore, #tpu.memory_space<semaphore_mem>>)
      %dma_wait3A = arith.constant 0 : i32
      %dma_wait3A_27 = tpu.memref_slice %arg5[%add3A_23, %dma_wait3A] : memref<20000x16xf32, #tpu.memory_space<hbm>> -> memref<625x16xf32, #tpu.memory_space<hbm>>
      %dma_wait3A_28 = arith.constant 0 : i32
      %dma_wait3A_29 = tpu.memref_slice %arg6[%mul3A_18, %dma_wait3A_28] : memref<10000x16xf32, #tpu.memory_space<vmem_shared>> -> memref<625x16xf32, #tpu.memory_space<vmem_shared>>
      tpu.wait_dma2 semaphore(%run_scoped3A : memref<!tpu.dma_semaphore, #tpu.memory_space<semaphore_mem>>) src(%dma_wait3A_29 : memref<625x16xf32, #tpu.memory_space<vmem_shared>>) dst(%dma_wait3A_27 : memref<625x16xf32, #tpu.memory_space<hbm>>)
      tpu.yield
    }) : () -> ()
    return
  }
}

#map = affine_map<(d0, d1) -> (0, 0)>
module attributes {stable_mosaic.version = 14 : i64} {
  func.func @_sc_gather_body(%arg0: i32, %arg1: i32, %arg2: memref<10000x16xf32, #tpu.memory_space<hbm>>, %arg3: memref<1280x125xi32, #tpu.memory_space<hbm>>, %arg4: memref<160000x16xf32, #tpu.memory_space<hbm>>, %arg5: memref<40x125xi32, #tpu.memory_space<vmem>>, %arg6: memref<5000x16xf32, #tpu.memory_space<vmem>>, %arg7: memref<!tpu.dma_semaphore, #tpu.memory_space<semaphore_mem>>) attributes {dimension_semantics = [#tpu.dimension_semantics<core_parallel>, #tpu.dimension_semantics<subcore_parallel>], iteration_bounds = array<i64: 2, 16>, scalar_prefetch = 0 : i64, scratch_operands = 3 : i64, tpu.core_type = #tpu.core_type<sc_vector_subcore>, window_params = [{transform_indices = #map}, {transform_indices = #map}, {transform_indices = #map}]} {
    %mul3A = arith.constant 16 : i32
    %mul3A_0 = arith.muli %arg0, %mul3A : i32
    %add3A = arith.addi %mul3A_0, %arg1 : i32
    %mul3A_1 = arith.constant 40 : i32
    %mul3A_2 = arith.muli %add3A, %mul3A_1 : i32
    "tpu.region"() ({
      %run_scoped3A = tpu.sem_alloc : memref<!tpu.dma_semaphore, #tpu.memory_space<semaphore_mem>>
      %dma_start3A = arith.constant 0 : i32
      %dma_start3A_15 = tpu.memref_slice %arg3[%mul3A_2, %dma_start3A] : memref<1280x125xi32, #tpu.memory_space<hbm>> -> memref<40x125xi32, #tpu.memory_space<hbm>>
      %dma_start3A_16 = arith.constant 0 : i32
      %dma_start3A_17 = tpu.memref_slice %arg3[%mul3A_2, %dma_start3A_16] : memref<1280x125xi32, #tpu.memory_space<hbm>> -> memref<40x125xi32, #tpu.memory_space<hbm>>
      tpu.enqueue_dma source(%dma_start3A_17 : memref<40x125xi32, #tpu.memory_space<hbm>>) target(%arg5 : memref<40x125xi32, #tpu.memory_space<vmem>>) target_semaphore(%run_scoped3A : memref<!tpu.dma_semaphore, #tpu.memory_space<semaphore_mem>>)
      %dma_wait3A_18 = arith.constant 0 : i32
      %dma_wait3A_19 = tpu.memref_slice %arg3[%mul3A_2, %dma_wait3A_18] : memref<1280x125xi32, #tpu.memory_space<hbm>> -> memref<40x125xi32, #tpu.memory_space<hbm>>
      %dma_wait3A_20 = arith.constant 0 : i32
      %dma_wait3A_21 = tpu.memref_slice %arg3[%mul3A_2, %dma_wait3A_20] : memref<1280x125xi32, #tpu.memory_space<hbm>> -> memref<40x125xi32, #tpu.memory_space<hbm>>
      tpu.wait_dma2 semaphore(%run_scoped3A : memref<!tpu.dma_semaphore, #tpu.memory_space<semaphore_mem>>) src(%dma_wait3A_21 : memref<40x125xi32, #tpu.memory_space<hbm>>) dst(%arg5 : memref<40x125xi32, #tpu.memory_space<vmem>>)
      tpu.yield
    }) : () -> ()
    %scan3A = arith.constant 0 : i32
    %scan3A_3 = arith.constant 0 : i32
    %scan3A_4 = arith.constant 40 : i32
    %scan3A_5 = arith.addi %scan3A_3, %scan3A_4 : i32
    %scan3A_6 = arith.constant 1 : i32
    scf.for %scan3A_15 = %scan3A_3 to %scan3A_5 step %scan3A_6  : i32 {
      %mul3A_16 = arith.constant 125 : i32
      %mul3A_17 = arith.muli %scan3A_15, %mul3A_16 : i32
      %dma_start3A = arith.constant 0 : i32
      %dma_start3A_18 = tpu.memref_slice %arg6[%mul3A_17, %dma_start3A] : memref<5000x16xf32, #tpu.memory_space<vmem>> -> memref<125x16xf32, #tpu.memory_space<vmem>>
      %dma_start3A_19 = arith.constant 0 : i32
      %dma_start3A_20 = tpu.memref_slice %arg5[%scan3A_15, %dma_start3A_19] : memref<40x125xi32, #tpu.memory_space<vmem>> -> memref<1x125xi32, #tpu.memory_space<vmem>>
      %dma_start3A_21 = tpu.memref_squeeze %dma_start3A_20 : memref<1x125xi32, #tpu.memory_space<vmem>> -> memref<125xi32, #tpu.memory_space<vmem>>
      %dma_start3A_22 = arith.constant 0 : i32
      %dma_start3A_23 = arith.constant 0 : i32
      %dma_start3A_24 = tpu.memref_slice %arg2[%dma_start3A_22, %dma_start3A_23] : memref<10000x16xf32, #tpu.memory_space<hbm>> -> memref<10000x16xf32, #tpu.memory_space<hbm>>
      tpu.enqueue_indirect_dma source(%dma_start3A_24 : memref<10000x16xf32, #tpu.memory_space<hbm>>) target(%dma_start3A_18 : memref<125x16xf32, #tpu.memory_space<vmem>>) offsets(%dma_start3A_21 : memref<125xi32, #tpu.memory_space<vmem>>) semaphore(%arg7 : memref<!tpu.dma_semaphore, #tpu.memory_space<semaphore_mem>>)
    }
    %scan3A_7 = arith.constant 40 : i32
    %mul3A_8 = arith.constant 5000 : i32
    %mul3A_9 = arith.muli %add3A, %mul3A_8 : i32
    %dma_wait3A = arith.constant 0 : i32
    %dma_wait3A_10 = tpu.memref_slice %arg4[%mul3A_9, %dma_wait3A] : memref<160000x16xf32, #tpu.memory_space<hbm>> -> memref<5000x16xf32, #tpu.memory_space<hbm>>
    %dma_wait3A_11 = arith.constant 0 : i32
    %dma_wait3A_12 = tpu.memref_slice %arg4[%mul3A_9, %dma_wait3A_11] : memref<160000x16xf32, #tpu.memory_space<hbm>> -> memref<5000x16xf32, #tpu.memory_space<hbm>>
    tpu.wait_dma2 semaphore(%arg7 : memref<!tpu.dma_semaphore, #tpu.memory_space<semaphore_mem>>) src(%dma_wait3A_12 : memref<5000x16xf32, #tpu.memory_space<hbm>>) dst(%arg6 : memref<5000x16xf32, #tpu.memory_space<vmem>>)
    %mul3A_13 = arith.constant 5000 : i32
    %mul3A_14 = arith.muli %add3A, %mul3A_13 : i32
    "tpu.region"() ({
      %run_scoped3A = tpu.sem_alloc : memref<!tpu.dma_semaphore, #tpu.memory_space<semaphore_mem>>
      %dma_start3A = arith.constant 0 : i32
      %dma_start3A_15 = tpu.memref_slice %arg4[%mul3A_14, %dma_start3A] : memref<160000x16xf32, #tpu.memory_space<hbm>> -> memref<5000x16xf32, #tpu.memory_space<hbm>>
      %dma_start3A_16 = arith.constant 0 : i32
      %dma_start3A_17 = tpu.memref_slice %arg4[%mul3A_14, %dma_start3A_16] : memref<160000x16xf32, #tpu.memory_space<hbm>> -> memref<5000x16xf32, #tpu.memory_space<hbm>>
      tpu.enqueue_dma source(%arg6 : memref<5000x16xf32, #tpu.memory_space<vmem>>) target(%dma_start3A_17 : memref<5000x16xf32, #tpu.memory_space<hbm>>) target_semaphore(%run_scoped3A : memref<!tpu.dma_semaphore, #tpu.memory_space<semaphore_mem>>)
      %dma_wait3A_18 = arith.constant 0 : i32
      %dma_wait3A_19 = tpu.memref_slice %arg4[%mul3A_14, %dma_wait3A_18] : memref<160000x16xf32, #tpu.memory_space<hbm>> -> memref<5000x16xf32, #tpu.memory_space<hbm>>
      %dma_wait3A_20 = arith.constant 0 : i32
      %dma_wait3A_21 = tpu.memref_slice %arg4[%mul3A_14, %dma_wait3A_20] : memref<160000x16xf32, #tpu.memory_space<hbm>> -> memref<5000x16xf32, #tpu.memory_space<hbm>>
      tpu.wait_dma2 semaphore(%run_scoped3A : memref<!tpu.dma_semaphore, #tpu.memory_space<semaphore_mem>>) src(%arg6 : memref<5000x16xf32, #tpu.memory_space<vmem>>) dst(%dma_wait3A_21 : memref<5000x16xf32, #tpu.memory_space<hbm>>)
      tpu.yield
    }) : () -> ()
    return
  }
}

#map = affine_map<(d0, d1) -> (0, 0)>
module attributes {stable_mosaic.version = 14 : i64} {
  func.func @_sc_scatter_body(%arg0: i32, %arg1: i32, %arg2: memref<160000x16xf32, #tpu.memory_space<hbm>>, %arg3: memref<1280x125xi32, #tpu.memory_space<hbm>>, %arg4: memref<625x16xf32, #tpu.memory_space<hbm>>, %arg5: memref<20000x16xf32, #tpu.memory_space<hbm>>, %arg6: memref<10000x16xf32, #tpu.memory_space<vmem_shared>>, %arg7: memref<40x125xi32, #tpu.memory_space<vmem>>, %arg8: memref<5000x16xf32, #tpu.memory_space<vmem>>, %arg9: memref<!tpu.dma_semaphore, #tpu.memory_space<semaphore_mem>>) attributes {dimension_semantics = [#tpu.dimension_semantics<core_parallel>, #tpu.dimension_semantics<subcore_parallel>], iteration_bounds = array<i64: 2, 16>, scalar_prefetch = 0 : i64, scratch_operands = 4 : i64, tpu.core_type = #tpu.core_type<sc_vector_subcore>, window_params = [{transform_indices = #map}, {transform_indices = #map}, {transform_indices = #map}, {transform_indices = #map}]} {
    %mul3A = arith.constant 16 : i32
    %mul3A_0 = arith.muli %arg0, %mul3A : i32
    %add3A = arith.addi %mul3A_0, %arg1 : i32
    %mul3A_1 = arith.constant 625 : i32
    %mul3A_2 = arith.muli %arg1, %mul3A_1 : i32
    "tpu.region"() ({
      %run_scoped3A = tpu.sem_alloc : memref<!tpu.dma_semaphore, #tpu.memory_space<semaphore_mem>>
      %dma_start3A = arith.constant 0 : i32
      %dma_start3A_25 = tpu.memref_slice %arg6[%mul3A_2, %dma_start3A] : memref<10000x16xf32, #tpu.memory_space<vmem_shared>> -> memref<625x16xf32, #tpu.memory_space<vmem_shared>>
      tpu.enqueue_dma source(%arg4 : memref<625x16xf32, #tpu.memory_space<hbm>>) target(%dma_start3A_25 : memref<625x16xf32, #tpu.memory_space<vmem_shared>>) target_semaphore(%run_scoped3A : memref<!tpu.dma_semaphore, #tpu.memory_space<semaphore_mem>>)
      %dma_wait3A_26 = arith.constant 0 : i32
      %dma_wait3A_27 = tpu.memref_slice %arg6[%mul3A_2, %dma_wait3A_26] : memref<10000x16xf32, #tpu.memory_space<vmem_shared>> -> memref<625x16xf32, #tpu.memory_space<vmem_shared>>
      tpu.wait_dma2 semaphore(%run_scoped3A : memref<!tpu.dma_semaphore, #tpu.memory_space<semaphore_mem>>) src(%arg4 : memref<625x16xf32, #tpu.memory_space<hbm>>) dst(%dma_wait3A_27 : memref<625x16xf32, #tpu.memory_space<vmem_shared>>)
      tpu.yield
    }) : () -> ()
    %mul3A_3 = arith.constant 40 : i32
    %mul3A_4 = arith.muli %add3A, %mul3A_3 : i32
    "tpu.region"() ({
      %run_scoped3A = tpu.sem_alloc : memref<!tpu.dma_semaphore, #tpu.memory_space<semaphore_mem>>
      %dma_start3A = arith.constant 0 : i32
      %dma_start3A_25 = tpu.memref_slice %arg3[%mul3A_4, %dma_start3A] : memref<1280x125xi32, #tpu.memory_space<hbm>> -> memref<40x125xi32, #tpu.memory_space<hbm>>
      %dma_start3A_26 = arith.constant 0 : i32
      %dma_start3A_27 = tpu.memref_slice %arg3[%mul3A_4, %dma_start3A_26] : memref<1280x125xi32, #tpu.memory_space<hbm>> -> memref<40x125xi32, #tpu.memory_space<hbm>>
      tpu.enqueue_dma source(%dma_start3A_27 : memref<40x125xi32, #tpu.memory_space<hbm>>) target(%arg7 : memref<40x125xi32, #tpu.memory_space<vmem>>) target_semaphore(%run_scoped3A : memref<!tpu.dma_semaphore, #tpu.memory_space<semaphore_mem>>)
      %dma_wait3A_28 = arith.constant 0 : i32
      %dma_wait3A_29 = tpu.memref_slice %arg3[%mul3A_4, %dma_wait3A_28] : memref<1280x125xi32, #tpu.memory_space<hbm>> -> memref<40x125xi32, #tpu.memory_space<hbm>>
      %dma_wait3A_30 = arith.constant 0 : i32
      %dma_wait3A_31 = tpu.memref_slice %arg3[%mul3A_4, %dma_wait3A_30] : memref<1280x125xi32, #tpu.memory_space<hbm>> -> memref<40x125xi32, #tpu.memory_space<hbm>>
      tpu.wait_dma2 semaphore(%run_scoped3A : memref<!tpu.dma_semaphore, #tpu.memory_space<semaphore_mem>>) src(%dma_wait3A_31 : memref<40x125xi32, #tpu.memory_space<hbm>>) dst(%arg7 : memref<40x125xi32, #tpu.memory_space<vmem>>)
      tpu.yield
    }) : () -> ()
    %mul3A_5 = arith.constant 5000 : i32
    %mul3A_6 = arith.muli %add3A, %mul3A_5 : i32
    "tpu.region"() ({
      %run_scoped3A = tpu.sem_alloc : memref<!tpu.dma_semaphore, #tpu.memory_space<semaphore_mem>>
      %dma_start3A = arith.constant 0 : i32
      %dma_start3A_25 = tpu.memref_slice %arg2[%mul3A_6, %dma_start3A] : memref<160000x16xf32, #tpu.memory_space<hbm>> -> memref<5000x16xf32, #tpu.memory_space<hbm>>
      %dma_start3A_26 = arith.constant 0 : i32
      %dma_start3A_27 = tpu.memref_slice %arg2[%mul3A_6, %dma_start3A_26] : memref<160000x16xf32, #tpu.memory_space<hbm>> -> memref<5000x16xf32, #tpu.memory_space<hbm>>
      tpu.enqueue_dma source(%dma_start3A_27 : memref<5000x16xf32, #tpu.memory_space<hbm>>) target(%arg8 : memref<5000x16xf32, #tpu.memory_space<vmem>>) target_semaphore(%run_scoped3A : memref<!tpu.dma_semaphore, #tpu.memory_space<semaphore_mem>>)
      %dma_wait3A_28 = arith.constant 0 : i32
      %dma_wait3A_29 = tpu.memref_slice %arg2[%mul3A_6, %dma_wait3A_28] : memref<160000x16xf32, #tpu.memory_space<hbm>> -> memref<5000x16xf32, #tpu.memory_space<hbm>>
      %dma_wait3A_30 = arith.constant 0 : i32
      %dma_wait3A_31 = tpu.memref_slice %arg2[%mul3A_6, %dma_wait3A_30] : memref<160000x16xf32, #tpu.memory_space<hbm>> -> memref<5000x16xf32, #tpu.memory_space<hbm>>
      tpu.wait_dma2 semaphore(%run_scoped3A : memref<!tpu.dma_semaphore, #tpu.memory_space<semaphore_mem>>) src(%dma_wait3A_31 : memref<5000x16xf32, #tpu.memory_space<hbm>>) dst(%arg8 : memref<5000x16xf32, #tpu.memory_space<vmem>>)
      tpu.yield
    }) : () -> ()
    %barrier3A = arith.constant 0 : index
    tpu.barrier barrier_id(%barrier3A)
    %scan3A = arith.constant 0 : i32
    %scan3A_7 = arith.constant 0 : i32
    %scan3A_8 = arith.constant 40 : i32
    %scan3A_9 = arith.addi %scan3A_7, %scan3A_8 : i32
    %scan3A_10 = arith.constant 1 : i32
    scf.for %scan3A_25 = %scan3A_7 to %scan3A_9 step %scan3A_10  : i32 {
      %mul3A_26 = arith.constant 125 : i32
      %mul3A_27 = arith.muli %scan3A_25, %mul3A_26 : i32
      %dma_start3A = arith.constant 0 : i32
      %dma_start3A_28 = tpu.memref_slice %arg8[%mul3A_27, %dma_start3A] : memref<5000x16xf32, #tpu.memory_space<vmem>> -> memref<125x16xf32, #tpu.memory_space<vmem>>
      %dma_start3A_29 = arith.constant 0 : i32
      %dma_start3A_30 = tpu.memref_slice %arg7[%scan3A_25, %dma_start3A_29] : memref<40x125xi32, #tpu.memory_space<vmem>> -> memref<1x125xi32, #tpu.memory_space<vmem>>
      %dma_start3A_31 = tpu.memref_squeeze %dma_start3A_30 : memref<1x125xi32, #tpu.memory_space<vmem>> -> memref<125xi32, #tpu.memory_space<vmem>>
      %dma_start3A_32 = arith.constant 0 : i32
      %dma_start3A_33 = arith.constant 0 : i32
      %dma_start3A_34 = tpu.memref_slice %arg6[%dma_start3A_32, %dma_start3A_33] : memref<10000x16xf32, #tpu.memory_space<vmem_shared>> -> memref<10000x16xf32, #tpu.memory_space<vmem_shared>>
      tpu.enqueue_indirect_dma source(%dma_start3A_28 : memref<125x16xf32, #tpu.memory_space<vmem>>) target(%dma_start3A_34 : memref<10000x16xf32, #tpu.memory_space<vmem_shared>>) offsets(%dma_start3A_31 : memref<125xi32, #tpu.memory_space<vmem>>) semaphore(%arg9 : memref<!tpu.dma_semaphore, #tpu.memory_space<semaphore_mem>>) {add = true}
    }
    %scan3A_11 = arith.constant 40 : i32
    %mul3A_12 = arith.constant 5000 : i32
    %mul3A_13 = arith.muli %add3A, %mul3A_12 : i32
    %dma_wait3A = arith.constant 0 : i32
    %dma_wait3A_14 = tpu.memref_slice %arg2[%mul3A_13, %dma_wait3A] : memref<160000x16xf32, #tpu.memory_space<hbm>> -> memref<5000x16xf32, #tpu.memory_space<hbm>>
    %dma_wait3A_15 = arith.constant 0 : i32
    %dma_wait3A_16 = tpu.memref_slice %arg2[%mul3A_13, %dma_wait3A_15] : memref<160000x16xf32, #tpu.memory_space<hbm>> -> memref<5000x16xf32, #tpu.memory_space<hbm>>
    tpu.wait_dma2 semaphore(%arg9 : memref<!tpu.dma_semaphore, #tpu.memory_space<semaphore_mem>>) src(%dma_wait3A_16 : memref<5000x16xf32, #tpu.memory_space<hbm>>) dst(%arg8 : memref<5000x16xf32, #tpu.memory_space<vmem>>)
    %barrier3A_17 = arith.constant 0 : index
    tpu.barrier barrier_id(%barrier3A_17)
    %mul3A_18 = arith.constant 625 : i32
    %mul3A_19 = arith.muli %arg1, %mul3A_18 : i32
    %mul3A_20 = arith.constant 10000 : i32
    %mul3A_21 = arith.muli %arg0, %mul3A_20 : i32
    %mul3A_22 = arith.constant 625 : i32
    %mul3A_23 = arith.muli %arg1, %mul3A_22 : i32
    %add3A_24 = arith.addi %mul3A_21, %mul3A_23 : i32
    "tpu.region"() ({
      %run_scoped3A = tpu.sem_alloc : memref<!tpu.dma_semaphore, #tpu.memory_space<semaphore_mem>>
      %dma_start3A = arith.constant 0 : i32
      %dma_start3A_25 = tpu.memref_slice %arg5[%add3A_24, %dma_start3A] : memref<20000x16xf32, #tpu.memory_space<hbm>> -> memref<625x16xf32, #tpu.memory_space<hbm>>
      %dma_start3A_26 = arith.constant 0 : i32
      %dma_start3A_27 = tpu.memref_slice %arg6[%mul3A_19, %dma_start3A_26] : memref<10000x16xf32, #tpu.memory_space<vmem_shared>> -> memref<625x16xf32, #tpu.memory_space<vmem_shared>>
      tpu.enqueue_dma source(%dma_start3A_27 : memref<625x16xf32, #tpu.memory_space<vmem_shared>>) target(%dma_start3A_25 : memref<625x16xf32, #tpu.memory_space<hbm>>) target_semaphore(%run_scoped3A : memref<!tpu.dma_semaphore, #tpu.memory_space<semaphore_mem>>)
      %dma_wait3A_28 = arith.constant 0 : i32
      %dma_wait3A_29 = tpu.memref_slice %arg5[%add3A_24, %dma_wait3A_28] : memref<20000x16xf32, #tpu.memory_space<hbm>> -> memref<625x16xf32, #tpu.memory_space<hbm>>
      %dma_wait3A_30 = arith.constant 0 : i32
      %dma_wait3A_31 = tpu.memref_slice %arg6[%mul3A_19, %dma_wait3A_30] : memref<10000x16xf32, #tpu.memory_space<vmem_shared>> -> memref<625x16xf32, #tpu.memory_space<vmem_shared>>
      tpu.wait_dma2 semaphore(%run_scoped3A : memref<!tpu.dma_semaphore, #tpu.memory_space<semaphore_mem>>) src(%dma_wait3A_31 : memref<625x16xf32, #tpu.memory_space<vmem_shared>>) dst(%dma_wait3A_29 : memref<625x16xf32, #tpu.memory_space<hbm>>)
      tpu.yield
    }) : () -> ()
    return
  }
}

#map = affine_map<(d0, d1) -> (0, 0)>
module attributes {stable_mosaic.version = 14 : i64} {
  func.func @_sc_gather_body(%arg0: i32, %arg1: i32, %arg2: memref<10000x16xf32, #tpu.memory_space<hbm>>, %arg3: memref<1280x125xi32, #tpu.memory_space<hbm>>, %arg4: memref<160000x16xf32, #tpu.memory_space<hbm>>, %arg5: memref<40x125xi32, #tpu.memory_space<vmem>>, %arg6: memref<5000x16xf32, #tpu.memory_space<vmem>>, %arg7: memref<!tpu.dma_semaphore, #tpu.memory_space<semaphore_mem>>) attributes {dimension_semantics = [#tpu.dimension_semantics<core_parallel>, #tpu.dimension_semantics<subcore_parallel>], iteration_bounds = array<i64: 2, 16>, scalar_prefetch = 0 : i64, scratch_operands = 3 : i64, tpu.core_type = #tpu.core_type<sc_vector_subcore>, window_params = [{transform_indices = #map}, {transform_indices = #map}, {transform_indices = #map}]} {
    %mul3A = arith.constant 16 : i32
    %mul3A_0 = arith.muli %arg0, %mul3A : i32
    %add3A = arith.addi %mul3A_0, %arg1 : i32
    %mul3A_1 = arith.constant 40 : i32
    %mul3A_2 = arith.muli %add3A, %mul3A_1 : i32
    "tpu.region"() ({
      %run_scoped3A = tpu.sem_alloc : memref<!tpu.dma_semaphore, #tpu.memory_space<semaphore_mem>>
      %dma_start3A = arith.constant 0 : i32
      %dma_start3A_15 = tpu.memref_slice %arg3[%mul3A_2, %dma_start3A] : memref<1280x125xi32, #tpu.memory_space<hbm>> -> memref<40x125xi32, #tpu.memory_space<hbm>>
      %dma_start3A_16 = arith.constant 0 : i32
      %dma_start3A_17 = tpu.memref_slice %arg3[%mul3A_2, %dma_start3A_16] : memref<1280x125xi32, #tpu.memory_space<hbm>> -> memref<40x125xi32, #tpu.memory_space<hbm>>
      tpu.enqueue_dma source(%dma_start3A_17 : memref<40x125xi32, #tpu.memory_space<hbm>>) target(%arg5 : memref<40x125xi32, #tpu.memory_space<vmem>>) target_semaphore(%run_scoped3A : memref<!tpu.dma_semaphore, #tpu.memory_space<semaphore_mem>>)
      %dma_wait3A_18 = arith.constant 0 : i32
      %dma_wait3A_19 = tpu.memref_slice %arg3[%mul3A_2, %dma_wait3A_18] : memref<1280x125xi32, #tpu.memory_space<hbm>> -> memref<40x125xi32, #tpu.memory_space<hbm>>
      %dma_wait3A_20 = arith.constant 0 : i32
      %dma_wait3A_21 = tpu.memref_slice %arg3[%mul3A_2, %dma_wait3A_20] : memref<1280x125xi32, #tpu.memory_space<hbm>> -> memref<40x125xi32, #tpu.memory_space<hbm>>
      tpu.wait_dma2 semaphore(%run_scoped3A : memref<!tpu.dma_semaphore, #tpu.memory_space<semaphore_mem>>) src(%dma_wait3A_21 : memref<40x125xi32, #tpu.memory_space<hbm>>) dst(%arg5 : memref<40x125xi32, #tpu.memory_space<vmem>>)
      tpu.yield
    }) : () -> ()
    %scan3A = arith.constant 0 : i32
    %scan3A_3 = arith.constant 0 : i32
    %scan3A_4 = arith.constant 40 : i32
    %scan3A_5 = arith.addi %scan3A_3, %scan3A_4 : i32
    %scan3A_6 = arith.constant 1 : i32
    scf.for %scan3A_15 = %scan3A_3 to %scan3A_5 step %scan3A_6  : i32 {
      %mul3A_16 = arith.constant 125 : i32
      %mul3A_17 = arith.muli %scan3A_15, %mul3A_16 : i32
      %dma_start3A = arith.constant 0 : i32
      %dma_start3A_18 = tpu.memref_slice %arg6[%mul3A_17, %dma_start3A] : memref<5000x16xf32, #tpu.memory_space<vmem>> -> memref<125x16xf32, #tpu.memory_space<vmem>>
      %dma_start3A_19 = arith.constant 0 : i32
      %dma_start3A_20 = tpu.memref_slice %arg5[%scan3A_15, %dma_start3A_19] : memref<40x125xi32, #tpu.memory_space<vmem>> -> memref<1x125xi32, #tpu.memory_space<vmem>>
      %dma_start3A_21 = tpu.memref_squeeze %dma_start3A_20 : memref<1x125xi32, #tpu.memory_space<vmem>> -> memref<125xi32, #tpu.memory_space<vmem>>
      %dma_start3A_22 = arith.constant 0 : i32
      %dma_start3A_23 = arith.constant 0 : i32
      %dma_start3A_24 = tpu.memref_slice %arg2[%dma_start3A_22, %dma_start3A_23] : memref<10000x16xf32, #tpu.memory_space<hbm>> -> memref<10000x16xf32, #tpu.memory_space<hbm>>
      tpu.enqueue_indirect_dma source(%dma_start3A_24 : memref<10000x16xf32, #tpu.memory_space<hbm>>) target(%dma_start3A_18 : memref<125x16xf32, #tpu.memory_space<vmem>>) offsets(%dma_start3A_21 : memref<125xi32, #tpu.memory_space<vmem>>) semaphore(%arg7 : memref<!tpu.dma_semaphore, #tpu.memory_space<semaphore_mem>>)
    }
    %scan3A_7 = arith.constant 40 : i32
    %mul3A_8 = arith.constant 5000 : i32
    %mul3A_9 = arith.muli %add3A, %mul3A_8 : i32
    %dma_wait3A = arith.constant 0 : i32
    %dma_wait3A_10 = tpu.memref_slice %arg4[%mul3A_9, %dma_wait3A] : memref<160000x16xf32, #tpu.memory_space<hbm>> -> memref<5000x16xf32, #tpu.memory_space<hbm>>
    %dma_wait3A_11 = arith.constant 0 : i32
    %dma_wait3A_12 = tpu.memref_slice %arg4[%mul3A_9, %dma_wait3A_11] : memref<160000x16xf32, #tpu.memory_space<hbm>> -> memref<5000x16xf32, #tpu.memory_space<hbm>>
    tpu.wait_dma2 semaphore(%arg7 : memref<!tpu.dma_semaphore, #tpu.memory_space<semaphore_mem>>) src(%dma_wait3A_12 : memref<5000x16xf32, #tpu.memory_space<hbm>>) dst(%arg6 : memref<5000x16xf32, #tpu.memory_space<vmem>>)
    %mul3A_13 = arith.constant 5000 : i32
    %mul3A_14 = arith.muli %add3A, %mul3A_13 : i32
    "tpu.region"() ({
      %run_scoped3A = tpu.sem_alloc : memref<!tpu.dma_semaphore, #tpu.memory_space<semaphore_mem>>
      %dma_start3A = arith.constant 0 : i32
      %dma_start3A_15 = tpu.memref_slice %arg4[%mul3A_14, %dma_start3A] : memref<160000x16xf32, #tpu.memory_space<hbm>> -> memref<5000x16xf32, #tpu.memory_space<hbm>>
      %dma_start3A_16 = arith.constant 0 : i32
      %dma_start3A_17 = tpu.memref_slice %arg4[%mul3A_14, %dma_start3A_16] : memref<160000x16xf32, #tpu.memory_space<hbm>> -> memref<5000x16xf32, #tpu.memory_space<hbm>>
      tpu.enqueue_dma source(%arg6 : memref<5000x16xf32, #tpu.memory_space<vmem>>) target(%dma_start3A_17 : memref<5000x16xf32, #tpu.memory_space<hbm>>) target_semaphore(%run_scoped3A : memref<!tpu.dma_semaphore, #tpu.memory_space<semaphore_mem>>)
      %dma_wait3A_18 = arith.constant 0 : i32
      %dma_wait3A_19 = tpu.memref_slice %arg4[%mul3A_14, %dma_wait3A_18] : memref<160000x16xf32, #tpu.memory_space<hbm>> -> memref<5000x16xf32, #tpu.memory_space<hbm>>
      %dma_wait3A_20 = arith.constant 0 : i32
      %dma_wait3A_21 = tpu.memref_slice %arg4[%mul3A_14, %dma_wait3A_20] : memref<160000x16xf32, #tpu.memory_space<hbm>> -> memref<5000x16xf32, #tpu.memory_space<hbm>>
      tpu.wait_dma2 semaphore(%run_scoped3A : memref<!tpu.dma_semaphore, #tpu.memory_space<semaphore_mem>>) src(%arg6 : memref<5000x16xf32, #tpu.memory_space<vmem>>) dst(%dma_wait3A_21 : memref<5000x16xf32, #tpu.memory_space<hbm>>)
      tpu.yield
    }) : () -> ()
    return
  }
}

#map = affine_map<(d0, d1) -> (0, 0)>
module attributes {stable_mosaic.version = 14 : i64} {
  func.func @_sc_scatter_body(%arg0: i32, %arg1: i32, %arg2: memref<160000x16xf32, #tpu.memory_space<hbm>>, %arg3: memref<1280x125xi32, #tpu.memory_space<hbm>>, %arg4: memref<625x16xf32, #tpu.memory_space<hbm>>, %arg5: memref<20000x16xf32, #tpu.memory_space<hbm>>, %arg6: memref<10000x16xf32, #tpu.memory_space<vmem_shared>>, %arg7: memref<40x125xi32, #tpu.memory_space<vmem>>, %arg8: memref<5000x16xf32, #tpu.memory_space<vmem>>, %arg9: memref<!tpu.dma_semaphore, #tpu.memory_space<semaphore_mem>>) attributes {dimension_semantics = [#tpu.dimension_semantics<core_parallel>, #tpu.dimension_semantics<subcore_parallel>], iteration_bounds = array<i64: 2, 16>, scalar_prefetch = 0 : i64, scratch_operands = 4 : i64, tpu.core_type = #tpu.core_type<sc_vector_subcore>, window_params = [{transform_indices = #map}, {transform_indices = #map}, {transform_indices = #map}, {transform_indices = #map}]} {
    %mul3A = arith.constant 16 : i32
    %mul3A_0 = arith.muli %arg0, %mul3A : i32
    %add3A = arith.addi %mul3A_0, %arg1 : i32
    %mul3A_1 = arith.constant 625 : i32
    %mul3A_2 = arith.muli %arg1, %mul3A_1 : i32
    "tpu.region"() ({
      %run_scoped3A = tpu.sem_alloc : memref<!tpu.dma_semaphore, #tpu.memory_space<semaphore_mem>>
      %dma_start3A = arith.constant 0 : i32
      %dma_start3A_25 = tpu.memref_slice %arg6[%mul3A_2, %dma_start3A] : memref<10000x16xf32, #tpu.memory_space<vmem_shared>> -> memref<625x16xf32, #tpu.memory_space<vmem_shared>>
      tpu.enqueue_dma source(%arg4 : memref<625x16xf32, #tpu.memory_space<hbm>>) target(%dma_start3A_25 : memref<625x16xf32, #tpu.memory_space<vmem_shared>>) target_semaphore(%run_scoped3A : memref<!tpu.dma_semaphore, #tpu.memory_space<semaphore_mem>>)
      %dma_wait3A_26 = arith.constant 0 : i32
      %dma_wait3A_27 = tpu.memref_slice %arg6[%mul3A_2, %dma_wait3A_26] : memref<10000x16xf32, #tpu.memory_space<vmem_shared>> -> memref<625x16xf32, #tpu.memory_space<vmem_shared>>
      tpu.wait_dma2 semaphore(%run_scoped3A : memref<!tpu.dma_semaphore, #tpu.memory_space<semaphore_mem>>) src(%arg4 : memref<625x16xf32, #tpu.memory_space<hbm>>) dst(%dma_wait3A_27 : memref<625x16xf32, #tpu.memory_space<vmem_shared>>)
      tpu.yield
    }) : () -> ()
    %mul3A_3 = arith.constant 40 : i32
    %mul3A_4 = arith.muli %add3A, %mul3A_3 : i32
    "tpu.region"() ({
      %run_scoped3A = tpu.sem_alloc : memref<!tpu.dma_semaphore, #tpu.memory_space<semaphore_mem>>
      %dma_start3A = arith.constant 0 : i32
      %dma_start3A_25 = tpu.memref_slice %arg3[%mul3A_4, %dma_start3A] : memref<1280x125xi32, #tpu.memory_space<hbm>> -> memref<40x125xi32, #tpu.memory_space<hbm>>
      %dma_start3A_26 = arith.constant 0 : i32
      %dma_start3A_27 = tpu.memref_slice %arg3[%mul3A_4, %dma_start3A_26] : memref<1280x125xi32, #tpu.memory_space<hbm>> -> memref<40x125xi32, #tpu.memory_space<hbm>>
      tpu.enqueue_dma source(%dma_start3A_27 : memref<40x125xi32, #tpu.memory_space<hbm>>) target(%arg7 : memref<40x125xi32, #tpu.memory_space<vmem>>) target_semaphore(%run_scoped3A : memref<!tpu.dma_semaphore, #tpu.memory_space<semaphore_mem>>)
      %dma_wait3A_28 = arith.constant 0 : i32
      %dma_wait3A_29 = tpu.memref_slice %arg3[%mul3A_4, %dma_wait3A_28] : memref<1280x125xi32, #tpu.memory_space<hbm>> -> memref<40x125xi32, #tpu.memory_space<hbm>>
      %dma_wait3A_30 = arith.constant 0 : i32
      %dma_wait3A_31 = tpu.memref_slice %arg3[%mul3A_4, %dma_wait3A_30] : memref<1280x125xi32, #tpu.memory_space<hbm>> -> memref<40x125xi32, #tpu.memory_space<hbm>>
      tpu.wait_dma2 semaphore(%run_scoped3A : memref<!tpu.dma_semaphore, #tpu.memory_space<semaphore_mem>>) src(%dma_wait3A_31 : memref<40x125xi32, #tpu.memory_space<hbm>>) dst(%arg7 : memref<40x125xi32, #tpu.memory_space<vmem>>)
      tpu.yield
    }) : () -> ()
    %mul3A_5 = arith.constant 5000 : i32
    %mul3A_6 = arith.muli %add3A, %mul3A_5 : i32
    "tpu.region"() ({
      %run_scoped3A = tpu.sem_alloc : memref<!tpu.dma_semaphore, #tpu.memory_space<semaphore_mem>>
      %dma_start3A = arith.constant 0 : i32
      %dma_start3A_25 = tpu.memref_slice %arg2[%mul3A_6, %dma_start3A] : memref<160000x16xf32, #tpu.memory_space<hbm>> -> memref<5000x16xf32, #tpu.memory_space<hbm>>
      %dma_start3A_26 = arith.constant 0 : i32
      %dma_start3A_27 = tpu.memref_slice %arg2[%mul3A_6, %dma_start3A_26] : memref<160000x16xf32, #tpu.memory_space<hbm>> -> memref<5000x16xf32, #tpu.memory_space<hbm>>
      tpu.enqueue_dma source(%dma_start3A_27 : memref<5000x16xf32, #tpu.memory_space<hbm>>) target(%arg8 : memref<5000x16xf32, #tpu.memory_space<vmem>>) target_semaphore(%run_scoped3A : memref<!tpu.dma_semaphore, #tpu.memory_space<semaphore_mem>>)
      %dma_wait3A_28 = arith.constant 0 : i32
      %dma_wait3A_29 = tpu.memref_slice %arg2[%mul3A_6, %dma_wait3A_28] : memref<160000x16xf32, #tpu.memory_space<hbm>> -> memref<5000x16xf32, #tpu.memory_space<hbm>>
      %dma_wait3A_30 = arith.constant 0 : i32
      %dma_wait3A_31 = tpu.memref_slice %arg2[%mul3A_6, %dma_wait3A_30] : memref<160000x16xf32, #tpu.memory_space<hbm>> -> memref<5000x16xf32, #tpu.memory_space<hbm>>
      tpu.wait_dma2 semaphore(%run_scoped3A : memref<!tpu.dma_semaphore, #tpu.memory_space<semaphore_mem>>) src(%dma_wait3A_31 : memref<5000x16xf32, #tpu.memory_space<hbm>>) dst(%arg8 : memref<5000x16xf32, #tpu.memory_space<vmem>>)
      tpu.yield
    }) : () -> ()
    %barrier3A = arith.constant 0 : index
    tpu.barrier barrier_id(%barrier3A)
    %scan3A = arith.constant 0 : i32
    %scan3A_7 = arith.constant 0 : i32
    %scan3A_8 = arith.constant 40 : i32
    %scan3A_9 = arith.addi %scan3A_7, %scan3A_8 : i32
    %scan3A_10 = arith.constant 1 : i32
    scf.for %scan3A_25 = %scan3A_7 to %scan3A_9 step %scan3A_10  : i32 {
      %mul3A_26 = arith.constant 125 : i32
      %mul3A_27 = arith.muli %scan3A_25, %mul3A_26 : i32
      %dma_start3A = arith.constant 0 : i32
      %dma_start3A_28 = tpu.memref_slice %arg8[%mul3A_27, %dma_start3A] : memref<5000x16xf32, #tpu.memory_space<vmem>> -> memref<125x16xf32, #tpu.memory_space<vmem>>
      %dma_start3A_29 = arith.constant 0 : i32
      %dma_start3A_30 = tpu.memref_slice %arg7[%scan3A_25, %dma_start3A_29] : memref<40x125xi32, #tpu.memory_space<vmem>> -> memref<1x125xi32, #tpu.memory_space<vmem>>
      %dma_start3A_31 = tpu.memref_squeeze %dma_start3A_30 : memref<1x125xi32, #tpu.memory_space<vmem>> -> memref<125xi32, #tpu.memory_space<vmem>>
      %dma_start3A_32 = arith.constant 0 : i32
      %dma_start3A_33 = arith.constant 0 : i32
      %dma_start3A_34 = tpu.memref_slice %arg6[%dma_start3A_32, %dma_start3A_33] : memref<10000x16xf32, #tpu.memory_space<vmem_shared>> -> memref<10000x16xf32, #tpu.memory_space<vmem_shared>>
      tpu.enqueue_indirect_dma source(%dma_start3A_28 : memref<125x16xf32, #tpu.memory_space<vmem>>) target(%dma_start3A_34 : memref<10000x16xf32, #tpu.memory_space<vmem_shared>>) offsets(%dma_start3A_31 : memref<125xi32, #tpu.memory_space<vmem>>) semaphore(%arg9 : memref<!tpu.dma_semaphore, #tpu.memory_space<semaphore_mem>>) {add = true}
    }
    %scan3A_11 = arith.constant 40 : i32
    %mul3A_12 = arith.constant 5000 : i32
    %mul3A_13 = arith.muli %add3A, %mul3A_12 : i32
    %dma_wait3A = arith.constant 0 : i32
    %dma_wait3A_14 = tpu.memref_slice %arg2[%mul3A_13, %dma_wait3A] : memref<160000x16xf32, #tpu.memory_space<hbm>> -> memref<5000x16xf32, #tpu.memory_space<hbm>>
    %dma_wait3A_15 = arith.constant 0 : i32
    %dma_wait3A_16 = tpu.memref_slice %arg2[%mul3A_13, %dma_wait3A_15] : memref<160000x16xf32, #tpu.memory_space<hbm>> -> memref<5000x16xf32, #tpu.memory_space<hbm>>
    tpu.wait_dma2 semaphore(%arg9 : memref<!tpu.dma_semaphore, #tpu.memory_space<semaphore_mem>>) src(%dma_wait3A_16 : memref<5000x16xf32, #tpu.memory_space<hbm>>) dst(%arg8 : memref<5000x16xf32, #tpu.memory_space<vmem>>)
    %barrier3A_17 = arith.constant 0 : index
    tpu.barrier barrier_id(%barrier3A_17)
    %mul3A_18 = arith.constant 625 : i32
    %mul3A_19 = arith.muli %arg1, %mul3A_18 : i32
    %mul3A_20 = arith.constant 10000 : i32
    %mul3A_21 = arith.muli %arg0, %mul3A_20 : i32
    %mul3A_22 = arith.constant 625 : i32
    %mul3A_23 = arith.muli %arg1, %mul3A_22 : i32
    %add3A_24 = arith.addi %mul3A_21, %mul3A_23 : i32
    "tpu.region"() ({
      %run_scoped3A = tpu.sem_alloc : memref<!tpu.dma_semaphore, #tpu.memory_space<semaphore_mem>>
      %dma_start3A = arith.constant 0 : i32
      %dma_start3A_25 = tpu.memref_slice %arg5[%add3A_24, %dma_start3A] : memref<20000x16xf32, #tpu.memory_space<hbm>> -> memref<625x16xf32, #tpu.memory_space<hbm>>
      %dma_start3A_26 = arith.constant 0 : i32
      %dma_start3A_27 = tpu.memref_slice %arg6[%mul3A_19, %dma_start3A_26] : memref<10000x16xf32, #tpu.memory_space<vmem_shared>> -> memref<625x16xf32, #tpu.memory_space<vmem_shared>>
      tpu.enqueue_dma source(%dma_start3A_27 : memref<625x16xf32, #tpu.memory_space<vmem_shared>>) target(%dma_start3A_25 : memref<625x16xf32, #tpu.memory_space<hbm>>) target_semaphore(%run_scoped3A : memref<!tpu.dma_semaphore, #tpu.memory_space<semaphore_mem>>)
      %dma_wait3A_28 = arith.constant 0 : i32
      %dma_wait3A_29 = tpu.memref_slice %arg5[%add3A_24, %dma_wait3A_28] : memref<20000x16xf32, #tpu.memory_space<hbm>> -> memref<625x16xf32, #tpu.memory_space<hbm>>
      %dma_wait3A_30 = arith.constant 0 : i32
      %dma_wait3A_31 = tpu.memref_slice %arg6[%mul3A_19, %dma_wait3A_30] : memref<10000x16xf32, #tpu.memory_space<vmem_shared>> -> memref<625x16xf32, #tpu.memory_space<vmem_shared>>
      tpu.wait_dma2 semaphore(%run_scoped3A : memref<!tpu.dma_semaphore, #tpu.memory_space<semaphore_mem>>) src(%dma_wait3A_31 : memref<625x16xf32, #tpu.memory_space<vmem_shared>>) dst(%dma_wait3A_29 : memref<625x16xf32, #tpu.memory_space<hbm>>)
      tpu.yield
    }) : () -> ()
    return
  }
}

#map = affine_map<(d0, d1) -> (0, 0)>
module attributes {stable_mosaic.version = 14 : i64} {
  func.func @_sc_gather_body(%arg0: i32, %arg1: i32, %arg2: memref<10000x16xf32, #tpu.memory_space<hbm>>, %arg3: memref<1280x125xi32, #tpu.memory_space<hbm>>, %arg4: memref<160000x16xf32, #tpu.memory_space<hbm>>, %arg5: memref<40x125xi32, #tpu.memory_space<vmem>>, %arg6: memref<5000x16xf32, #tpu.memory_space<vmem>>, %arg7: memref<!tpu.dma_semaphore, #tpu.memory_space<semaphore_mem>>) attributes {dimension_semantics = [#tpu.dimension_semantics<core_parallel>, #tpu.dimension_semantics<subcore_parallel>], iteration_bounds = array<i64: 2, 16>, scalar_prefetch = 0 : i64, scratch_operands = 3 : i64, tpu.core_type = #tpu.core_type<sc_vector_subcore>, window_params = [{transform_indices = #map}, {transform_indices = #map}, {transform_indices = #map}]} {
    %mul3A = arith.constant 16 : i32
    %mul3A_0 = arith.muli %arg0, %mul3A : i32
    %add3A = arith.addi %mul3A_0, %arg1 : i32
    %mul3A_1 = arith.constant 40 : i32
    %mul3A_2 = arith.muli %add3A, %mul3A_1 : i32
    "tpu.region"() ({
      %run_scoped3A = tpu.sem_alloc : memref<!tpu.dma_semaphore, #tpu.memory_space<semaphore_mem>>
      %dma_start3A = arith.constant 0 : i32
      %dma_start3A_15 = tpu.memref_slice %arg3[%mul3A_2, %dma_start3A] : memref<1280x125xi32, #tpu.memory_space<hbm>> -> memref<40x125xi32, #tpu.memory_space<hbm>>
      %dma_start3A_16 = arith.constant 0 : i32
      %dma_start3A_17 = tpu.memref_slice %arg3[%mul3A_2, %dma_start3A_16] : memref<1280x125xi32, #tpu.memory_space<hbm>> -> memref<40x125xi32, #tpu.memory_space<hbm>>
      tpu.enqueue_dma source(%dma_start3A_17 : memref<40x125xi32, #tpu.memory_space<hbm>>) target(%arg5 : memref<40x125xi32, #tpu.memory_space<vmem>>) target_semaphore(%run_scoped3A : memref<!tpu.dma_semaphore, #tpu.memory_space<semaphore_mem>>)
      %dma_wait3A_18 = arith.constant 0 : i32
      %dma_wait3A_19 = tpu.memref_slice %arg3[%mul3A_2, %dma_wait3A_18] : memref<1280x125xi32, #tpu.memory_space<hbm>> -> memref<40x125xi32, #tpu.memory_space<hbm>>
      %dma_wait3A_20 = arith.constant 0 : i32
      %dma_wait3A_21 = tpu.memref_slice %arg3[%mul3A_2, %dma_wait3A_20] : memref<1280x125xi32, #tpu.memory_space<hbm>> -> memref<40x125xi32, #tpu.memory_space<hbm>>
      tpu.wait_dma2 semaphore(%run_scoped3A : memref<!tpu.dma_semaphore, #tpu.memory_space<semaphore_mem>>) src(%dma_wait3A_21 : memref<40x125xi32, #tpu.memory_space<hbm>>) dst(%arg5 : memref<40x125xi32, #tpu.memory_space<vmem>>)
      tpu.yield
    }) : () -> ()
    %scan3A = arith.constant 0 : i32
    %scan3A_3 = arith.constant 0 : i32
    %scan3A_4 = arith.constant 40 : i32
    %scan3A_5 = arith.addi %scan3A_3, %scan3A_4 : i32
    %scan3A_6 = arith.constant 1 : i32
    scf.for %scan3A_15 = %scan3A_3 to %scan3A_5 step %scan3A_6  : i32 {
      %mul3A_16 = arith.constant 125 : i32
      %mul3A_17 = arith.muli %scan3A_15, %mul3A_16 : i32
      %dma_start3A = arith.constant 0 : i32
      %dma_start3A_18 = tpu.memref_slice %arg6[%mul3A_17, %dma_start3A] : memref<5000x16xf32, #tpu.memory_space<vmem>> -> memref<125x16xf32, #tpu.memory_space<vmem>>
      %dma_start3A_19 = arith.constant 0 : i32
      %dma_start3A_20 = tpu.memref_slice %arg5[%scan3A_15, %dma_start3A_19] : memref<40x125xi32, #tpu.memory_space<vmem>> -> memref<1x125xi32, #tpu.memory_space<vmem>>
      %dma_start3A_21 = tpu.memref_squeeze %dma_start3A_20 : memref<1x125xi32, #tpu.memory_space<vmem>> -> memref<125xi32, #tpu.memory_space<vmem>>
      %dma_start3A_22 = arith.constant 0 : i32
      %dma_start3A_23 = arith.constant 0 : i32
      %dma_start3A_24 = tpu.memref_slice %arg2[%dma_start3A_22, %dma_start3A_23] : memref<10000x16xf32, #tpu.memory_space<hbm>> -> memref<10000x16xf32, #tpu.memory_space<hbm>>
      tpu.enqueue_indirect_dma source(%dma_start3A_24 : memref<10000x16xf32, #tpu.memory_space<hbm>>) target(%dma_start3A_18 : memref<125x16xf32, #tpu.memory_space<vmem>>) offsets(%dma_start3A_21 : memref<125xi32, #tpu.memory_space<vmem>>) semaphore(%arg7 : memref<!tpu.dma_semaphore, #tpu.memory_space<semaphore_mem>>)
    }
    %scan3A_7 = arith.constant 40 : i32
    %mul3A_8 = arith.constant 5000 : i32
    %mul3A_9 = arith.muli %add3A, %mul3A_8 : i32
    %dma_wait3A = arith.constant 0 : i32
    %dma_wait3A_10 = tpu.memref_slice %arg4[%mul3A_9, %dma_wait3A] : memref<160000x16xf32, #tpu.memory_space<hbm>> -> memref<5000x16xf32, #tpu.memory_space<hbm>>
    %dma_wait3A_11 = arith.constant 0 : i32
    %dma_wait3A_12 = tpu.memref_slice %arg4[%mul3A_9, %dma_wait3A_11] : memref<160000x16xf32, #tpu.memory_space<hbm>> -> memref<5000x16xf32, #tpu.memory_space<hbm>>
    tpu.wait_dma2 semaphore(%arg7 : memref<!tpu.dma_semaphore, #tpu.memory_space<semaphore_mem>>) src(%dma_wait3A_12 : memref<5000x16xf32, #tpu.memory_space<hbm>>) dst(%arg6 : memref<5000x16xf32, #tpu.memory_space<vmem>>)
    %mul3A_13 = arith.constant 5000 : i32
    %mul3A_14 = arith.muli %add3A, %mul3A_13 : i32
    "tpu.region"() ({
      %run_scoped3A = tpu.sem_alloc : memref<!tpu.dma_semaphore, #tpu.memory_space<semaphore_mem>>
      %dma_start3A = arith.constant 0 : i32
      %dma_start3A_15 = tpu.memref_slice %arg4[%mul3A_14, %dma_start3A] : memref<160000x16xf32, #tpu.memory_space<hbm>> -> memref<5000x16xf32, #tpu.memory_space<hbm>>
      %dma_start3A_16 = arith.constant 0 : i32
      %dma_start3A_17 = tpu.memref_slice %arg4[%mul3A_14, %dma_start3A_16] : memref<160000x16xf32, #tpu.memory_space<hbm>> -> memref<5000x16xf32, #tpu.memory_space<hbm>>
      tpu.enqueue_dma source(%arg6 : memref<5000x16xf32, #tpu.memory_space<vmem>>) target(%dma_start3A_17 : memref<5000x16xf32, #tpu.memory_space<hbm>>) target_semaphore(%run_scoped3A : memref<!tpu.dma_semaphore, #tpu.memory_space<semaphore_mem>>)
      %dma_wait3A_18 = arith.constant 0 : i32
      %dma_wait3A_19 = tpu.memref_slice %arg4[%mul3A_14, %dma_wait3A_18] : memref<160000x16xf32, #tpu.memory_space<hbm>> -> memref<5000x16xf32, #tpu.memory_space<hbm>>
      %dma_wait3A_20 = arith.constant 0 : i32
      %dma_wait3A_21 = tpu.memref_slice %arg4[%mul3A_14, %dma_wait3A_20] : memref<160000x16xf32, #tpu.memory_space<hbm>> -> memref<5000x16xf32, #tpu.memory_space<hbm>>
      tpu.wait_dma2 semaphore(%run_scoped3A : memref<!tpu.dma_semaphore, #tpu.memory_space<semaphore_mem>>) src(%arg6 : memref<5000x16xf32, #tpu.memory_space<vmem>>) dst(%dma_wait3A_21 : memref<5000x16xf32, #tpu.memory_space<hbm>>)
      tpu.yield
    }) : () -> ()
    return
  }
}

#map = affine_map<(d0, d1) -> (0, 0)>
module attributes {stable_mosaic.version = 14 : i64} {
  func.func @_sc_scatter_body(%arg0: i32, %arg1: i32, %arg2: memref<160000x16xf32, #tpu.memory_space<hbm>>, %arg3: memref<1280x125xi32, #tpu.memory_space<hbm>>, %arg4: memref<625x16xf32, #tpu.memory_space<hbm>>, %arg5: memref<20000x16xf32, #tpu.memory_space<hbm>>, %arg6: memref<10000x16xf32, #tpu.memory_space<vmem_shared>>, %arg7: memref<40x125xi32, #tpu.memory_space<vmem>>, %arg8: memref<5000x16xf32, #tpu.memory_space<vmem>>, %arg9: memref<!tpu.dma_semaphore, #tpu.memory_space<semaphore_mem>>) attributes {dimension_semantics = [#tpu.dimension_semantics<core_parallel>, #tpu.dimension_semantics<subcore_parallel>], iteration_bounds = array<i64: 2, 16>, scalar_prefetch = 0 : i64, scratch_operands = 4 : i64, tpu.core_type = #tpu.core_type<sc_vector_subcore>, window_params = [{transform_indices = #map}, {transform_indices = #map}, {transform_indices = #map}, {transform_indices = #map}]} {
    %mul3A = arith.constant 16 : i32
    %mul3A_0 = arith.muli %arg0, %mul3A : i32
    %add3A = arith.addi %mul3A_0, %arg1 : i32
    %mul3A_1 = arith.constant 625 : i32
    %mul3A_2 = arith.muli %arg1, %mul3A_1 : i32
    "tpu.region"() ({
      %run_scoped3A = tpu.sem_alloc : memref<!tpu.dma_semaphore, #tpu.memory_space<semaphore_mem>>
      %dma_start3A = arith.constant 0 : i32
      %dma_start3A_25 = tpu.memref_slice %arg6[%mul3A_2, %dma_start3A] : memref<10000x16xf32, #tpu.memory_space<vmem_shared>> -> memref<625x16xf32, #tpu.memory_space<vmem_shared>>
      tpu.enqueue_dma source(%arg4 : memref<625x16xf32, #tpu.memory_space<hbm>>) target(%dma_start3A_25 : memref<625x16xf32, #tpu.memory_space<vmem_shared>>) target_semaphore(%run_scoped3A : memref<!tpu.dma_semaphore, #tpu.memory_space<semaphore_mem>>)
      %dma_wait3A_26 = arith.constant 0 : i32
      %dma_wait3A_27 = tpu.memref_slice %arg6[%mul3A_2, %dma_wait3A_26] : memref<10000x16xf32, #tpu.memory_space<vmem_shared>> -> memref<625x16xf32, #tpu.memory_space<vmem_shared>>
      tpu.wait_dma2 semaphore(%run_scoped3A : memref<!tpu.dma_semaphore, #tpu.memory_space<semaphore_mem>>) src(%arg4 : memref<625x16xf32, #tpu.memory_space<hbm>>) dst(%dma_wait3A_27 : memref<625x16xf32, #tpu.memory_space<vmem_shared>>)
      tpu.yield
    }) : () -> ()
    %mul3A_3 = arith.constant 40 : i32
    %mul3A_4 = arith.muli %add3A, %mul3A_3 : i32
    "tpu.region"() ({
      %run_scoped3A = tpu.sem_alloc : memref<!tpu.dma_semaphore, #tpu.memory_space<semaphore_mem>>
      %dma_start3A = arith.constant 0 : i32
      %dma_start3A_25 = tpu.memref_slice %arg3[%mul3A_4, %dma_start3A] : memref<1280x125xi32, #tpu.memory_space<hbm>> -> memref<40x125xi32, #tpu.memory_space<hbm>>
      %dma_start3A_26 = arith.constant 0 : i32
      %dma_start3A_27 = tpu.memref_slice %arg3[%mul3A_4, %dma_start3A_26] : memref<1280x125xi32, #tpu.memory_space<hbm>> -> memref<40x125xi32, #tpu.memory_space<hbm>>
      tpu.enqueue_dma source(%dma_start3A_27 : memref<40x125xi32, #tpu.memory_space<hbm>>) target(%arg7 : memref<40x125xi32, #tpu.memory_space<vmem>>) target_semaphore(%run_scoped3A : memref<!tpu.dma_semaphore, #tpu.memory_space<semaphore_mem>>)
      %dma_wait3A_28 = arith.constant 0 : i32
      %dma_wait3A_29 = tpu.memref_slice %arg3[%mul3A_4, %dma_wait3A_28] : memref<1280x125xi32, #tpu.memory_space<hbm>> -> memref<40x125xi32, #tpu.memory_space<hbm>>
      %dma_wait3A_30 = arith.constant 0 : i32
      %dma_wait3A_31 = tpu.memref_slice %arg3[%mul3A_4, %dma_wait3A_30] : memref<1280x125xi32, #tpu.memory_space<hbm>> -> memref<40x125xi32, #tpu.memory_space<hbm>>
      tpu.wait_dma2 semaphore(%run_scoped3A : memref<!tpu.dma_semaphore, #tpu.memory_space<semaphore_mem>>) src(%dma_wait3A_31 : memref<40x125xi32, #tpu.memory_space<hbm>>) dst(%arg7 : memref<40x125xi32, #tpu.memory_space<vmem>>)
      tpu.yield
    }) : () -> ()
    %mul3A_5 = arith.constant 5000 : i32
    %mul3A_6 = arith.muli %add3A, %mul3A_5 : i32
    "tpu.region"() ({
      %run_scoped3A = tpu.sem_alloc : memref<!tpu.dma_semaphore, #tpu.memory_space<semaphore_mem>>
      %dma_start3A = arith.constant 0 : i32
      %dma_start3A_25 = tpu.memref_slice %arg2[%mul3A_6, %dma_start3A] : memref<160000x16xf32, #tpu.memory_space<hbm>> -> memref<5000x16xf32, #tpu.memory_space<hbm>>
      %dma_start3A_26 = arith.constant 0 : i32
      %dma_start3A_27 = tpu.memref_slice %arg2[%mul3A_6, %dma_start3A_26] : memref<160000x16xf32, #tpu.memory_space<hbm>> -> memref<5000x16xf32, #tpu.memory_space<hbm>>
      tpu.enqueue_dma source(%dma_start3A_27 : memref<5000x16xf32, #tpu.memory_space<hbm>>) target(%arg8 : memref<5000x16xf32, #tpu.memory_space<vmem>>) target_semaphore(%run_scoped3A : memref<!tpu.dma_semaphore, #tpu.memory_space<semaphore_mem>>)
      %dma_wait3A_28 = arith.constant 0 : i32
      %dma_wait3A_29 = tpu.memref_slice %arg2[%mul3A_6, %dma_wait3A_28] : memref<160000x16xf32, #tpu.memory_space<hbm>> -> memref<5000x16xf32, #tpu.memory_space<hbm>>
      %dma_wait3A_30 = arith.constant 0 : i32
      %dma_wait3A_31 = tpu.memref_slice %arg2[%mul3A_6, %dma_wait3A_30] : memref<160000x16xf32, #tpu.memory_space<hbm>> -> memref<5000x16xf32, #tpu.memory_space<hbm>>
      tpu.wait_dma2 semaphore(%run_scoped3A : memref<!tpu.dma_semaphore, #tpu.memory_space<semaphore_mem>>) src(%dma_wait3A_31 : memref<5000x16xf32, #tpu.memory_space<hbm>>) dst(%arg8 : memref<5000x16xf32, #tpu.memory_space<vmem>>)
      tpu.yield
    }) : () -> ()
    %barrier3A = arith.constant 0 : index
    tpu.barrier barrier_id(%barrier3A)
    %scan3A = arith.constant 0 : i32
    %scan3A_7 = arith.constant 0 : i32
    %scan3A_8 = arith.constant 40 : i32
    %scan3A_9 = arith.addi %scan3A_7, %scan3A_8 : i32
    %scan3A_10 = arith.constant 1 : i32
    scf.for %scan3A_25 = %scan3A_7 to %scan3A_9 step %scan3A_10  : i32 {
      %mul3A_26 = arith.constant 125 : i32
      %mul3A_27 = arith.muli %scan3A_25, %mul3A_26 : i32
      %dma_start3A = arith.constant 0 : i32
      %dma_start3A_28 = tpu.memref_slice %arg8[%mul3A_27, %dma_start3A] : memref<5000x16xf32, #tpu.memory_space<vmem>> -> memref<125x16xf32, #tpu.memory_space<vmem>>
      %dma_start3A_29 = arith.constant 0 : i32
      %dma_start3A_30 = tpu.memref_slice %arg7[%scan3A_25, %dma_start3A_29] : memref<40x125xi32, #tpu.memory_space<vmem>> -> memref<1x125xi32, #tpu.memory_space<vmem>>
      %dma_start3A_31 = tpu.memref_squeeze %dma_start3A_30 : memref<1x125xi32, #tpu.memory_space<vmem>> -> memref<125xi32, #tpu.memory_space<vmem>>
      %dma_start3A_32 = arith.constant 0 : i32
      %dma_start3A_33 = arith.constant 0 : i32
      %dma_start3A_34 = tpu.memref_slice %arg6[%dma_start3A_32, %dma_start3A_33] : memref<10000x16xf32, #tpu.memory_space<vmem_shared>> -> memref<10000x16xf32, #tpu.memory_space<vmem_shared>>
      tpu.enqueue_indirect_dma source(%dma_start3A_28 : memref<125x16xf32, #tpu.memory_space<vmem>>) target(%dma_start3A_34 : memref<10000x16xf32, #tpu.memory_space<vmem_shared>>) offsets(%dma_start3A_31 : memref<125xi32, #tpu.memory_space<vmem>>) semaphore(%arg9 : memref<!tpu.dma_semaphore, #tpu.memory_space<semaphore_mem>>) {add = true}
    }
    %scan3A_11 = arith.constant 40 : i32
    %mul3A_12 = arith.constant 5000 : i32
    %mul3A_13 = arith.muli %add3A, %mul3A_12 : i32
    %dma_wait3A = arith.constant 0 : i32
    %dma_wait3A_14 = tpu.memref_slice %arg2[%mul3A_13, %dma_wait3A] : memref<160000x16xf32, #tpu.memory_space<hbm>> -> memref<5000x16xf32, #tpu.memory_space<hbm>>
    %dma_wait3A_15 = arith.constant 0 : i32
    %dma_wait3A_16 = tpu.memref_slice %arg2[%mul3A_13, %dma_wait3A_15] : memref<160000x16xf32, #tpu.memory_space<hbm>> -> memref<5000x16xf32, #tpu.memory_space<hbm>>
    tpu.wait_dma2 semaphore(%arg9 : memref<!tpu.dma_semaphore, #tpu.memory_space<semaphore_mem>>) src(%dma_wait3A_16 : memref<5000x16xf32, #tpu.memory_space<hbm>>) dst(%arg8 : memref<5000x16xf32, #tpu.memory_space<vmem>>)
    %barrier3A_17 = arith.constant 0 : index
    tpu.barrier barrier_id(%barrier3A_17)
    %mul3A_18 = arith.constant 625 : i32
    %mul3A_19 = arith.muli %arg1, %mul3A_18 : i32
    %mul3A_20 = arith.constant 10000 : i32
    %mul3A_21 = arith.muli %arg0, %mul3A_20 : i32
    %mul3A_22 = arith.constant 625 : i32
    %mul3A_23 = arith.muli %arg1, %mul3A_22 : i32
    %add3A_24 = arith.addi %mul3A_21, %mul3A_23 : i32
    "tpu.region"() ({
      %run_scoped3A = tpu.sem_alloc : memref<!tpu.dma_semaphore, #tpu.memory_space<semaphore_mem>>
      %dma_start3A = arith.constant 0 : i32
      %dma_start3A_25 = tpu.memref_slice %arg5[%add3A_24, %dma_start3A] : memref<20000x16xf32, #tpu.memory_space<hbm>> -> memref<625x16xf32, #tpu.memory_space<hbm>>
      %dma_start3A_26 = arith.constant 0 : i32
      %dma_start3A_27 = tpu.memref_slice %arg6[%mul3A_19, %dma_start3A_26] : memref<10000x16xf32, #tpu.memory_space<vmem_shared>> -> memref<625x16xf32, #tpu.memory_space<vmem_shared>>
      tpu.enqueue_dma source(%dma_start3A_27 : memref<625x16xf32, #tpu.memory_space<vmem_shared>>) target(%dma_start3A_25 : memref<625x16xf32, #tpu.memory_space<hbm>>) target_semaphore(%run_scoped3A : memref<!tpu.dma_semaphore, #tpu.memory_space<semaphore_mem>>)
      %dma_wait3A_28 = arith.constant 0 : i32
      %dma_wait3A_29 = tpu.memref_slice %arg5[%add3A_24, %dma_wait3A_28] : memref<20000x16xf32, #tpu.memory_space<hbm>> -> memref<625x16xf32, #tpu.memory_space<hbm>>
      %dma_wait3A_30 = arith.constant 0 : i32
      %dma_wait3A_31 = tpu.memref_slice %arg6[%mul3A_19, %dma_wait3A_30] : memref<10000x16xf32, #tpu.memory_space<vmem_shared>> -> memref<625x16xf32, #tpu.memory_space<vmem_shared>>
      tpu.wait_dma2 semaphore(%run_scoped3A : memref<!tpu.dma_semaphore, #tpu.memory_space<semaphore_mem>>) src(%dma_wait3A_31 : memref<625x16xf32, #tpu.memory_space<vmem_shared>>) dst(%dma_wait3A_29 : memref<625x16xf32, #tpu.memory_space<hbm>>)
      tpu.yield
    }) : () -> ()
    return
  }
}

module attributes {stable_mosaic.version = 14 : i64} {
  func.func @_msg_body(%arg0: i32, %arg1: memref<2000x128xf32, #tpu.memory_space<vmem>>, %arg2: memref<2000x128xf32, #tpu.memory_space<vmem>>, %arg3: memref<128x2048xbf16, #tpu.memory_space<vmem>>, %arg4: memref<256x2048xbf16, #tpu.memory_space<vmem>>, %arg5: memref<1x2048xf32, #tpu.memory_space<vmem>>, %arg6: memref<256x2048xbf16, #tpu.memory_space<vmem>>, %arg7: memref<2000x128xf32, #tpu.memory_space<vmem>>) attributes {dimension_semantics = [#tpu.dimension_semantics<arbitrary>], iteration_bounds = array<i64: 10>, scalar_prefetch = 0 : i64, scratch_operands = 0 : i64, tpu.core_type = #tpu.core_type<tc>, window_params = [{transform_indices = @transform_0, window_bounds = array<i64: 2000, 128>}, {transform_indices = @transform_1, window_bounds = array<i64: 2000, 128>}, {pipeline_mode = #tpu.pipeline_mode<synchronous>, transform_indices = @transform_2, window_bounds = array<i64: 128, 2048>}, {pipeline_mode = #tpu.pipeline_mode<synchronous>, transform_indices = @transform_3, window_bounds = array<i64: 256, 2048>}, {pipeline_mode = #tpu.pipeline_mode<synchronous>, transform_indices = @transform_4, window_bounds = array<i64: 1, 2048>}, {pipeline_mode = #tpu.pipeline_mode<synchronous>, transform_indices = @transform_5, window_bounds = array<i64: 256, 2048>}, {transform_indices = @transform_6, window_bounds = array<i64: 2000, 128>}]} {
    %get3A = arith.constant 0 : index
    %get3A_0 = arith.constant 0 : index
    %get3A_1 = vector.load %arg1[%get3A, %get3A_0] : memref<2000x128xf32, #tpu.memory_space<vmem>>, vector<2000x128xf32>
    %convert_element_type3A = arith.truncf %get3A_1 : vector<2000x128xf32> to vector<2000x128xbf16>
    %convert_element_type3A_2 = arith.extf %convert_element_type3A : vector<2000x128xbf16> to vector<2000x128xf32>
    %sub3A = arith.subf %get3A_1, %convert_element_type3A_2 : vector<2000x128xf32>
    %convert_element_type3A_3 = arith.truncf %sub3A : vector<2000x128xf32> to vector<2000x128xbf16>
    %get3A_4 = arith.constant 0 : index
    %get3A_5 = arith.constant 0 : index
    %get3A_6 = vector.load %arg2[%get3A_4, %get3A_5] : memref<2000x128xf32, #tpu.memory_space<vmem>>, vector<2000x128xf32>
    %convert_element_type3A_7 = arith.truncf %get3A_6 : vector<2000x128xf32> to vector<2000x128xbf16>
    %convert_element_type3A_8 = arith.extf %convert_element_type3A_7 : vector<2000x128xbf16> to vector<2000x128xf32>
    %sub3A_9 = arith.subf %get3A_6, %convert_element_type3A_8 : vector<2000x128xf32>
    %convert_element_type3A_10 = arith.truncf %sub3A_9 : vector<2000x128xf32> to vector<2000x128xbf16>
    %concatenate3A = tpu.concatenate %convert_element_type3A, %convert_element_type3A_3 in 1 : vector<2000x128xbf16>, vector<2000x128xbf16> -> vector<2000x256xbf16>
    %concatenate3A_11 = tpu.concatenate %convert_element_type3A_7, %convert_element_type3A_10 in 1 : vector<2000x128xbf16>, vector<2000x128xbf16> -> vector<2000x256xbf16>
    %get3A_12 = arith.constant 0 : index
    %get3A_13 = arith.constant 0 : index
    %get3A_14 = vector.load %arg3[%get3A_12, %get3A_13] : memref<128x2048xbf16, #tpu.memory_space<vmem>>, vector<128x256xbf16>
    %dot_general3A = arith.constant dense<0.000000e+00> : vector<2000x256xf32>
    %dot_general3A_15 = tpu.matmul %convert_element_type3A, %get3A_14, %dot_general3A {dimension_numbers = #tpu.dot_dimension_numbers<[1], [0], [0], [1], [0, 0, 1, 1], [], []>, transpose_lhs_hint = false} : vector<2000x128xbf16>, vector<128x256xbf16>, vector<2000x256xf32> -> vector<2000x256xf32>
    %get3A_16 = arith.constant 0 : index
    %get3A_17 = arith.constant 0 : index
    %get3A_18 = vector.load %arg4[%get3A_16, %get3A_17] : memref<256x2048xbf16, #tpu.memory_space<vmem>>, vector<256x256xbf16>
    %dot_general3A_19 = arith.constant dense<0.000000e+00> : vector<2000x256xf32>
    %dot_general3A_20 = tpu.matmul %concatenate3A, %get3A_18, %dot_general3A_19 {dimension_numbers = #tpu.dot_dimension_numbers<[1], [0], [0], [1], [0, 0, 1, 1], [], []>, transpose_lhs_hint = false} : vector<2000x256xbf16>, vector<256x256xbf16>, vector<2000x256xf32> -> vector<2000x256xf32>
    %add3A = arith.addf %dot_general3A_15, %dot_general3A_20 : vector<2000x256xf32>
    %get3A_21 = arith.constant 0 : index
    %get3A_22 = arith.constant 0 : index
    %get3A_23 = vector.load %arg5[%get3A_21, %get3A_22] : memref<1x2048xf32, #tpu.memory_space<vmem>>, vector<1x256xf32>
    %add3A_24 = vector.broadcast %get3A_23 : vector<1x256xf32> to vector<2000x256xf32>
    %add3A_25 = arith.addf %add3A, %add3A_24 : vector<2000x256xf32>
    %tanh3A = math.tanh %add3A_25 : vector<2000x256xf32>
    %get3A_26 = arith.constant 0 : index
    %get3A_27 = arith.constant 0 : index
    %get3A_28 = vector.load %arg6[%get3A_26, %get3A_27] : memref<256x2048xbf16, #tpu.memory_space<vmem>>, vector<256x256xbf16>
    %dot_general3A_29 = arith.constant dense<0.000000e+00> : vector<2000x256xf32>
    %dot_general3A_30 = tpu.matmul %concatenate3A_11, %get3A_28, %dot_general3A_29 {dimension_numbers = #tpu.dot_dimension_numbers<[1], [0], [0], [1], [0, 0, 1, 1], [], []>, transpose_lhs_hint = false} : vector<2000x256xbf16>, vector<256x256xbf16>, vector<2000x256xf32> -> vector<2000x256xf32>
    %mul3A = arith.mulf %tanh3A, %dot_general3A_30 : vector<2000x256xf32>
    %slice3A = vector.extract_strided_slice %mul3A {offsets = [0, 0], sizes = [2000, 128], strides = [1, 1]} : vector<2000x256xf32> to vector<2000x128xf32>
    %slice3A_31 = vector.extract_strided_slice %mul3A {offsets = [0, 128], sizes = [2000, 128], strides = [1, 1]} : vector<2000x256xf32> to vector<2000x128xf32>
    %add3A_32 = arith.addf %slice3A, %slice3A_31 : vector<2000x128xf32>
    %get3A_33 = arith.constant 0 : index
    %get3A_34 = arith.constant 256 : index
    %get3A_35 = vector.load %arg3[%get3A_33, %get3A_34] : memref<128x2048xbf16, #tpu.memory_space<vmem>>, vector<128x256xbf16>
    %dot_general3A_36 = arith.constant dense<0.000000e+00> : vector<2000x256xf32>
    %dot_general3A_37 = tpu.matmul %convert_element_type3A, %get3A_35, %dot_general3A_36 {dimension_numbers = #tpu.dot_dimension_numbers<[1], [0], [0], [1], [0, 0, 1, 1], [], []>, transpose_lhs_hint = false} : vector<2000x128xbf16>, vector<128x256xbf16>, vector<2000x256xf32> -> vector<2000x256xf32>
    %get3A_38 = arith.constant 0 : index
    %get3A_39 = arith.constant 256 : index
    %get3A_40 = vector.load %arg4[%get3A_38, %get3A_39] : memref<256x2048xbf16, #tpu.memory_space<vmem>>, vector<256x256xbf16>
    %dot_general3A_41 = arith.constant dense<0.000000e+00> : vector<2000x256xf32>
    %dot_general3A_42 = tpu.matmul %concatenate3A, %get3A_40, %dot_general3A_41 {dimension_numbers = #tpu.dot_dimension_numbers<[1], [0], [0], [1], [0, 0, 1, 1], [], []>, transpose_lhs_hint = false} : vector<2000x256xbf16>, vector<256x256xbf16>, vector<2000x256xf32> -> vector<2000x256xf32>
    %add3A_43 = arith.addf %dot_general3A_37, %dot_general3A_42 : vector<2000x256xf32>
    %get3A_44 = arith.constant 0 : index
    %get3A_45 = arith.constant 256 : index
    %get3A_46 = vector.load %arg5[%get3A_44, %get3A_45] : memref<1x2048xf32, #tpu.memory_space<vmem>>, vector<1x256xf32>
    %add3A_47 = vector.broadcast %get3A_46 : vector<1x256xf32> to vector<2000x256xf32>
    %add3A_48 = arith.addf %add3A_43, %add3A_47 : vector<2000x256xf32>
    %tanh3A_49 = math.tanh %add3A_48 : vector<2000x256xf32>
    %get3A_50 = arith.constant 0 : index
    %get3A_51 = arith.constant 256 : index
    %get3A_52 = vector.load %arg6[%get3A_50, %get3A_51] : memref<256x2048xbf16, #tpu.memory_space<vmem>>, vector<256x256xbf16>
    %dot_general3A_53 = arith.constant dense<0.000000e+00> : vector<2000x256xf32>
    %dot_general3A_54 = tpu.matmul %concatenate3A_11, %get3A_52, %dot_general3A_53 {dimension_numbers = #tpu.dot_dimension_numbers<[1], [0], [0], [1], [0, 0, 1, 1], [], []>, transpose_lhs_hint = false} : vector<2000x256xbf16>, vector<256x256xbf16>, vector<2000x256xf32> -> vector<2000x256xf32>
    %mul3A_55 = arith.mulf %tanh3A_49, %dot_general3A_54 : vector<2000x256xf32>
    %slice3A_56 = vector.extract_strided_slice %mul3A_55 {offsets = [0, 0], sizes = [2000, 128], strides = [1, 1]} : vector<2000x256xf32> to vector<2000x128xf32>
    %slice3A_57 = vector.extract_strided_slice %mul3A_55 {offsets = [0, 128], sizes = [2000, 128], strides = [1, 1]} : vector<2000x256xf32> to vector<2000x128xf32>
    %add3A_58 = arith.addf %slice3A_56, %slice3A_57 : vector<2000x128xf32>
    %add3A_59 = arith.addf %add3A_32, %add3A_58 : vector<2000x128xf32>
    %get3A_60 = arith.constant 0 : index
    %get3A_61 = arith.constant 512 : index
    %get3A_62 = vector.load %arg3[%get3A_60, %get3A_61] : memref<128x2048xbf16, #tpu.memory_space<vmem>>, vector<128x256xbf16>
    %dot_general3A_63 = arith.constant dense<0.000000e+00> : vector<2000x256xf32>
    %dot_general3A_64 = tpu.matmul %convert_element_type3A, %get3A_62, %dot_general3A_63 {dimension_numbers = #tpu.dot_dimension_numbers<[1], [0], [0], [1], [0, 0, 1, 1], [], []>, transpose_lhs_hint = false} : vector<2000x128xbf16>, vector<128x256xbf16>, vector<2000x256xf32> -> vector<2000x256xf32>
    %get3A_65 = arith.constant 0 : index
    %get3A_66 = arith.constant 512 : index
    %get3A_67 = vector.load %arg4[%get3A_65, %get3A_66] : memref<256x2048xbf16, #tpu.memory_space<vmem>>, vector<256x256xbf16>
    %dot_general3A_68 = arith.constant dense<0.000000e+00> : vector<2000x256xf32>
    %dot_general3A_69 = tpu.matmul %concatenate3A, %get3A_67, %dot_general3A_68 {dimension_numbers = #tpu.dot_dimension_numbers<[1], [0], [0], [1], [0, 0, 1, 1], [], []>, transpose_lhs_hint = false} : vector<2000x256xbf16>, vector<256x256xbf16>, vector<2000x256xf32> -> vector<2000x256xf32>
    %add3A_70 = arith.addf %dot_general3A_64, %dot_general3A_69 : vector<2000x256xf32>
    %get3A_71 = arith.constant 0 : index
    %get3A_72 = arith.constant 512 : index
    %get3A_73 = vector.load %arg5[%get3A_71, %get3A_72] : memref<1x2048xf32, #tpu.memory_space<vmem>>, vector<1x256xf32>
    %add3A_74 = vector.broadcast %get3A_73 : vector<1x256xf32> to vector<2000x256xf32>
    %add3A_75 = arith.addf %add3A_70, %add3A_74 : vector<2000x256xf32>
    %tanh3A_76 = math.tanh %add3A_75 : vector<2000x256xf32>
    %get3A_77 = arith.constant 0 : index
    %get3A_78 = arith.constant 512 : index
    %get3A_79 = vector.load %arg6[%get3A_77, %get3A_78] : memref<256x2048xbf16, #tpu.memory_space<vmem>>, vector<256x256xbf16>
    %dot_general3A_80 = arith.constant dense<0.000000e+00> : vector<2000x256xf32>
    %dot_general3A_81 = tpu.matmul %concatenate3A_11, %get3A_79, %dot_general3A_80 {dimension_numbers = #tpu.dot_dimension_numbers<[1], [0], [0], [1], [0, 0, 1, 1], [], []>, transpose_lhs_hint = false} : vector<2000x256xbf16>, vector<256x256xbf16>, vector<2000x256xf32> -> vector<2000x256xf32>
    %mul3A_82 = arith.mulf %tanh3A_76, %dot_general3A_81 : vector<2000x256xf32>
    %slice3A_83 = vector.extract_strided_slice %mul3A_82 {offsets = [0, 0], sizes = [2000, 128], strides = [1, 1]} : vector<2000x256xf32> to vector<2000x128xf32>
    %slice3A_84 = vector.extract_strided_slice %mul3A_82 {offsets = [0, 128], sizes = [2000, 128], strides = [1, 1]} : vector<2000x256xf32> to vector<2000x128xf32>
    %add3A_85 = arith.addf %slice3A_83, %slice3A_84 : vector<2000x128xf32>
    %add3A_86 = arith.addf %add3A_59, %add3A_85 : vector<2000x128xf32>
    %get3A_87 = arith.constant 0 : index
    %get3A_88 = arith.constant 768 : index
    %get3A_89 = vector.load %arg3[%get3A_87, %get3A_88] : memref<128x2048xbf16, #tpu.memory_space<vmem>>, vector<128x256xbf16>
    %dot_general3A_90 = arith.constant dense<0.000000e+00> : vector<2000x256xf32>
    %dot_general3A_91 = tpu.matmul %convert_element_type3A, %get3A_89, %dot_general3A_90 {dimension_numbers = #tpu.dot_dimension_numbers<[1], [0], [0], [1], [0, 0, 1, 1], [], []>, transpose_lhs_hint = false} : vector<2000x128xbf16>, vector<128x256xbf16>, vector<2000x256xf32> -> vector<2000x256xf32>
    %get3A_92 = arith.constant 0 : index
    %get3A_93 = arith.constant 768 : index
    %get3A_94 = vector.load %arg4[%get3A_92, %get3A_93] : memref<256x2048xbf16, #tpu.memory_space<vmem>>, vector<256x256xbf16>
    %dot_general3A_95 = arith.constant dense<0.000000e+00> : vector<2000x256xf32>
    %dot_general3A_96 = tpu.matmul %concatenate3A, %get3A_94, %dot_general3A_95 {dimension_numbers = #tpu.dot_dimension_numbers<[1], [0], [0], [1], [0, 0, 1, 1], [], []>, transpose_lhs_hint = false} : vector<2000x256xbf16>, vector<256x256xbf16>, vector<2000x256xf32> -> vector<2000x256xf32>
    %add3A_97 = arith.addf %dot_general3A_91, %dot_general3A_96 : vector<2000x256xf32>
    %get3A_98 = arith.constant 0 : index
    %get3A_99 = arith.constant 768 : index
    %get3A_100 = vector.load %arg5[%get3A_98, %get3A_99] : memref<1x2048xf32, #tpu.memory_space<vmem>>, vector<1x256xf32>
    %add3A_101 = vector.broadcast %get3A_100 : vector<1x256xf32> to vector<2000x256xf32>
    %add3A_102 = arith.addf %add3A_97, %add3A_101 : vector<2000x256xf32>
    %tanh3A_103 = math.tanh %add3A_102 : vector<2000x256xf32>
    %get3A_104 = arith.constant 0 : index
    %get3A_105 = arith.constant 768 : index
    %get3A_106 = vector.load %arg6[%get3A_104, %get3A_105] : memref<256x2048xbf16, #tpu.memory_space<vmem>>, vector<256x256xbf16>
    %dot_general3A_107 = arith.constant dense<0.000000e+00> : vector<2000x256xf32>
    %dot_general3A_108 = tpu.matmul %concatenate3A_11, %get3A_106, %dot_general3A_107 {dimension_numbers = #tpu.dot_dimension_numbers<[1], [0], [0], [1], [0, 0, 1, 1], [], []>, transpose_lhs_hint = false} : vector<2000x256xbf16>, vector<256x256xbf16>, vector<2000x256xf32> -> vector<2000x256xf32>
    %mul3A_109 = arith.mulf %tanh3A_103, %dot_general3A_108 : vector<2000x256xf32>
    %slice3A_110 = vector.extract_strided_slice %mul3A_109 {offsets = [0, 0], sizes = [2000, 128], strides = [1, 1]} : vector<2000x256xf32> to vector<2000x128xf32>
    %slice3A_111 = vector.extract_strided_slice %mul3A_109 {offsets = [0, 128], sizes = [2000, 128], strides = [1, 1]} : vector<2000x256xf32> to vector<2000x128xf32>
    %add3A_112 = arith.addf %slice3A_110, %slice3A_111 : vector<2000x128xf32>
    %add3A_113 = arith.addf %add3A_86, %add3A_112 : vector<2000x128xf32>
    %get3A_114 = arith.constant 0 : index
    %get3A_115 = arith.constant 1024 : index
    %get3A_116 = vector.load %arg3[%get3A_114, %get3A_115] : memref<128x2048xbf16, #tpu.memory_space<vmem>>, vector<128x256xbf16>
    %dot_general3A_117 = arith.constant dense<0.000000e+00> : vector<2000x256xf32>
    %dot_general3A_118 = tpu.matmul %convert_element_type3A, %get3A_116, %dot_general3A_117 {dimension_numbers = #tpu.dot_dimension_numbers<[1], [0], [0], [1], [0, 0, 1, 1], [], []>, transpose_lhs_hint = false} : vector<2000x128xbf16>, vector<128x256xbf16>, vector<2000x256xf32> -> vector<2000x256xf32>
    %get3A_119 = arith.constant 0 : index
    %get3A_120 = arith.constant 1024 : index
    %get3A_121 = vector.load %arg4[%get3A_119, %get3A_120] : memref<256x2048xbf16, #tpu.memory_space<vmem>>, vector<256x256xbf16>
    %dot_general3A_122 = arith.constant dense<0.000000e+00> : vector<2000x256xf32>
    %dot_general3A_123 = tpu.matmul %concatenate3A, %get3A_121, %dot_general3A_122 {dimension_numbers = #tpu.dot_dimension_numbers<[1], [0], [0], [1], [0, 0, 1, 1], [], []>, transpose_lhs_hint = false} : vector<2000x256xbf16>, vector<256x256xbf16>, vector<2000x256xf32> -> vector<2000x256xf32>
    %add3A_124 = arith.addf %dot_general3A_118, %dot_general3A_123 : vector<2000x256xf32>
    %get3A_125 = arith.constant 0 : index
    %get3A_126 = arith.constant 1024 : index
    %get3A_127 = vector.load %arg5[%get3A_125, %get3A_126] : memref<1x2048xf32, #tpu.memory_space<vmem>>, vector<1x256xf32>
    %add3A_128 = vector.broadcast %get3A_127 : vector<1x256xf32> to vector<2000x256xf32>
    %add3A_129 = arith.addf %add3A_124, %add3A_128 : vector<2000x256xf32>
    %tanh3A_130 = math.tanh %add3A_129 : vector<2000x256xf32>
    %get3A_131 = arith.constant 0 : index
    %get3A_132 = arith.constant 1024 : index
    %get3A_133 = vector.load %arg6[%get3A_131, %get3A_132] : memref<256x2048xbf16, #tpu.memory_space<vmem>>, vector<256x256xbf16>
    %dot_general3A_134 = arith.constant dense<0.000000e+00> : vector<2000x256xf32>
    %dot_general3A_135 = tpu.matmul %concatenate3A_11, %get3A_133, %dot_general3A_134 {dimension_numbers = #tpu.dot_dimension_numbers<[1], [0], [0], [1], [0, 0, 1, 1], [], []>, transpose_lhs_hint = false} : vector<2000x256xbf16>, vector<256x256xbf16>, vector<2000x256xf32> -> vector<2000x256xf32>
    %mul3A_136 = arith.mulf %tanh3A_130, %dot_general3A_135 : vector<2000x256xf32>
    %slice3A_137 = vector.extract_strided_slice %mul3A_136 {offsets = [0, 0], sizes = [2000, 128], strides = [1, 1]} : vector<2000x256xf32> to vector<2000x128xf32>
    %slice3A_138 = vector.extract_strided_slice %mul3A_136 {offsets = [0, 128], sizes = [2000, 128], strides = [1, 1]} : vector<2000x256xf32> to vector<2000x128xf32>
    %add3A_139 = arith.addf %slice3A_137, %slice3A_138 : vector<2000x128xf32>
    %add3A_140 = arith.addf %add3A_113, %add3A_139 : vector<2000x128xf32>
    %get3A_141 = arith.constant 0 : index
    %get3A_142 = arith.constant 1280 : index
    %get3A_143 = vector.load %arg3[%get3A_141, %get3A_142] : memref<128x2048xbf16, #tpu.memory_space<vmem>>, vector<128x256xbf16>
    %dot_general3A_144 = arith.constant dense<0.000000e+00> : vector<2000x256xf32>
    %dot_general3A_145 = tpu.matmul %convert_element_type3A, %get3A_143, %dot_general3A_144 {dimension_numbers = #tpu.dot_dimension_numbers<[1], [0], [0], [1], [0, 0, 1, 1], [], []>, transpose_lhs_hint = false} : vector<2000x128xbf16>, vector<128x256xbf16>, vector<2000x256xf32> -> vector<2000x256xf32>
    %get3A_146 = arith.constant 0 : index
    %get3A_147 = arith.constant 1280 : index
    %get3A_148 = vector.load %arg4[%get3A_146, %get3A_147] : memref<256x2048xbf16, #tpu.memory_space<vmem>>, vector<256x256xbf16>
    %dot_general3A_149 = arith.constant dense<0.000000e+00> : vector<2000x256xf32>
    %dot_general3A_150 = tpu.matmul %concatenate3A, %get3A_148, %dot_general3A_149 {dimension_numbers = #tpu.dot_dimension_numbers<[1], [0], [0], [1], [0, 0, 1, 1], [], []>, transpose_lhs_hint = false} : vector<2000x256xbf16>, vector<256x256xbf16>, vector<2000x256xf32> -> vector<2000x256xf32>
    %add3A_151 = arith.addf %dot_general3A_145, %dot_general3A_150 : vector<2000x256xf32>
    %get3A_152 = arith.constant 0 : index
    %get3A_153 = arith.constant 1280 : index
    %get3A_154 = vector.load %arg5[%get3A_152, %get3A_153] : memref<1x2048xf32, #tpu.memory_space<vmem>>, vector<1x256xf32>
    %add3A_155 = vector.broadcast %get3A_154 : vector<1x256xf32> to vector<2000x256xf32>
    %add3A_156 = arith.addf %add3A_151, %add3A_155 : vector<2000x256xf32>
    %tanh3A_157 = math.tanh %add3A_156 : vector<2000x256xf32>
    %get3A_158 = arith.constant 0 : index
    %get3A_159 = arith.constant 1280 : index
    %get3A_160 = vector.load %arg6[%get3A_158, %get3A_159] : memref<256x2048xbf16, #tpu.memory_space<vmem>>, vector<256x256xbf16>
    %dot_general3A_161 = arith.constant dense<0.000000e+00> : vector<2000x256xf32>
    %dot_general3A_162 = tpu.matmul %concatenate3A_11, %get3A_160, %dot_general3A_161 {dimension_numbers = #tpu.dot_dimension_numbers<[1], [0], [0], [1], [0, 0, 1, 1], [], []>, transpose_lhs_hint = false} : vector<2000x256xbf16>, vector<256x256xbf16>, vector<2000x256xf32> -> vector<2000x256xf32>
    %mul3A_163 = arith.mulf %tanh3A_157, %dot_general3A_162 : vector<2000x256xf32>
    %slice3A_164 = vector.extract_strided_slice %mul3A_163 {offsets = [0, 0], sizes = [2000, 128], strides = [1, 1]} : vector<2000x256xf32> to vector<2000x128xf32>
    %slice3A_165 = vector.extract_strided_slice %mul3A_163 {offsets = [0, 128], sizes = [2000, 128], strides = [1, 1]} : vector<2000x256xf32> to vector<2000x128xf32>
    %add3A_166 = arith.addf %slice3A_164, %slice3A_165 : vector<2000x128xf32>
    %add3A_167 = arith.addf %add3A_140, %add3A_166 : vector<2000x128xf32>
    %get3A_168 = arith.constant 0 : index
    %get3A_169 = arith.constant 1536 : index
    %get3A_170 = vector.load %arg3[%get3A_168, %get3A_169] : memref<128x2048xbf16, #tpu.memory_space<vmem>>, vector<128x256xbf16>
    %dot_general3A_171 = arith.constant dense<0.000000e+00> : vector<2000x256xf32>
    %dot_general3A_172 = tpu.matmul %convert_element_type3A, %get3A_170, %dot_general3A_171 {dimension_numbers = #tpu.dot_dimension_numbers<[1], [0], [0], [1], [0, 0, 1, 1], [], []>, transpose_lhs_hint = false} : vector<2000x128xbf16>, vector<128x256xbf16>, vector<2000x256xf32> -> vector<2000x256xf32>
    %get3A_173 = arith.constant 0 : index
    %get3A_174 = arith.constant 1536 : index
    %get3A_175 = vector.load %arg4[%get3A_173, %get3A_174] : memref<256x2048xbf16, #tpu.memory_space<vmem>>, vector<256x256xbf16>
    %dot_general3A_176 = arith.constant dense<0.000000e+00> : vector<2000x256xf32>
    %dot_general3A_177 = tpu.matmul %concatenate3A, %get3A_175, %dot_general3A_176 {dimension_numbers = #tpu.dot_dimension_numbers<[1], [0], [0], [1], [0, 0, 1, 1], [], []>, transpose_lhs_hint = false} : vector<2000x256xbf16>, vector<256x256xbf16>, vector<2000x256xf32> -> vector<2000x256xf32>
    %add3A_178 = arith.addf %dot_general3A_172, %dot_general3A_177 : vector<2000x256xf32>
    %get3A_179 = arith.constant 0 : index
    %get3A_180 = arith.constant 1536 : index
    %get3A_181 = vector.load %arg5[%get3A_179, %get3A_180] : memref<1x2048xf32, #tpu.memory_space<vmem>>, vector<1x256xf32>
    %add3A_182 = vector.broadcast %get3A_181 : vector<1x256xf32> to vector<2000x256xf32>
    %add3A_183 = arith.addf %add3A_178, %add3A_182 : vector<2000x256xf32>
    %tanh3A_184 = math.tanh %add3A_183 : vector<2000x256xf32>
    %get3A_185 = arith.constant 0 : index
    %get3A_186 = arith.constant 1536 : index
    %get3A_187 = vector.load %arg6[%get3A_185, %get3A_186] : memref<256x2048xbf16, #tpu.memory_space<vmem>>, vector<256x256xbf16>
    %dot_general3A_188 = arith.constant dense<0.000000e+00> : vector<2000x256xf32>
    %dot_general3A_189 = tpu.matmul %concatenate3A_11, %get3A_187, %dot_general3A_188 {dimension_numbers = #tpu.dot_dimension_numbers<[1], [0], [0], [1], [0, 0, 1, 1], [], []>, transpose_lhs_hint = false} : vector<2000x256xbf16>, vector<256x256xbf16>, vector<2000x256xf32> -> vector<2000x256xf32>
    %mul3A_190 = arith.mulf %tanh3A_184, %dot_general3A_189 : vector<2000x256xf32>
    %slice3A_191 = vector.extract_strided_slice %mul3A_190 {offsets = [0, 0], sizes = [2000, 128], strides = [1, 1]} : vector<2000x256xf32> to vector<2000x128xf32>
    %slice3A_192 = vector.extract_strided_slice %mul3A_190 {offsets = [0, 128], sizes = [2000, 128], strides = [1, 1]} : vector<2000x256xf32> to vector<2000x128xf32>
    %add3A_193 = arith.addf %slice3A_191, %slice3A_192 : vector<2000x128xf32>
    %add3A_194 = arith.addf %add3A_167, %add3A_193 : vector<2000x128xf32>
    %get3A_195 = arith.constant 0 : index
    %get3A_196 = arith.constant 1792 : index
    %get3A_197 = vector.load %arg3[%get3A_195, %get3A_196] : memref<128x2048xbf16, #tpu.memory_space<vmem>>, vector<128x256xbf16>
    %dot_general3A_198 = arith.constant dense<0.000000e+00> : vector<2000x256xf32>
    %dot_general3A_199 = tpu.matmul %convert_element_type3A, %get3A_197, %dot_general3A_198 {dimension_numbers = #tpu.dot_dimension_numbers<[1], [0], [0], [1], [0, 0, 1, 1], [], []>, transpose_lhs_hint = false} : vector<2000x128xbf16>, vector<128x256xbf16>, vector<2000x256xf32> -> vector<2000x256xf32>
    %get3A_200 = arith.constant 0 : index
    %get3A_201 = arith.constant 1792 : index
    %get3A_202 = vector.load %arg4[%get3A_200, %get3A_201] : memref<256x2048xbf16, #tpu.memory_space<vmem>>, vector<256x256xbf16>
    %dot_general3A_203 = arith.constant dense<0.000000e+00> : vector<2000x256xf32>
    %dot_general3A_204 = tpu.matmul %concatenate3A, %get3A_202, %dot_general3A_203 {dimension_numbers = #tpu.dot_dimension_numbers<[1], [0], [0], [1], [0, 0, 1, 1], [], []>, transpose_lhs_hint = false} : vector<2000x256xbf16>, vector<256x256xbf16>, vector<2000x256xf32> -> vector<2000x256xf32>
    %add3A_205 = arith.addf %dot_general3A_199, %dot_general3A_204 : vector<2000x256xf32>
    %get3A_206 = arith.constant 0 : index
    %get3A_207 = arith.constant 1792 : index
    %get3A_208 = vector.load %arg5[%get3A_206, %get3A_207] : memref<1x2048xf32, #tpu.memory_space<vmem>>, vector<1x256xf32>
    %add3A_209 = vector.broadcast %get3A_208 : vector<1x256xf32> to vector<2000x256xf32>
    %add3A_210 = arith.addf %add3A_205, %add3A_209 : vector<2000x256xf32>
    %tanh3A_211 = math.tanh %add3A_210 : vector<2000x256xf32>
    %get3A_212 = arith.constant 0 : index
    %get3A_213 = arith.constant 1792 : index
    %get3A_214 = vector.load %arg6[%get3A_212, %get3A_213] : memref<256x2048xbf16, #tpu.memory_space<vmem>>, vector<256x256xbf16>
    %dot_general3A_215 = arith.constant dense<0.000000e+00> : vector<2000x256xf32>
    %dot_general3A_216 = tpu.matmul %concatenate3A_11, %get3A_214, %dot_general3A_215 {dimension_numbers = #tpu.dot_dimension_numbers<[1], [0], [0], [1], [0, 0, 1, 1], [], []>, transpose_lhs_hint = false} : vector<2000x256xbf16>, vector<256x256xbf16>, vector<2000x256xf32> -> vector<2000x256xf32>
    %mul3A_217 = arith.mulf %tanh3A_211, %dot_general3A_216 : vector<2000x256xf32>
    %slice3A_218 = vector.extract_strided_slice %mul3A_217 {offsets = [0, 0], sizes = [2000, 128], strides = [1, 1]} : vector<2000x256xf32> to vector<2000x128xf32>
    %slice3A_219 = vector.extract_strided_slice %mul3A_217 {offsets = [0, 128], sizes = [2000, 128], strides = [1, 1]} : vector<2000x256xf32> to vector<2000x128xf32>
    %add3A_220 = arith.addf %slice3A_218, %slice3A_219 : vector<2000x128xf32>
    %add3A_221 = arith.addf %add3A_194, %add3A_220 : vector<2000x128xf32>
    %swap3A = arith.constant 0 : index
    %swap3A_222 = arith.constant 0 : index
    %swap3A_223 = vector.load %arg7[%swap3A, %swap3A_222] : memref<2000x128xf32, #tpu.memory_space<vmem>>, vector<2000x128xf32>
    tpu.vector_store %arg7[%swap3A, %swap3A_222], %add3A_221 {strides = array<i32>} : memref<2000x128xf32, #tpu.memory_space<vmem>>, vector<2000x128xf32>,
    return
  }
  func.func @transform_0(%arg0: i32) -> (i32, i32) {
    %c0_i32 = arith.constant 0 : i32
    %c0_i32_0 = arith.constant 0 : i32
    return %arg0, %c0_i32 : i32, i32
  }
  func.func @transform_1(%arg0: i32) -> (i32, i32) {
    %c0_i32 = arith.constant 0 : i32
    %c0_i32_0 = arith.constant 0 : i32
    return %arg0, %c0_i32 : i32, i32
  }
  func.func @transform_2(%arg0: i32) -> (i32, i32) {
    %c0_i32 = arith.constant 0 : i32
    %c0_i32_0 = arith.constant 0 : i32
    %c0_i32_1 = arith.constant 0 : i32
    return %c0_i32, %c0_i32_0 : i32, i32
  }
  func.func @transform_3(%arg0: i32) -> (i32, i32) {
    %c0_i32 = arith.constant 0 : i32
    %c0_i32_0 = arith.constant 0 : i32
    %c0_i32_1 = arith.constant 0 : i32
    return %c0_i32, %c0_i32_0 : i32, i32
  }
  func.func @transform_4(%arg0: i32) -> (i32, i32) {
    %c0_i32 = arith.constant 0 : i32
    %c0_i32_0 = arith.constant 0 : i32
    %c0_i32_1 = arith.constant 0 : i32
    return %c0_i32, %c0_i32_0 : i32, i32
  }
  func.func @transform_5(%arg0: i32) -> (i32, i32) {
    %c0_i32 = arith.constant 0 : i32
    %c0_i32_0 = arith.constant 0 : i32
    %c0_i32_1 = arith.constant 0 : i32
    return %c0_i32, %c0_i32_0 : i32, i32
  }
  func.func @transform_6(%arg0: i32) -> (i32, i32) {
    %c0_i32 = arith.constant 0 : i32
    %c0_i32_0 = arith.constant 0 : i32
    return %arg0, %c0_i32 : i32, i32
  }
}

module attributes {stable_mosaic.version = 14 : i64} {
  func.func @_node_body(%arg0: memref<2500x128xf32, #tpu.memory_space<vmem>>, %arg1: memref<2500x128xf32, #tpu.memory_space<vmem>>, %arg2: memref<1250x128xf32, #tpu.memory_space<vmem>>, %arg3: memref<128x128xbf16, #tpu.memory_space<vmem>>, %arg4: memref<256x128xbf16, #tpu.memory_space<vmem>>, %arg5: memref<1x128xf32, #tpu.memory_space<vmem>>, %arg6: memref<1x128xf32, #tpu.memory_space<vmem>>, %arg7: memref<1x128xf32, #tpu.memory_space<vmem>>, %arg8: memref<1250x128xf32, #tpu.memory_space<vmem>>) attributes {dimension_semantics = [], scalar_prefetch = 0 : i64, scratch_operands = 0 : i64, tpu.core_type = #tpu.core_type<tc>} {
    %get3A = arith.constant 0 : index
    %get3A_0 = arith.constant 0 : index
    %get3A_1 = vector.load %arg0[%get3A, %get3A_0] : memref<2500x128xf32, #tpu.memory_space<vmem>>, vector<2500x128xf32>
    %get3A_2 = arith.constant 0 : index
    %get3A_3 = arith.constant 0 : index
    %get3A_4 = vector.load %arg1[%get3A_2, %get3A_3] : memref<2500x128xf32, #tpu.memory_space<vmem>>, vector<2500x128xf32>
    %get3A_5 = arith.constant 0 : index
    %get3A_6 = arith.constant 0 : index
    %get3A_7 = vector.load %arg2[%get3A_5, %get3A_6] : memref<1250x128xf32, #tpu.memory_space<vmem>>, vector<1250x128xf32>
    %slice3A = vector.extract_strided_slice %get3A_1 {offsets = [0, 0], sizes = [1250, 128], strides = [1, 1]} : vector<2500x128xf32> to vector<1250x128xf32>
    %slice3A_8 = vector.extract_strided_slice %get3A_1 {offsets = [1250, 0], sizes = [1250, 128], strides = [1, 1]} : vector<2500x128xf32> to vector<1250x128xf32>
    %add3A = arith.addf %slice3A, %slice3A_8 : vector<1250x128xf32>
    %slice3A_9 = vector.extract_strided_slice %get3A_4 {offsets = [0, 0], sizes = [1250, 128], strides = [1, 1]} : vector<2500x128xf32> to vector<1250x128xf32>
    %slice3A_10 = vector.extract_strided_slice %get3A_4 {offsets = [1250, 0], sizes = [1250, 128], strides = [1, 1]} : vector<2500x128xf32> to vector<1250x128xf32>
    %add3A_11 = arith.addf %slice3A_9, %slice3A_10 : vector<1250x128xf32>
    %max3A = arith.constant 1.000000e+00 : f32
    %max3A_12 = vector.broadcast %max3A : f32 to vector<1250x128xf32>
    %max3A_13 = arith.maximumf %add3A_11, %max3A_12 : vector<1250x128xf32>
    %div3A = arith.constant 1.000000e+00 : f32
    %div3A_14 = vector.broadcast %div3A : f32 to vector<1250x128xf32>
    %div3A_15 = arith.divf %div3A_14, %max3A_13 : vector<1250x128xf32>
    %mul3A = arith.mulf %add3A, %div3A_15 : vector<1250x128xf32>
    %get3A_16 = arith.constant 0 : index
    %get3A_17 = arith.constant 0 : index
    %get3A_18 = vector.load %arg3[%get3A_16, %get3A_17] : memref<128x128xbf16, #tpu.memory_space<vmem>>, vector<128x128xbf16>
    %get3A_19 = arith.constant 0 : index
    %get3A_20 = arith.constant 0 : index
    %get3A_21 = vector.load %arg4[%get3A_19, %get3A_20] : memref<256x128xbf16, #tpu.memory_space<vmem>>, vector<256x128xbf16>
    %convert_element_type3A = arith.truncf %get3A_7 : vector<1250x128xf32> to vector<1250x128xbf16>
    %convert_element_type3A_22 = arith.extf %convert_element_type3A : vector<1250x128xbf16> to vector<1250x128xf32>
    %sub3A = arith.subf %get3A_7, %convert_element_type3A_22 : vector<1250x128xf32>
    %convert_element_type3A_23 = arith.truncf %sub3A : vector<1250x128xf32> to vector<1250x128xbf16>
    %concatenate3A = tpu.concatenate %convert_element_type3A, %convert_element_type3A_23 in 1 : vector<1250x128xbf16>, vector<1250x128xbf16> -> vector<1250x256xbf16>
    %dot_general3A = arith.constant dense<0.000000e+00> : vector<1250x128xf32>
    %dot_general3A_24 = tpu.matmul %convert_element_type3A, %get3A_18, %dot_general3A {dimension_numbers = #tpu.dot_dimension_numbers<[1], [0], [0], [1], [0, 0, 1, 1], [], []>, transpose_lhs_hint = false} : vector<1250x128xbf16>, vector<128x128xbf16>, vector<1250x128xf32> -> vector<1250x128xf32>
    %dot_general3A_25 = arith.constant dense<0.000000e+00> : vector<1250x128xf32>
    %dot_general3A_26 = tpu.matmul %concatenate3A, %get3A_21, %dot_general3A_25 {dimension_numbers = #tpu.dot_dimension_numbers<[1], [0], [0], [1], [0, 0, 1, 1], [], []>, transpose_lhs_hint = false} : vector<1250x256xbf16>, vector<256x128xbf16>, vector<1250x128xf32> -> vector<1250x128xf32>
    %add3A_27 = arith.addf %dot_general3A_24, %dot_general3A_26 : vector<1250x128xf32>
    %add3A_28 = arith.addf %mul3A, %add3A_27 : vector<1250x128xf32>
    %get3A_29 = arith.constant 0 : index
    %get3A_30 = arith.constant 0 : index
    %get3A_31 = vector.load %arg5[%get3A_29, %get3A_30] : memref<1x128xf32, #tpu.memory_space<vmem>>, vector<1x128xf32>
    %add3A_32 = vector.broadcast %get3A_31 : vector<1x128xf32> to vector<1250x128xf32>
    %add3A_33 = arith.addf %add3A_28, %add3A_32 : vector<1250x128xf32>
    %reduce_sum3A = arith.constant dense<0.000000e+00> : vector<128xf32>
    %reduce_sum3A_34 = vector.multi_reduction <add>, %add3A_33, %reduce_sum3A [0] : vector<1250x128xf32> to vector<128xf32>
    %broadcast_in_dim3A = vector.shape_cast %reduce_sum3A_34 : vector<128xf32> to vector<1x128xf32>
    %div3A_35 = arith.constant 1.250000e+03 : f32
    %div3A_36 = vector.broadcast %div3A_35 : f32 to vector<1x128xf32>
    %div3A_37 = arith.divf %broadcast_in_dim3A, %div3A_36 : vector<1x128xf32>
    %slice3A_38 = vector.extract_strided_slice %div3A_37 {offsets = [0, 0], sizes = [1, 64], strides = [1, 1]} : vector<1x128xf32> to vector<1x64xf32>
    %slice3A_39 = vector.extract_strided_slice %div3A_37 {offsets = [0, 64], sizes = [1, 64], strides = [1, 1]} : vector<1x128xf32> to vector<1x64xf32>
    %add3A_40 = arith.addf %slice3A_38, %slice3A_39 : vector<1x64xf32>
    %slice3A_41 = vector.extract_strided_slice %add3A_40 {offsets = [0, 0], sizes = [1, 32], strides = [1, 1]} : vector<1x64xf32> to vector<1x32xf32>
    %slice3A_42 = vector.extract_strided_slice %add3A_40 {offsets = [0, 32], sizes = [1, 32], strides = [1, 1]} : vector<1x64xf32> to vector<1x32xf32>
    %add3A_43 = arith.addf %slice3A_41, %slice3A_42 : vector<1x32xf32>
    %slice3A_44 = vector.extract_strided_slice %add3A_43 {offsets = [0, 0], sizes = [1, 16], strides = [1, 1]} : vector<1x32xf32> to vector<1x16xf32>
    %slice3A_45 = vector.extract_strided_slice %add3A_43 {offsets = [0, 16], sizes = [1, 16], strides = [1, 1]} : vector<1x32xf32> to vector<1x16xf32>
    %add3A_46 = arith.addf %slice3A_44, %slice3A_45 : vector<1x16xf32>
    %mul3A_47 = arith.constant 1.250000e-01 : f32
    %mul3A_48 = vector.broadcast %mul3A_47 : f32 to vector<1x16xf32>
    %mul3A_49 = arith.mulf %add3A_46, %mul3A_48 : vector<1x16xf32>
    %concatenate3A_50 = tpu.concatenate %mul3A_49, %mul3A_49, %mul3A_49, %mul3A_49, %mul3A_49, %mul3A_49, %mul3A_49, %mul3A_49 in 1 : vector<1x16xf32>, vector<1x16xf32>, vector<1x16xf32>, vector<1x16xf32>, vector<1x16xf32>, vector<1x16xf32>, vector<1x16xf32>, vector<1x16xf32> -> vector<1x128xf32>
    %sub3A_51 = vector.broadcast %concatenate3A_50 : vector<1x128xf32> to vector<1250x128xf32>
    %sub3A_52 = arith.subf %add3A_33, %sub3A_51 : vector<1250x128xf32>
    %mul3A_53 = arith.mulf %sub3A_52, %sub3A_52 : vector<1250x128xf32>
    %reduce_sum3A_54 = arith.constant dense<0.000000e+00> : vector<128xf32>
    %reduce_sum3A_55 = vector.multi_reduction <add>, %mul3A_53, %reduce_sum3A_54 [0] : vector<1250x128xf32> to vector<128xf32>
    %broadcast_in_dim3A_56 = vector.shape_cast %reduce_sum3A_55 : vector<128xf32> to vector<1x128xf32>
    %div3A_57 = arith.constant 1.250000e+03 : f32
    %div3A_58 = vector.broadcast %div3A_57 : f32 to vector<1x128xf32>
    %div3A_59 = arith.divf %broadcast_in_dim3A_56, %div3A_58 : vector<1x128xf32>
    %slice3A_60 = vector.extract_strided_slice %div3A_59 {offsets = [0, 0], sizes = [1, 64], strides = [1, 1]} : vector<1x128xf32> to vector<1x64xf32>
    %slice3A_61 = vector.extract_strided_slice %div3A_59 {offsets = [0, 64], sizes = [1, 64], strides = [1, 1]} : vector<1x128xf32> to vector<1x64xf32>
    %add3A_62 = arith.addf %slice3A_60, %slice3A_61 : vector<1x64xf32>
    %slice3A_63 = vector.extract_strided_slice %add3A_62 {offsets = [0, 0], sizes = [1, 32], strides = [1, 1]} : vector<1x64xf32> to vector<1x32xf32>
    %slice3A_64 = vector.extract_strided_slice %add3A_62 {offsets = [0, 32], sizes = [1, 32], strides = [1, 1]} : vector<1x64xf32> to vector<1x32xf32>
    %add3A_65 = arith.addf %slice3A_63, %slice3A_64 : vector<1x32xf32>
    %slice3A_66 = vector.extract_strided_slice %add3A_65 {offsets = [0, 0], sizes = [1, 16], strides = [1, 1]} : vector<1x32xf32> to vector<1x16xf32>
    %slice3A_67 = vector.extract_strided_slice %add3A_65 {offsets = [0, 16], sizes = [1, 16], strides = [1, 1]} : vector<1x32xf32> to vector<1x16xf32>
    %add3A_68 = arith.addf %slice3A_66, %slice3A_67 : vector<1x16xf32>
    %mul3A_69 = arith.constant 1.250000e-01 : f32
    %mul3A_70 = vector.broadcast %mul3A_69 : f32 to vector<1x16xf32>
    %mul3A_71 = arith.mulf %add3A_68, %mul3A_70 : vector<1x16xf32>
    %concatenate3A_72 = tpu.concatenate %mul3A_71, %mul3A_71, %mul3A_71, %mul3A_71, %mul3A_71, %mul3A_71, %mul3A_71, %mul3A_71 in 1 : vector<1x16xf32>, vector<1x16xf32>, vector<1x16xf32>, vector<1x16xf32>, vector<1x16xf32>, vector<1x16xf32>, vector<1x16xf32>, vector<1x16xf32> -> vector<1x128xf32>
    %add3A_73 = arith.constant 9.99999974E-6 : f32
    %add3A_74 = vector.broadcast %add3A_73 : f32 to vector<1x128xf32>
    %add3A_75 = arith.addf %concatenate3A_72, %add3A_74 : vector<1x128xf32>
    %rsqrt3A = math.rsqrt %add3A_75 : vector<1x128xf32>
    %mul3A_76 = vector.broadcast %rsqrt3A : vector<1x128xf32> to vector<1250x128xf32>
    %mul3A_77 = arith.mulf %sub3A_52, %mul3A_76 : vector<1250x128xf32>
    %get3A_78 = arith.constant 0 : index
    %get3A_79 = arith.constant 0 : index
    %get3A_80 = vector.load %arg6[%get3A_78, %get3A_79] : memref<1x128xf32, #tpu.memory_space<vmem>>, vector<1x128xf32>
    %mul3A_81 = vector.broadcast %get3A_80 : vector<1x128xf32> to vector<1250x128xf32>
    %mul3A_82 = arith.mulf %mul3A_77, %mul3A_81 : vector<1250x128xf32>
    %get3A_83 = arith.constant 0 : index
    %get3A_84 = arith.constant 0 : index
    %get3A_85 = vector.load %arg7[%get3A_83, %get3A_84] : memref<1x128xf32, #tpu.memory_space<vmem>>, vector<1x128xf32>
    %add3A_86 = vector.broadcast %get3A_85 : vector<1x128xf32> to vector<1250x128xf32>
    %add3A_87 = arith.addf %mul3A_82, %add3A_86 : vector<1250x128xf32>
    %max3A_88 = arith.constant 0.000000e+00 : f32
    %max3A_89 = vector.broadcast %max3A_88 : f32 to vector<1250x128xf32>
    %max3A_90 = arith.maximumf %add3A_87, %max3A_89 : vector<1250x128xf32>
    %add3A_91 = arith.addf %get3A_7, %max3A_90 : vector<1250x128xf32>
    %swap3A = arith.constant 0 : index
    %swap3A_92 = arith.constant 0 : index
    %swap3A_93 = vector.load %arg8[%swap3A, %swap3A_92] : memref<1250x128xf32, #tpu.memory_space<vmem>>, vector<1250x128xf32>
    tpu.vector_store %arg8[%swap3A, %swap3A_92], %add3A_91 {strides = array<i32>} : memref<1250x128xf32, #tpu.memory_space<vmem>>, vector<1250x128xf32>,
    return
  }
}

module attributes {stable_mosaic.version = 14 : i64} {
  func.func @_msgf_body(%arg0: i32, %arg1: memref<2000x128xf32, #tpu.memory_space<vmem>>, %arg2: memref<2000x128xf32, #tpu.memory_space<vmem>>, %arg3: memref<128x128xbf16, #tpu.memory_space<vmem>>, %arg4: memref<256x128xbf16, #tpu.memory_space<vmem>>, %arg5: memref<1x128xf32, #tpu.memory_space<vmem>>, %arg6: memref<2000x128xf32, #tpu.memory_space<vmem>>) attributes {dimension_semantics = [#tpu.dimension_semantics<arbitrary>], iteration_bounds = array<i64: 10>, scalar_prefetch = 0 : i64, scratch_operands = 0 : i64, tpu.core_type = #tpu.core_type<tc>, window_params = [{transform_indices = @transform_0, window_bounds = array<i64: 2000, 128>}, {transform_indices = @transform_1, window_bounds = array<i64: 2000, 128>}, {pipeline_mode = #tpu.pipeline_mode<synchronous>, transform_indices = @transform_2, window_bounds = array<i64: 128, 128>}, {pipeline_mode = #tpu.pipeline_mode<synchronous>, transform_indices = @transform_3, window_bounds = array<i64: 256, 128>}, {pipeline_mode = #tpu.pipeline_mode<synchronous>, transform_indices = @transform_4, window_bounds = array<i64: 1, 128>}, {transform_indices = @transform_5, window_bounds = array<i64: 2000, 128>}]} {
    %get3A = arith.constant 0 : index
    %get3A_0 = arith.constant 0 : index
    %get3A_1 = vector.load %arg1[%get3A, %get3A_0] : memref<2000x128xf32, #tpu.memory_space<vmem>>, vector<2000x128xf32>
    %convert_element_type3A = arith.truncf %get3A_1 : vector<2000x128xf32> to vector<2000x128xbf16>
    %convert_element_type3A_2 = arith.extf %convert_element_type3A : vector<2000x128xbf16> to vector<2000x128xf32>
    %sub3A = arith.subf %get3A_1, %convert_element_type3A_2 : vector<2000x128xf32>
    %convert_element_type3A_3 = arith.truncf %sub3A : vector<2000x128xf32> to vector<2000x128xbf16>
    %concatenate3A = tpu.concatenate %convert_element_type3A, %convert_element_type3A_3 in 1 : vector<2000x128xbf16>, vector<2000x128xbf16> -> vector<2000x256xbf16>
    %get3A_4 = arith.constant 0 : index
    %get3A_5 = arith.constant 0 : index
    %get3A_6 = vector.load %arg3[%get3A_4, %get3A_5] : memref<128x128xbf16, #tpu.memory_space<vmem>>, vector<128x128xbf16>
    %dot_general3A = arith.constant dense<0.000000e+00> : vector<2000x128xf32>
    %dot_general3A_7 = tpu.matmul %convert_element_type3A, %get3A_6, %dot_general3A {dimension_numbers = #tpu.dot_dimension_numbers<[1], [0], [0], [1], [0, 0, 1, 1], [], []>, transpose_lhs_hint = false} : vector<2000x128xbf16>, vector<128x128xbf16>, vector<2000x128xf32> -> vector<2000x128xf32>
    %get3A_8 = arith.constant 0 : index
    %get3A_9 = arith.constant 0 : index
    %get3A_10 = vector.load %arg4[%get3A_8, %get3A_9] : memref<256x128xbf16, #tpu.memory_space<vmem>>, vector<256x128xbf16>
    %dot_general3A_11 = arith.constant dense<0.000000e+00> : vector<2000x128xf32>
    %dot_general3A_12 = tpu.matmul %concatenate3A, %get3A_10, %dot_general3A_11 {dimension_numbers = #tpu.dot_dimension_numbers<[1], [0], [0], [1], [0, 0, 1, 1], [], []>, transpose_lhs_hint = false} : vector<2000x256xbf16>, vector<256x128xbf16>, vector<2000x128xf32> -> vector<2000x128xf32>
    %add3A = arith.addf %dot_general3A_7, %dot_general3A_12 : vector<2000x128xf32>
    %get3A_13 = arith.constant 0 : index
    %get3A_14 = arith.constant 0 : index
    %get3A_15 = vector.load %arg5[%get3A_13, %get3A_14] : memref<1x128xf32, #tpu.memory_space<vmem>>, vector<1x128xf32>
    %add3A_16 = vector.broadcast %get3A_15 : vector<1x128xf32> to vector<2000x128xf32>
    %add3A_17 = arith.addf %add3A, %add3A_16 : vector<2000x128xf32>
    %tanh3A = math.tanh %add3A_17 : vector<2000x128xf32>
    %get3A_18 = arith.constant 0 : index
    %get3A_19 = arith.constant 0 : index
    %get3A_20 = vector.load %arg2[%get3A_18, %get3A_19] : memref<2000x128xf32, #tpu.memory_space<vmem>>, vector<2000x128xf32>
    %mul3A = arith.mulf %tanh3A, %get3A_20 : vector<2000x128xf32>
    %swap3A = arith.constant 0 : index
    %swap3A_21 = arith.constant 0 : index
    %swap3A_22 = vector.load %arg6[%swap3A, %swap3A_21] : memref<2000x128xf32, #tpu.memory_space<vmem>>, vector<2000x128xf32>
    tpu.vector_store %arg6[%swap3A, %swap3A_21], %mul3A {strides = array<i32>} : memref<2000x128xf32, #tpu.memory_space<vmem>>, vector<2000x128xf32>,
    return
  }
  func.func @transform_0(%arg0: i32) -> (i32, i32) {
    %c0_i32 = arith.constant 0 : i32
    %c0_i32_0 = arith.constant 0 : i32
    return %arg0, %c0_i32 : i32, i32
  }
  func.func @transform_1(%arg0: i32) -> (i32, i32) {
    %c0_i32 = arith.constant 0 : i32
    %c0_i32_0 = arith.constant 0 : i32
    return %arg0, %c0_i32 : i32, i32
  }
  func.func @transform_2(%arg0: i32) -> (i32, i32) {
    %c0_i32 = arith.constant 0 : i32
    %c0_i32_0 = arith.constant 0 : i32
    %c0_i32_1 = arith.constant 0 : i32
    return %c0_i32, %c0_i32_0 : i32, i32
  }
  func.func @transform_3(%arg0: i32) -> (i32, i32) {
    %c0_i32 = arith.constant 0 : i32
    %c0_i32_0 = arith.constant 0 : i32
    %c0_i32_1 = arith.constant 0 : i32
    return %c0_i32, %c0_i32_0 : i32, i32
  }
  func.func @transform_4(%arg0: i32) -> (i32, i32) {
    %c0_i32 = arith.constant 0 : i32
    %c0_i32_0 = arith.constant 0 : i32
    %c0_i32_1 = arith.constant 0 : i32
    return %c0_i32, %c0_i32_0 : i32, i32
  }
  func.func @transform_5(%arg0: i32) -> (i32, i32) {
    %c0_i32 = arith.constant 0 : i32
    %c0_i32_0 = arith.constant 0 : i32
    return %arg0, %c0_i32 : i32, i32
  }
}

module attributes {stable_mosaic.version = 14 : i64} {
  func.func @_final_body(%arg0: memref<2500x128xf32, #tpu.memory_space<vmem>>, %arg1: memref<2500x128xf32, #tpu.memory_space<vmem>>, %arg2: memref<1250x128xf32, #tpu.memory_space<vmem>>, %arg3: memref<1x128xf32, #tpu.memory_space<vmem>>, %arg4: memref<1x1xf32, #tpu.memory_space<vmem>>, %arg5: memref<128x8xbf16, #tpu.memory_space<vmem>>, %arg6: memref<1250x8xf32, #tpu.memory_space<vmem>>) attributes {dimension_semantics = [], scalar_prefetch = 0 : i64, scratch_operands = 0 : i64, tpu.core_type = #tpu.core_type<tc>} {
    %get3A = arith.constant 0 : index
    %get3A_0 = arith.constant 0 : index
    %get3A_1 = vector.load %arg0[%get3A, %get3A_0] : memref<2500x128xf32, #tpu.memory_space<vmem>>, vector<2500x128xf32>
    %get3A_2 = arith.constant 0 : index
    %get3A_3 = arith.constant 0 : index
    %get3A_4 = vector.load %arg1[%get3A_2, %get3A_3] : memref<2500x128xf32, #tpu.memory_space<vmem>>, vector<2500x128xf32>
    %slice3A = vector.extract_strided_slice %get3A_1 {offsets = [0, 0], sizes = [1250, 128], strides = [1, 1]} : vector<2500x128xf32> to vector<1250x128xf32>
    %slice3A_5 = vector.extract_strided_slice %get3A_1 {offsets = [1250, 0], sizes = [1250, 128], strides = [1, 1]} : vector<2500x128xf32> to vector<1250x128xf32>
    %add3A = arith.addf %slice3A, %slice3A_5 : vector<1250x128xf32>
    %slice3A_6 = vector.extract_strided_slice %get3A_4 {offsets = [0, 0], sizes = [1250, 128], strides = [1, 1]} : vector<2500x128xf32> to vector<1250x128xf32>
    %slice3A_7 = vector.extract_strided_slice %get3A_4 {offsets = [1250, 0], sizes = [1250, 128], strides = [1, 1]} : vector<2500x128xf32> to vector<1250x128xf32>
    %add3A_8 = arith.addf %slice3A_6, %slice3A_7 : vector<1250x128xf32>
    %max3A = arith.constant 1.000000e+00 : f32
    %max3A_9 = vector.broadcast %max3A : f32 to vector<1250x128xf32>
    %max3A_10 = arith.maximumf %add3A_8, %max3A_9 : vector<1250x128xf32>
    %div3A = arith.divf %add3A, %max3A_10 : vector<1250x128xf32>
    %get3A_11 = arith.constant 0 : index
    %get3A_12 = arith.constant 0 : index
    %get3A_13 = vector.load %arg2[%get3A_11, %get3A_12] : memref<1250x128xf32, #tpu.memory_space<vmem>>, vector<1250x128xf32>
    %get3A_14 = arith.constant 0 : index
    %get3A_15 = arith.constant 0 : index
    %get3A_16 = vector.load %arg3[%get3A_14, %get3A_15] : memref<1x128xf32, #tpu.memory_space<vmem>>, vector<1x128xf32>
    %mul3A = vector.broadcast %get3A_16 : vector<1x128xf32> to vector<1250x128xf32>
    %mul3A_17 = arith.mulf %get3A_13, %mul3A : vector<1250x128xf32>
    %add3A_18 = arith.addf %div3A, %mul3A_17 : vector<1250x128xf32>
    %convert_element_type3A = arith.truncf %add3A_18 : vector<1250x128xf32> to vector<1250x128xbf16>
    %convert_element_type3A_19 = arith.extf %convert_element_type3A : vector<1250x128xbf16> to vector<1250x128xf32>
    %sub3A = arith.subf %add3A_18, %convert_element_type3A_19 : vector<1250x128xf32>
    %convert_element_type3A_20 = arith.truncf %sub3A : vector<1250x128xf32> to vector<1250x128xbf16>
    %get3A_21 = arith.constant 0 : index
    %get3A_22 = arith.constant 0 : index
    %get3A_23 = vector.load %arg5[%get3A_21, %get3A_22] : memref<128x8xbf16, #tpu.memory_space<vmem>>, vector<128x8xbf16>
    %dot_general3A = arith.constant dense<0.000000e+00> : vector<1250x8xf32>
    %dot_general3A_24 = tpu.matmul %convert_element_type3A, %get3A_23, %dot_general3A {dimension_numbers = #tpu.dot_dimension_numbers<[1], [0], [0], [1], [0, 0, 1, 1], [], []>, transpose_lhs_hint = false} : vector<1250x128xbf16>, vector<128x8xbf16>, vector<1250x8xf32> -> vector<1250x8xf32>
    %dot_general3A_25 = arith.constant dense<0.000000e+00> : vector<1250x8xf32>
    %dot_general3A_26 = tpu.matmul %convert_element_type3A_20, %get3A_23, %dot_general3A_25 {dimension_numbers = #tpu.dot_dimension_numbers<[1], [0], [0], [1], [0, 0, 1, 1], [], []>, transpose_lhs_hint = false} : vector<1250x128xbf16>, vector<128x8xbf16>, vector<1250x8xf32> -> vector<1250x8xf32>
    %add3A_27 = arith.addf %dot_general3A_24, %dot_general3A_26 : vector<1250x8xf32>
    %get3A_28 = arith.constant 0 : index
    %get3A_29 = arith.constant 0 : index
    %get3A_30 = vector.load %arg4[%get3A_28, %get3A_29] : memref<1x1xf32, #tpu.memory_space<vmem>>, vector<1x1xf32>
    %add3A_31 = vector.broadcast %get3A_30 : vector<1x1xf32> to vector<1250x8xf32>
    %add3A_32 = arith.addf %add3A_27, %add3A_31 : vector<1250x8xf32>
    %swap3A = arith.constant 0 : index
    %swap3A_33 = arith.constant 0 : index
    %swap3A_34 = vector.load %arg6[%swap3A, %swap3A_33] : memref<1250x8xf32, #tpu.memory_space<vmem>>, vector<1250x8xf32>
    tpu.vector_store %arg6[%swap3A, %swap3A_33], %add3A_32 {strides = array<i32>} : memref<1250x8xf32, #tpu.memory_space<vmem>>, vector<1250x8xf32>,
    return
  }
}

</mosaic_0001>

<sc_bundles>
// kernel: kernel.19.cloned.1.call-start
scs
__scs_entry_jumppad:
0x0: {  	(pc) =	sbr.rel $0x88, $3  }
0x1: {  	(tag) =	ssettag $0x0;
	lr =	simm.s32 $0x1  }
0x2: {  	[smem:$0x3F88] =	sst lr;
	_ =	strace $0xD0000000  }
0x3: {  	_ = 	snop  }
0x4: {  	_ = 	snop  }
0x5: {  	_ = 	snop  }
0x6: {  	_ = 	snop  }
0x7: {  	_ = 	snop  }
__scs_overlays_trampoline_lowered:
0x8: {  	[smem:$0x3F97] =	sst s0  }
0x9: {  	[smem:$0x3F98] =	sst s1  }
0xa: {  	[smem:$0x3F99] =	sst s2  }
0xb: {  	[smem:$0x3F9A] =	sst s3  }
0xc: {  	[smem:$0x3F9B] =	sst s4  }
0xd: {  	[smem:$0x3F9C] =	sst s5  }
0xe: {  	[smem:$0x3F9D] =	sst s6  }
0xf: {  	[smem:$0x3F9E] =	sst s7  }
0x10: {  	[smem:$0x3F9F] =	sst s8  }
0x11: {  	[smem:$0x3FA0] =	sst s9;
	s0 =	simm.s32 @!p0 $0x0  }
0x12: {  	s1 =	sld [smem:$0x3F86];
	s0 =	simm.s32 @p0 $0x1  }
0x13: {  	[smem:$0x3FA1] =	sst s0;
	s0 =	simm.s32 @!p1 $0x0  }
0x14: {  	s2 =	sld [smem:$0x3F85];
	s0 =	simm.s32 @p1 $0x1  }
0x15: {  	[smem:$0x3FA2] =	sst s0;
	s0 =	simm.s32 @!p2 $0x0  }
0x16: {  	s3 =	sld [smem:$0x3FDB];
	s0 =	simm.s32 @p2 $0x1  }
0x17: {  	s4 =	simm.s32 $0x1BF5;
	[smem:$0x3FA4] =	sst s0  }
0x18: {  	s0 =	sld [smem:$0x3F87];
	_ =	swait.ge [sflag:s4], $0x0  }
0x19: {  	s7 =	sld [smem:$0x3F88]  }
0x1a: {  	s8 =	sadd.s32 $0xFFFFE003, lr  }
0x1b: {  	s9 =	sadd.s32 $0xFFFFFEF7, lr;
	s5 =	simm.s32 $0xFFFFFFFF;
	p2 =	slt.u32 s8, $0xFFFFF086  }
0x1c: {  	p1 =	slt.u32 s9, $0xF7A;
	s5 =	simm.s32 @!p2 $0x0  }
0x1d: {  	s5 =	simm.s32 @p1 $0x1;
	p0 =	seq.s32 s7, s2  }
0x1e: {  	s7 =	smul.u32 @!p0 $0xF7A, s2;
	p2 =	seq.s32 @!p0 s5, $0x0  }
0x1f: {  	s9 =	smul.u32 $0xF7A, s1;
	s8 =	simm.s32 @!p0 $0x1BF5;
	p2 =	por !p2, p0  }
0x20: {  	[sflag:s8] =	ssyncset.s32 @!p0 $0xFFFFF086;
	s6 =	sadd.s32 @!p0 s3, s7;
	s7 =	simm.s32 @!p0 $0x108  }
0x21: {  	s3 =	sadd.s32 s3, s9;
	s6 =	sadd.s32 @!p0 $0x88, s6;
	s7 =	simm.s32 @p2 $0x1082  }
0x22: {  	[simem:s7], [sflag:s8] =	dma.local @!p0 [hbm:s6], $0xF7A  }
0x23: {  	s9 =	sor.u32 $0xD0000000, s2;
	s6 =	simm.s32 $0x108;
	_ =	swait.ge @!p0 [sflag:s8], $0x0  }
0x24: {  	s3 =	sadd.s32 $0x88, s3;
	s6 =	simm.s32 @!p1 $0x1082;
	[sflag:s4] =	ssyncset.s32 $0xFFFFF086  }
0x25: {  	[simem:s6], [sflag:s4] =	dma.local [hbm:s3], $0xF7A  }
0x26: {  	[smem:$0x3F88] =	sst s1;
	(tag) =	ssettag s2;
	_ =	strace s9  }
0x27: {  	s1 =	sld [smem:$0x3F98]  }
0x28: {  	s2 =	sld [smem:$0x3F99]  }
0x29: {  	s4 =	sld [smem:$0x3F9B]  }
0x2a: {  	p0 =	seq.s32 s5, $0x0;
	s5 =	sld [smem:$0x3F9C]  }
0x2b: {  	s6 =	sld [smem:$0x3F9D]  }
0x2c: {  	s7 =	sld [smem:$0x3F9E]  }
0x2d: {  	s3 =	simm.s32 $0x108;
	s8 =	sld [smem:$0x3F9F]  }
0x2e: {  	s3 =	simm.s32 @!p0 $0x1082;
	s9 =	sld [smem:$0x3FA0]  }
0x2f: {  	lr =	sadd.s32 s0, s3;
	s0 =	sld [smem:$0x3F97]  }
0x30: {  	s3 =	sld [smem:$0x3F9A]  }
0x31: {  	[smem:$0x3FA3] =	sst s10  }
0x32: {  	s10 =	sld [smem:$0x3FA1];
	_ =	sdelay $0x3  }
0x33: {  	p0 =	seq.s32 s10, $0x1;
	s10 =	sld [smem:$0x3FA3];
	_ =	sdelay $0x3  }
0x34: {  	[smem:$0x3FA3] =	sst s10  }
0x35: {  	s10 =	sld [smem:$0x3FA2];
	_ =	sdelay $0x3  }
0x36: {  	p1 =	seq.s32 s10, $0x1;
	s10 =	sld [smem:$0x3FA3];
	_ =	sdelay $0x3  }
0x37: {  	[smem:$0x3FA3] =	sst s10  }
0x38: {  	s10 =	sld [smem:$0x3FA4]  }
0x39: {  	_ = 	snop;
	(pc) =	sbr.ind lr, $3  }
0x3a: {  	_ = 	snop  }
0x3b: {  	_ = 	snop  }
0x3c: {  	p2 =	seq.s32 s10, $0x1;
	s10 =	sld [smem:$0x3FA3]  }
0x3d: {  	_ =	shalt  }
0x3e: {  	_ =	shalt  }
0x3f: {  	_ =	shalt  }
0x40: {  	_ =	shalt  }
0x41: {  	_ =	shalt  }
0x42: {  	_ =	shalt  }
0x43: {  	_ =	shalt  }
0x44: {  	_ =	shalt  }
0x45: {  	_ =	shalt  }
0x46: {  	_ =	shalt  }
0x47: {  	_ =	shalt  }
0x48: {  	_ =	shalt  }
0x49: {  	_ =	shalt  }
0x4a: {  	_ =	shalt  }
0x4b: {  	_ =	shalt  }
0x4c: {  	_ =	shalt  }
0x4d: {  	_ =	shalt  }
0x4e: {  	_ =	shalt  }
0x4f: {  	_ =	shalt  }
0x50: {  	_ =	shalt  }
0x51: {  	_ =	shalt  }
0x52: {  	_ =	shalt  }
0x53: {  	_ =	shalt  }
0x54: {  	_ =	shalt  }
0x55: {  	_ =	shalt  }
0x56: {  	_ =	shalt  }
0x57: {  	_ =	shalt  }
0x58: {  	_ =	shalt  }
0x59: {  	_ =	shalt  }
0x5a: {  	_ =	shalt  }
0x5b: {  	_ =	shalt  }
0x5c: {  	_ =	shalt  }
0x5d: {  	_ =	shalt  }
0x5e: {  	_ =	shalt  }
0x5f: {  	_ =	shalt  }
0x60: {  	_ =	shalt  }
0x61: {  	_ =	shalt  }
0x62: {  	_ =	shalt  }
0x63: {  	_ =	shalt  }
0x64: {  	_ =	shalt  }
0x65: {  	_ =	shalt  }
0x66: {  	_ =	shalt  }
0x67: {  	_ =	shalt  }
0x68: {  	_ =	shalt  }
0x69: {  	_ =	shalt  }
0x6a: {  	_ =	shalt  }
0x6b: {  	_ =	shalt  }
0x6c: {  	_ =	shalt  }
0x6d: {  	_ =	shalt  }
0x6e: {  	_ =	shalt  }
0x6f: {  	_ =	shalt  }
0x70: {  	_ =	shalt  }
0x71: {  	_ =	shalt  }
0x72: {  	_ =	shalt  }
0x73: {  	_ =	shalt  }
0x74: {  	_ =	shalt  }
0x75: {  	_ =	shalt  }
0x76: {  	_ =	shalt  }
0x77: {  	_ =	shalt  }
0x78: {  	_ =	shalt  }
0x79: {  	_ =	shalt  }
0x7a: {  	_ =	shalt  }
0x7b: {  	_ =	shalt  }
0x7c: {  	_ =	shalt  }
0x7d: {  	_ =	shalt  }
0x7e: {  	_ =	shalt  }
0x7f: {  	_ =	shalt  }
0x80: {  	_ =	shalt  }
0x81: {  	_ =	shalt  }
0x82: {  	_ =	shalt  }
0x83: {  	_ =	shalt  }
0x84: {  	_ =	shalt  }
0x85: {  	_ =	shalt  }
0x86: {  	_ =	shalt  }
0x87: {  	_ =	shalt  }
.Lfunc_end0:
.L_simem_size_0:
called_computation_lowered:
.L_overlay_start_0:
0x88: {  	s2 =	sld [smem:$0x3FD9]  }
0x89: {  	s3 =	sld [smem:$0x3FFE];
	_ =	sdelay $0x1  }
0x8a: {  	s1 =	srdreg.scid  }
0x8b: {  	s0 =	sand.u32 $0x1, s1  }
0x8c: {  	s17 =	sshll.u32 s0, $0xA;
	s2 =	sadd.s32 s3, s2  }
0x8d: {  	s2 =	sadd.s32 s2, s17  }
0x8e: {  	[smem:$0x3FAF] =	sst s2  }
0x8f: {  	_ = 	snop  }
0x90: {  	s18 =	sld [smem:$0x3FD0];
	(tm) =	ssettm $0x1  }
0x91: {  	s19 =	sld [smem:$0x3FFB];
	_ =	sdelay $0x3  }
0x92: {  	_ =	strace s19  }
0x93: {  	s2 =	sld [smem:$0x3FFC];
	_ =	sdelay $0x3  }
0x94: {  	_ =	strace s2  }
0x95: {  	s2 =	sld [smem:$0x3FFD];
	_ =	sdelay $0x3  }
0x96: {  	_ =	strace s2  }
0x97: {  	_ =	strace $0x8FFFFFFF  }
0x98: {  	s20 =	sld [smem:$0x3FDB];
	_ =	sdelay $0x1  }
0x99: {  	s4 =	simm.s32 $_scs_section_size  }
0x9a: {  	s5 =	simm.s32 $_size__tile_overlayer_lowered;
	s6 =	simm.s32 $_tile_overlayer_lowered  }
0x9b: {  	s7 =	simm.s32 $0x1BFF;
	s21 =	sshll.u32 s6, $0x1;
	s4 =	sadd.s32 s4, s20  }
0x9c: {  	s22 =	simm.s32 $0x0;
	s5 =	sshll.u32 s5, $0x1;
	s6 =	sadd.s32 s21, s4  }
0x9d: {  	[timem:s22], [sflag:s7] =	dma.local [hbm:s6], s5  }
0x9e: {  	_ =	swait.ge [sflag:s7], s5  }
0x9f: {  	s5 =	ssub.s32 $0x0, s5;
	[sflag:s7] =	ssyncset.done $0x0  }
0xa0: {  	[sflag:s7] =	ssyncadd.s32 s5;
	_ =	sdelay $0x1  }
0xa1: {  	s23 =	simm.s32 $0x1B8B  }
0xa2: {  	_ =	swait.ge [sflag:s23], $0x1  }
0xa3: {  	[sflag:s23] =	ssyncset.done $0x0  }
0xa4: {  	[sflag:s23] =	ssyncadd.s32 $0xFFFFFFFF  }
0xa5: {  	s5 =	sld [smem:$0x0]  }
0xa6: {  	s6 =	sand.u32 $0xFFFFFFFE, s1  }
0xa7: {  	p0 =	sne.s32 s1, s6  }
0xa8: {  	s6 =	sshll.u32 @p0 s6, $0xE  }
0xa9: {  	s6 =	sadd.s32 @p0 $0x11B8D, s6;
	s7 =	sshll.u32 @p0 s5, $0x11  }
0xaa: {  	s6 =	sor.u32 @p0 s7, s6  }
0xab: {  	[sflag:s6] =	ssyncadd.remote.s32 @p0 $0x1;
	_ =	sdelay $0x1  }
0xac: {  	s6 =	simm.s32 @p0 $0x1B8D  }
0xad: {  	_ =	swait.eq @p0 [sflag:s6], $0x1  }
0xae: {  	[sflag:s6] =	ssyncadd.s32 @p0 $0xFFFFFFFF  }
0xaf: {  	s7 =	sshll.u32 @!p0 s1, $0xE  }
0xb0: {  	s7 =	sor.u32 @!p0 $0x4000, s7;
	s6 =	simm.s32 @!p0 $0x1B8D  }
0xb1: {  	s5 =	sshll.u32 @!p0 s5, $0x11;
	s7 =	sadd.s32 @!p0 $0x11B8D, s7;
	_ =	swait.eq @!p0 [sflag:s6], $0x1  }
0xb2: {  	s5 =	sor.u32 @!p0 s5, s7;
	[sflag:s6] =	ssyncadd.s32 @!p0 $0xFFFFFFFF  }
0xb3: {  	s25 =	simm.s32 $0x1B8E;
	s24 =	sld [smem:$0x3FFE];
	[sflag:s5] =	ssyncadd.remote.s32 @!p0 $0x1  }
0xb4: {  	s26 =	simm.s32 $execute0_lowered;
	[smem:$0x3FD2] =	sst s25  }
0xb5: {  	s6 =	sshll.u32 s26, $0x1;
	_ =	strace $0x80000049;
	[dreg:$0x1] =	wrdreg $0xFFFFFFFF  }
0xb6: {  	s28 =	simm.s32 $_size_execute0_lowered;
	s4 =	sadd.s32 s4, s6;
	[dreg:$0x0] =	wrdreg $0x0  }
0xb7: {  	s6 =	sshll.u32 s28, $0x1;
	[dreg:$0x2] =	wrdreg s4  }
0xb8: {  	[dreg:$0x3] =	wrdreg s6  }
0xb9: {  	[dreg:$0x4] =	wrdreg $0xC0  }
0xba: {  	_ =	task [dreg:s22], $0x5FFFF  }
0xbb: {  	[dreg:$0x1] =	wrdreg $0xFFFFFFFF  }
0xbc: {  	[dreg:$0x0] =	wrdreg $0x60  }
0xbd: {  	[dreg:$0x2] =	wrdreg s24  }
0xbe: {  	[dreg:$0x3] =	wrdreg s18  }
0xbf: {  	[dreg:$0x4] =	wrdreg $0x0  }
0xc0: {  	[dreg:$0x5] =	wrdreg $0x9  }
0xc1: {  	_ =	task.clear_ibuf [dreg:s22], $0x6FFFF;
	_ =	strace $0x90000049  }
0xc2: {  	s29 =	simm.s32 $0x9;
	_ =	strace $0x8000004B  }
0xc3: {  	_ =	swait.ge [sflag:s29], $0x1  }
0xc4: {  	[sflag:s29] =	ssyncadd.s32 $0xFFFFFFFF  }
0xc5: {  	_ =	strace $0x9000004B  }
0xc6: {  	_ =	sfence  }
0xc7: {  	s30 =	sld [smem:$0x0];
	_ =	sdelay $0x2  }
0xc8: {  	s31 =	sshll.u32 s1, $0xD;
	s1 =	sshrl.u32 s1, $0x2  }
0xc9: {  	s4 =	sand.u32 $0x4000, s31;
	s1 =	sadd.s32 s1, s30  }
0xca: {  	s0 =	sor.u32 s4, s0;
	s1 =	sshll.u32 s1, $0x11  }
0xcb: {  	s0 =	sor.u32 s1, s0  }
0xcc: {  	s0 =	sadd.s32 $0x8F2B, s0  }
0xcd: {  	[sflag:s0] =	ssyncadd.remote.s32 $0x1  }
0xce: {  	_ =	sfence.sel $0xFFFF  }
0xcf: {  	[dreg:$0x0] =	wrdreg $0xFFFFFFFF;
	(pc) =	sbr.abs _section_cstart, $3  }
0xd0: {  	[dreg:$0x1] =	wrdreg $0xFFFFFFFF  }
0xd1: {  	_ =	task.clear_ibuf [dreg:s22], $0x2FFFF;
	_ =	strace $0x9FFFFFFF  }
0xd2: {  	(tm) =	ssettm $0x7FFFFFFF  }
0xd3: {  	_ =	shalt  }
tec
execute0_lowered:
.L_overlay_start_1:
0x0: {  	(tag) =	ssettag $0x1  }
0x1: {  	s0 =	srdreg.scid  }
0x2: {  	s1 =	rddreg [dreg:$0x0];
	s8 =	stileid.u32  }
0x3: {  	s3 =	rddreg [dreg:$0x2];
	s4 =	simm.s32 $0x0;
	s11 =	simm.s32 $0x2  }
0x4: {  	s12 =	simm.s32 $0x2710;
	s13 =	simm.s32 $0x3B10;
	s14 =	simm.s32 $0x7D  }
0x5: {  	s19 =	simm.s32 $0x3310;
	s20 =	simm.s32 $0x3390;
	s21 =	simm.s32 $0x3410  }
0x6: {  	s22 =	simm.s32 $0x3490;
	s23 =	simm.s32 $0x3510;
	s28 =	simm.s32 $0x3710  }
0x7: {  	s29 =	simm.s32 $0x3790;
	s30 =	simm.s32 $0x3810;
	s31 =	simm.s32 $0x3890  }
0x8: {  	s15 =	simm.s32 $0x3A90;
	s16 =	simm.s32 $0x1;
	s17 =	simm.s32 $0x0  }
0x9: {  	s0 =	sand.u32 $0x1, s0;
	s5 =	smul.u32 $0x4E2, s8;
	[smem:$0x7FF] =	sst s4  }
0xa: {  	s7 =	smul.u32 $0x9C40, s8;
	s26 =	sshll.u32 s8, $0x6;
	s2 =	sshll.u32 s0, $0x4  }
0xb: {  	s6 =	smul.u32 $0x4E20, s0;
	_ =	strace $0x8000004A;
	s0 =	ssub.s32 $0x2, s0  }
0xc: {  	s2 =	sor.u32 s8, s2;
	s24 =	sshrl.u32 s0, $0x1;
	s25 =	sshrl.u32 s7, $0x2  }
0xd: {  	s2 =	smul.u32 $0x280, s2;
	s6 =	sadd.s32 s5, s6;
	s5 =	sadd.s32 $0x66A00, s1  }
0xe: {  	s0 =	ssub.s32 s0, s24;
	s10 =	sadd.s32 s25, s3;
	s24 =	simm.s32 $0x3590  }
0xf: {  	s25 =	simm.s32 $0x3610;
	s9 =	smax.u32 s0, $0x1;
	s10 =	sshrl.u32 s10, $0x3  }
0x10: {  	s0 =	simm.s32 $0x3990;
	s2 =	sadd.s32 s2, s1;
	s1 =	sadd.s32 s6, s1  }
0x11: {  	s6 =	sor.u32 $0x1C02, s26;
	s26 =	simm.s32 $0x3690;
	s7 =	sadd.s32 $0x61A00, s2  }
0x12: {  	s8 =	sadd.s32 $0x67000, s1;
	s1 =	simm.s32 $0x3910;
	s2 =	simm.s32 $0x3A10  }
.LBB2_1:
0x13: {  	[spmem:s10], [sflag:s6] =	dma.local [hbm:s5], $0x4E2  }
0x14: {  	_ =	swait.ge [sflag:s11], $0x4E2  }
0x15: {  	[sflag:s11] =	ssyncset.done $0x0  }
0x16: {  	[sflag:s11] =	ssyncadd.s32 $0xFFFFFB1E  }
0x17: {  	[tilespmem:s12], [sflag:$0x2] =	stream.linear.gather [hbm4b:s7+s4], $0x1400, $0x38;
	[tilespmem:$0x42E0] =	vst v63  }
0x18: {  	_ =	swait.ge [sflag:s11], $0x1400  }
0x19: {  	[sflag:s11] =	ssyncset.done $0x0  }
0x1a: {  	[sflag:s11] =	ssyncadd.s32 $0xFFFFEC00  }
0x1b: {  	s18 =	rddreg [dreg:$0x1]  }
0x1c: {  	[tilespmem:s13], [sflag:$0x2] =	stream.linear.gather [hbm4b:s18+s4], $0x7D0, $0x38;
	[tilespmem:$0x42E0] =	vst v63  }
0x1d: {  	_ =	swait.ge [sflag:s11], $0x7D0  }
0x1e: {  	[sflag:s11] =	ssyncset.done $0x0  }
0x1f: {  	[sflag:s11] =	ssyncadd.s32 $0xFFFFF830  }
0x20: {  	[bflag:$0x0] =	sbarrier.arrive $0xFFFF  }
0x21: {  	[spmem:s3] =	stream.indirect.scatter.add.f32 [tilespmem:s13], [sflag:$0x1], $0x10, s12, s14, $0xb8;
	[tilespmem:$0x42E0] =	vst v63  }
0x22: {  	s18 =	simm.s32 $0x2790  }
0x23: {  	[spmem:s3] =	stream.indirect.scatter.add.f32 [tilespmem:s13], [sflag:$0x1], $0x10, s18, s14, $0xb8;
	[tilespmem:$0x42E0] =	vst v63  }
0x24: {  	s18 =	simm.s32 $0x2810  }
0x25: {  	[spmem:s3] =	stream.indirect.scatter.add.f32 [tilespmem:s13], [sflag:$0x1], $0x10, s18, s14, $0xb8;
	[tilespmem:$0x42E0] =	vst v63  }
0x26: {  	s18 =	simm.s32 $0x2890  }
0x27: {  	[spmem:s3] =	stream.indirect.scatter.add.f32 [tilespmem:s13], [sflag:$0x1], $0x10, s18, s14, $0xb8;
	[tilespmem:$0x42E0] =	vst v63  }
0x28: {  	s18 =	simm.s32 $0x2910  }
0x29: {  	[spmem:s3] =	stream.indirect.scatter.add.f32 [tilespmem:s13], [sflag:$0x1], $0x10, s18, s14, $0xb8;
	[tilespmem:$0x42E0] =	vst v63  }
0x2a: {  	s18 =	simm.s32 $0x2990  }
0x2b: {  	[spmem:s3] =	stream.indirect.scatter.add.f32 [tilespmem:s13], [sflag:$0x1], $0x10, s18, s14, $0xb8;
	[tilespmem:$0x42E0] =	vst v63  }
0x2c: {  	s18 =	simm.s32 $0x2A10  }
0x2d: {  	[spmem:s3] =	stream.indirect.scatter.add.f32 [tilespmem:s13], [sflag:$0x1], $0x10, s18, s14, $0xb8;
	[tilespmem:$0x42E0] =	vst v63  }
0x2e: {  	s18 =	simm.s32 $0x2A90  }
0x2f: {  	[spmem:s3] =	stream.indirect.scatter.add.f32 [tilespmem:s13], [sflag:$0x1], $0x10, s18, s14, $0xb8;
	[tilespmem:$0x42E0] =	vst v63  }
0x30: {  	s18 =	simm.s32 $0x2B10  }
0x31: {  	[spmem:s3] =	stream.indirect.scatter.add.f32 [tilespmem:s13], [sflag:$0x1], $0x10, s18, s14, $0xb8;
	[tilespmem:$0x42E0] =	vst v63  }
0x32: {  	s18 =	simm.s32 $0x2B90  }
0x33: {  	[spmem:s3] =	stream.indirect.scatter.add.f32 [tilespmem:s13], [sflag:$0x1], $0x10, s18, s14, $0xb8;
	[tilespmem:$0x42E0] =	vst v63  }
0x34: {  	s18 =	simm.s32 $0x2C10  }
0x35: {  	[spmem:s3] =	stream.indirect.scatter.add.f32 [tilespmem:s13], [sflag:$0x1], $0x10, s18, s14, $0xb8;
	[tilespmem:$0x42E0] =	vst v63  }
0x36: {  	s18 =	simm.s32 $0x2C90  }
0x37: {  	[spmem:s3] =	stream.indirect.scatter.add.f32 [tilespmem:s13], [sflag:$0x1], $0x10, s18, s14, $0xb8;
	[tilespmem:$0x42E0] =	vst v63  }
0x38: {  	s18 =	simm.s32 $0x2D10  }
0x39: {  	[spmem:s3] =	stream.indirect.scatter.add.f32 [tilespmem:s13], [sflag:$0x1], $0x10, s18, s14, $0xb8;
	[tilespmem:$0x42E0] =	vst v63  }
0x3a: {  	s18 =	simm.s32 $0x2D90  }
0x3b: {  	[spmem:s3] =	stream.indirect.scatter.add.f32 [tilespmem:s13], [sflag:$0x1], $0x10, s18, s14, $0xb8;
	[tilespmem:$0x42E0] =	vst v63  }
0x3c: {  	s18 =	simm.s32 $0x2E10  }
0x3d: {  	[spmem:s3] =	stream.indirect.scatter.add.f32 [tilespmem:s13], [sflag:$0x1], $0x10, s18, s14, $0xb8;
	[tilespmem:$0x42E0] =	vst v63  }
0x3e: {  	s18 =	simm.s32 $0x2E90  }
0x3f: {  	[spmem:s3] =	stream.indirect.scatter.add.f32 [tilespmem:s13], [sflag:$0x1], $0x10, s18, s14, $0xb8;
	[tilespmem:$0x42E0] =	vst v63  }
0x40: {  	s18 =	simm.s32 $0x2F10  }
0x41: {  	[spmem:s3] =	stream.indirect.scatter.add.f32 [tilespmem:s13], [sflag:$0x1], $0x10, s18, s14, $0xb8;
	[tilespmem:$0x42E0] =	vst v63  }
0x42: {  	s18 =	simm.s32 $0x2F90  }
0x43: {  	[spmem:s3] =	stream.indirect.scatter.add.f32 [tilespmem:s13], [sflag:$0x1], $0x10, s18, s14, $0xb8;
	[tilespmem:$0x42E0] =	vst v63  }
0x44: {  	s18 =	simm.s32 $0x3010  }
0x45: {  	[spmem:s3] =	stream.indirect.scatter.add.f32 [tilespmem:s13], [sflag:$0x1], $0x10, s18, s14, $0xb8;
	[tilespmem:$0x42E0] =	vst v63  }
0x46: {  	s18 =	simm.s32 $0x3090  }
0x47: {  	[spmem:s3] =	stream.indirect.scatter.add.f32 [tilespmem:s13], [sflag:$0x1], $0x10, s18, s14, $0xb8;
	[tilespmem:$0x42E0] =	vst v63  }
0x48: {  	s18 =	simm.s32 $0x3110  }
0x49: {  	[spmem:s3] =	stream.indirect.scatter.add.f32 [tilespmem:s13], [sflag:$0x1], $0x10, s18, s14, $0xb8;
	[tilespmem:$0x42E0] =	vst v63  }
0x4a: {  	s18 =	simm.s32 $0x3190  }
0x4b: {  	[spmem:s3] =	stream.indirect.scatter.add.f32 [tilespmem:s13], [sflag:$0x1], $0x10, s18, s14, $0xb8;
	[tilespmem:$0x42E0] =	vst v63  }
0x4c: {  	s18 =	simm.s32 $0x3210  }
0x4d: {  	[spmem:s3] =	stream.indirect.scatter.add.f32 [tilespmem:s13], [sflag:$0x1], $0x10, s18, s14, $0xb8;
	[tilespmem:$0x42E0] =	vst v63  }
0x4e: {  	s18 =	simm.s32 $0x3290  }
0x4f: {  	[spmem:s3] =	stream.indirect.scatter.add.f32 [tilespmem:s13], [sflag:$0x1], $0x10, s18, s14, $0xb8;
	[tilespmem:$0x42E0] =	vst v63  }
0x50: {  	_ = 	snop  }
0x51: {  	[spmem:s3] =	stream.indirect.scatter.add.f32 [tilespmem:s13], [sflag:$0x1], $0x10, s19, s14, $0xb8;
	[tilespmem:$0x42E0] =	vst v63  }
0x52: {  	_ = 	snop  }
0x53: {  	[spmem:s3] =	stream.indirect.scatter.add.f32 [tilespmem:s13], [sflag:$0x1], $0x10, s20, s14, $0xb8;
	[tilespmem:$0x42E0] =	vst v63  }
0x54: {  	_ = 	snop  }
0x55: {  	[spmem:s3] =	stream.indirect.scatter.add.f32 [tilespmem:s13], [sflag:$0x1], $0x10, s21, s14, $0xb8;
	[tilespmem:$0x42E0] =	vst v63  }
0x56: {  	_ = 	snop  }
0x57: {  	[spmem:s3] =	stream.indirect.scatter.add.f32 [tilespmem:s13], [sflag:$0x1], $0x10, s22, s14, $0xb8;
	[tilespmem:$0x42E0] =	vst v63  }
0x58: {  	_ = 	snop  }
0x59: {  	[spmem:s3] =	stream.indirect.scatter.add.f32 [tilespmem:s13], [sflag:$0x1], $0x10, s23, s14, $0xb8;
	[tilespmem:$0x42E0] =	vst v63  }
0x5a: {  	_ = 	snop  }
0x5b: {  	[spmem:s3] =	stream.indirect.scatter.add.f32 [tilespmem:s13], [sflag:$0x1], $0x10, s24, s14, $0xb8;
	[tilespmem:$0x42E0] =	vst v63  }
0x5c: {  	_ = 	snop  }
0x5d: {  	[spmem:s3] =	stream.indirect.scatter.add.f32 [tilespmem:s13], [sflag:$0x1], $0x10, s25, s14, $0xb8;
	[tilespmem:$0x42E0] =	vst v63  }
0x5e: {  	_ = 	snop  }
0x5f: {  	[spmem:s3] =	stream.indirect.scatter.add.f32 [tilespmem:s13], [sflag:$0x1], $0x10, s26, s14, $0xb8;
	[tilespmem:$0x42E0] =	vst v63  }
0x60: {  	_ = 	snop  }
0x61: {  	[spmem:s3] =	stream.indirect.scatter.add.f32 [tilespmem:s13], [sflag:$0x1], $0x10, s28, s14, $0xb8;
	[tilespmem:$0x42E0] =	vst v63  }
0x62: {  	_ = 	snop  }
0x63: {  	[spmem:s3] =	stream.indirect.scatter.add.f32 [tilespmem:s13], [sflag:$0x1], $0x10, s29, s14, $0xb8;
	[tilespmem:$0x42E0] =	vst v63  }
0x64: {  	_ = 	snop  }
0x65: {  	[spmem:s3] =	stream.indirect.scatter.add.f32 [tilespmem:s13], [sflag:$0x1], $0x10, s30, s14, $0xb8;
	[tilespmem:$0x42E0] =	vst v63  }
0x66: {  	_ = 	snop  }
0x67: {  	[spmem:s3] =	stream.indirect.scatter.add.f32 [tilespmem:s13], [sflag:$0x1], $0x10, s31, s14, $0xb8;
	[tilespmem:$0x42E0] =	vst v63  }
0x68: {  	_ = 	snop  }
0x69: {  	[spmem:s3] =	stream.indirect.scatter.add.f32 [tilespmem:s13], [sflag:$0x1], $0x10, s1, s14, $0xb8;
	[tilespmem:$0x42E0] =	vst v63  }
0x6a: {  	_ = 	snop  }
0x6b: {  	[spmem:s3] =	stream.indirect.scatter.add.f32 [tilespmem:s13], [sflag:$0x1], $0x10, s0, s14, $0xb8;
	[tilespmem:$0x42E0] =	vst v63  }
0x6c: {  	_ = 	snop  }
0x6d: {  	[spmem:s3] =	stream.indirect.scatter.add.f32 [tilespmem:s13], [sflag:$0x1], $0x10, s2, s14, $0xb8;
	[tilespmem:$0x42E0] =	vst v63  }
0x6e: {  	_ = 	snop  }
0x6f: {  	[spmem:s3] =	stream.indirect.scatter.add.f32 [tilespmem:s13], [sflag:$0x1], $0x10, s15, s14, $0xb8;
	[tilespmem:$0x42E0] =	vst v63  }
0x70: {  	_ =	swait.ge [sflag:s16], $0x7D0  }
0x71: {  	s18 =	simm.s32 $0x27;
	[sflag:s16] =	ssyncset.done $0x0  }
.LBB2_2:
0x72: {  	p0 =	sne.s32 s18, $0x1;
	s18 =	sadd.s32 $0xFFFFFFFF, s18;
	[sflag:s16] =	ssyncadd.s32 $0xFFFFF830  }
.Ltmp0:
0x73: {  	(pc) =	sbr.rel @p0 .LBB2_2-.Ltmp0, $3  }
0x74: {  	_ =	sdelay $0x1  }
0x75: {  	_ =	swait.ge [sflag:s16], $0x7D0  }
0x76: {  	[sflag:s16] =	ssyncset.done $0x0  }
0x77: {  	s17 =	sadd.s32 $0x1, s17  }
0x78: {  	[sflag:s16] =	ssyncadd.s32 $0xFFFFF830;
	p0 =	sne.s32 s17, s9  }
.Ltmp1:
0x79: {  	[bflag:$0x0] =	sbarrier.arrive $0xFFFF;
	(pc) =	sbr.rel @p0 .LBB2_1-.Ltmp1, $4  }
0x7a: {  	[hbm:s8], [sflag:s6] =	dma.local [spmem:s10], $0x4E2  }
0x7b: {  	_ =	swait.ge [sflag:s11], $0x4E2  }
0x7c: {  	[sflag:s11] =	ssyncset.done $0x0  }
0x7d: {  	[sflag:s11] =	ssyncadd.s32 $0xFFFFFB1E  }
0x7e: {  	_ =	sfence.sel $0x180000  }
0x7f: {  	[bflag:$0x0] =	sbarrier.arrive $0xFFFF  }
0x80: {  	_ =	strace $0x9000004A  }
0x81: {  	s0 =	stileid.u32;
	[bflag:$0x2] =	sbarrier.arrive $0xFFFF  }
0x82: {  	p0 =	sne.s32 s0, $0x0;
	s0 =	rddreg [dreg:$0x3]  }
0x83: {  	s0 =	sadd.s32 @!p0 $0x100000, s0  }
0x84: {  	[sflag:s0] =	ssyncadd.tile.s32 @!p0 $0x1;
	_ =	shalt  }
.Lfunc_end2:
_tile_overlayer_lowered:
.L_overlay_start_2:
0x85: {  	(tag) =	ssettag $0x2  }
0x86: {  	s0 =	rddreg [dreg:$0x0];
	s2 =	stileid.u32  }
0x87: {  	s1 =	rddreg [dreg:$0x1];
	p0 =	sne.s32 s2, $0x0  }
0x88: {  	s3 =	rddreg [dreg:$0x2];
	[bflag:$0x3] =	sbarrier.arrive $0xFFFF;
	s2 =	simm.s32 @!p0 $0x1C02  }
0x89: {  	[timem:s3], [sflag:s2] =	dma.local @!p0 [hbm:s0], s1  }
0x8a: {  	s0 =	simm.s32 @!p0 $0x2  }
0x8b: {  	_ =	swait.ge @!p0 [sflag:s0], s1  }
0x8c: {  	s1 =	ssub.s32 @!p0 $0x0, s1;
	[sflag:s0] =	ssyncset.done @!p0 $0x0  }
0x8d: {  	[sflag:s0] =	ssyncadd.s32 @!p0 s1  }
0x8e: {  	[bflag:$0x3] =	sbarrier.arrive $0xFFFF  }
0x8f: {  	_ =	shalt  }

// kernel: kernel.22.cloned.1.call-start
scs
__scs_entry_jumppad:
0x0: {  	(pc) =	sbr.rel $0x88, $3  }
0x1: {  	(tag) =	ssettag $0x0;
	lr =	simm.s32 $0x1  }
0x2: {  	[smem:$0x3F88] =	sst lr;
	_ =	strace $0xD0000000  }
0x3: {  	_ = 	snop  }
0x4: {  	_ = 	snop  }
0x5: {  	_ = 	snop  }
0x6: {  	_ = 	snop  }
0x7: {  	_ = 	snop  }
__scs_overlays_trampoline_lowered:
0x8: {  	[smem:$0x3F97] =	sst s0  }
0x9: {  	[smem:$0x3F98] =	sst s1  }
0xa: {  	[smem:$0x3F99] =	sst s2  }
0xb: {  	[smem:$0x3F9A] =	sst s3  }
0xc: {  	[smem:$0x3F9B] =	sst s4  }
0xd: {  	[smem:$0x3F9C] =	sst s5  }
0xe: {  	[smem:$0x3F9D] =	sst s6  }
0xf: {  	[smem:$0x3F9E] =	sst s7  }
0x10: {  	[smem:$0x3F9F] =	sst s8  }
0x11: {  	[smem:$0x3FA0] =	sst s9;
	s0 =	simm.s32 @!p0 $0x0  }
0x12: {  	s1 =	sld [smem:$0x3F86];
	s0 =	simm.s32 @p0 $0x1  }
0x13: {  	[smem:$0x3FA1] =	sst s0;
	s0 =	simm.s32 @!p1 $0x0  }
0x14: {  	s2 =	sld [smem:$0x3F85];
	s0 =	simm.s32 @p1 $0x1  }
0x15: {  	[smem:$0x3FA2] =	sst s0;
	s0 =	simm.s32 @!p2 $0x0  }
0x16: {  	s3 =	sld [smem:$0x3FDB];
	s0 =	simm.s32 @p2 $0x1  }
0x17: {  	s4 =	simm.s32 $0x1BF5;
	[smem:$0x3FA4] =	sst s0  }
0x18: {  	s0 =	sld [smem:$0x3F87];
	_ =	swait.ge [sflag:s4], $0x0  }
0x19: {  	s7 =	sld [smem:$0x3F88]  }
0x1a: {  	s8 =	sadd.s32 $0xFFFFE003, lr  }
0x1b: {  	s9 =	sadd.s32 $0xFFFFFEF7, lr;
	s5 =	simm.s32 $0xFFFFFFFF;
	p2 =	slt.u32 s8, $0xFFFFF086  }
0x1c: {  	p1 =	slt.u32 s9, $0xF7A;
	s5 =	simm.s32 @!p2 $0x0  }
0x1d: {  	s5 =	simm.s32 @p1 $0x1;
	p0 =	seq.s32 s7, s2  }
0x1e: {  	s7 =	smul.u32 @!p0 $0xF7A, s2;
	p2 =	seq.s32 @!p0 s5, $0x0  }
0x1f: {  	s9 =	smul.u32 $0xF7A, s1;
	s8 =	simm.s32 @!p0 $0x1BF5;
	p2 =	por !p2, p0  }
0x20: {  	[sflag:s8] =	ssyncset.s32 @!p0 $0xFFFFF086;
	s6 =	sadd.s32 @!p0 s3, s7;
	s7 =	simm.s32 @!p0 $0x108  }
0x21: {  	s3 =	sadd.s32 s3, s9;
	s6 =	sadd.s32 @!p0 $0x88, s6;
	s7 =	simm.s32 @p2 $0x1082  }
0x22: {  	[simem:s7], [sflag:s8] =	dma.local @!p0 [hbm:s6], $0xF7A  }
0x23: {  	s9 =	sor.u32 $0xD0000000, s2;
	s6 =	simm.s32 $0x108;
	_ =	swait.ge @!p0 [sflag:s8], $0x0  }
0x24: {  	s3 =	sadd.s32 $0x88, s3;
	s6 =	simm.s32 @!p1 $0x1082;
	[sflag:s4] =	ssyncset.s32 $0xFFFFF086  }
0x25: {  	[simem:s6], [sflag:s4] =	dma.local [hbm:s3], $0xF7A  }
0x26: {  	[smem:$0x3F88] =	sst s1;
	(tag) =	ssettag s2;
	_ =	strace s9  }
0x27: {  	s1 =	sld [smem:$0x3F98]  }
0x28: {  	s2 =	sld [smem:$0x3F99]  }
0x29: {  	s4 =	sld [smem:$0x3F9B]  }
0x2a: {  	p0 =	seq.s32 s5, $0x0;
	s5 =	sld [smem:$0x3F9C]  }
0x2b: {  	s6 =	sld [smem:$0x3F9D]  }
0x2c: {  	s7 =	sld [smem:$0x3F9E]  }
0x2d: {  	s3 =	simm.s32 $0x108;
	s8 =	sld [smem:$0x3F9F]  }
0x2e: {  	s3 =	simm.s32 @!p0 $0x1082;
	s9 =	sld [smem:$0x3FA0]  }
0x2f: {  	lr =	sadd.s32 s0, s3;
	s0 =	sld [smem:$0x3F97]  }
0x30: {  	s3 =	sld [smem:$0x3F9A]  }
0x31: {  	[smem:$0x3FA3] =	sst s10  }
0x32: {  	s10 =	sld [smem:$0x3FA1];
	_ =	sdelay $0x3  }
0x33: {  	p0 =	seq.s32 s10, $0x1;
	s10 =	sld [smem:$0x3FA3];
	_ =	sdelay $0x3  }
0x34: {  	[smem:$0x3FA3] =	sst s10  }
0x35: {  	s10 =	sld [smem:$0x3FA2];
	_ =	sdelay $0x3  }
0x36: {  	p1 =	seq.s32 s10, $0x1;
	s10 =	sld [smem:$0x3FA3];
	_ =	sdelay $0x3  }
0x37: {  	[smem:$0x3FA3] =	sst s10  }
0x38: {  	s10 =	sld [smem:$0x3FA4]  }
0x39: {  	_ = 	snop;
	(pc) =	sbr.ind lr, $3  }
0x3a: {  	_ = 	snop  }
0x3b: {  	_ = 	snop  }
0x3c: {  	p2 =	seq.s32 s10, $0x1;
	s10 =	sld [smem:$0x3FA3]  }
0x3d: {  	_ =	shalt  }
0x3e: {  	_ =	shalt  }
0x3f: {  	_ =	shalt  }
0x40: {  	_ =	shalt  }
0x41: {  	_ =	shalt  }
0x42: {  	_ =	shalt  }
0x43: {  	_ =	shalt  }
0x44: {  	_ =	shalt  }
0x45: {  	_ =	shalt  }
0x46: {  	_ =	shalt  }
0x47: {  	_ =	shalt  }
0x48: {  	_ =	shalt  }
0x49: {  	_ =	shalt  }
0x4a: {  	_ =	shalt  }
0x4b: {  	_ =	shalt  }
0x4c: {  	_ =	shalt  }
0x4d: {  	_ =	shalt  }
0x4e: {  	_ =	shalt  }
0x4f: {  	_ =	shalt  }
0x50: {  	_ =	shalt  }
0x51: {  	_ =	shalt  }
0x52: {  	_ =	shalt  }
0x53: {  	_ =	shalt  }
0x54: {  	_ =	shalt  }
0x55: {  	_ =	shalt  }
0x56: {  	_ =	shalt  }
0x57: {  	_ =	shalt  }
0x58: {  	_ =	shalt  }
0x59: {  	_ =	shalt  }
0x5a: {  	_ =	shalt  }
0x5b: {  	_ =	shalt  }
0x5c: {  	_ =	shalt  }
0x5d: {  	_ =	shalt  }
0x5e: {  	_ =	shalt  }
0x5f: {  	_ =	shalt  }
0x60: {  	_ =	shalt  }
0x61: {  	_ =	shalt  }
0x62: {  	_ =	shalt  }
0x63: {  	_ =	shalt  }
0x64: {  	_ =	shalt  }
0x65: {  	_ =	shalt  }
0x66: {  	_ =	shalt  }
0x67: {  	_ =	shalt  }
0x68: {  	_ =	shalt  }
0x69: {  	_ =	shalt  }
0x6a: {  	_ =	shalt  }
0x6b: {  	_ =	shalt  }
0x6c: {  	_ =	shalt  }
0x6d: {  	_ =	shalt  }
0x6e: {  	_ =	shalt  }
0x6f: {  	_ =	shalt  }
0x70: {  	_ =	shalt  }
0x71: {  	_ =	shalt  }
0x72: {  	_ =	shalt  }
0x73: {  	_ =	shalt  }
0x74: {  	_ =	shalt  }
0x75: {  	_ =	shalt  }
0x76: {  	_ =	shalt  }
0x77: {  	_ =	shalt  }
0x78: {  	_ =	shalt  }
0x79: {  	_ =	shalt  }
0x7a: {  	_ =	shalt  }
0x7b: {  	_ =	shalt  }
0x7c: {  	_ =	shalt  }
0x7d: {  	_ =	shalt  }
0x7e: {  	_ =	shalt  }
0x7f: {  	_ =	shalt  }
0x80: {  	_ =	shalt  }
0x81: {  	_ =	shalt  }
0x82: {  	_ =	shalt  }
0x83: {  	_ =	shalt  }
0x84: {  	_ =	shalt  }
0x85: {  	_ =	shalt  }
0x86: {  	_ =	shalt  }
0x87: {  	_ =	shalt  }
.Lfunc_end0:
.L_simem_size_0:
called_computation.1_lowered:
.L_overlay_start_0:
0x88: {  	s2 =	sld [smem:$0x3FD9]  }
0x89: {  	s3 =	sld [smem:$0x3FFE];
	_ =	sdelay $0x1  }
0x8a: {  	s1 =	srdreg.scid  }
0x8b: {  	s0 =	sand.u32 $0x1, s1  }
0x8c: {  	s16 =	sshll.u32 s0, $0xA;
	s2 =	sadd.s32 s3, s2  }
0x8d: {  	s2 =	sadd.s32 s2, s16  }
0x8e: {  	[smem:$0x3FAF] =	sst s2  }
0x8f: {  	_ = 	snop  }
0x90: {  	(tm) =	ssettm $0x1  }
0x91: {  	s17 =	sld [smem:$0x3FFB];
	_ =	sdelay $0x3  }
0x92: {  	_ =	strace s17  }
0x93: {  	s2 =	sld [smem:$0x3FFC];
	_ =	sdelay $0x3  }
0x94: {  	_ =	strace s2  }
0x95: {  	s2 =	sld [smem:$0x3FFD];
	_ =	sdelay $0x3  }
0x96: {  	_ =	strace s2  }
0x97: {  	_ =	strace $0x8FFFFFFF  }
0x98: {  	s18 =	sld [smem:$0x3FDB];
	_ =	sdelay $0x1  }
0x99: {  	s19 =	simm.s32 $_scs_section_size  }
0x9a: {  	s4 =	simm.s32 $_size__tile_overlayer_lowered;
	s5 =	simm.s32 $_tile_overlayer_lowered  }
0x9b: {  	s22 =	simm.s32 $0x1BFF;
	s21 =	sshll.u32 s5, $0x1;
	s2 =	sadd.s32 s19, s18  }
0x9c: {  	s6 =	simm.s32 $0x0;
	s20 =	sshll.u32 s4, $0x1;
	s4 =	sadd.s32 s21, s2  }
0x9d: {  	[timem:s6], [sflag:s22] =	dma.local [hbm:s4], s20  }
0x9e: {  	_ =	swait.ge [sflag:s22], s20  }
0x9f: {  	s3 =	ssub.s32 $0x0, s20;
	[sflag:s22] =	ssyncset.done $0x0  }
0xa0: {  	[sflag:s22] =	ssyncadd.s32 s3;
	_ =	sdelay $0x1  }
0xa1: {  	s23 =	simm.s32 $0x1B8B  }
0xa2: {  	_ =	swait.ge [sflag:s23], $0x1  }
0xa3: {  	[sflag:s23] =	ssyncset.done $0x0  }
0xa4: {  	s25 =	simm.s32 $0x1B8E;
	s24 =	sld [smem:$0x3FFE];
	[sflag:s23] =	ssyncadd.s32 $0xFFFFFFFF  }
0xa5: {  	s26 =	simm.s32 $execute0_lowered;
	[smem:$0x3FD2] =	sst s25  }
0xa6: {  	s4 =	sshll.u32 s26, $0x1;
	_ =	strace $0x80000046;
	[dreg:$0x1] =	wrdreg $0xFFFFFFFF  }
0xa7: {  	s28 =	simm.s32 $_size_execute0_lowered;
	s2 =	sadd.s32 s2, s4;
	[dreg:$0x0] =	wrdreg $0x0  }
0xa8: {  	s4 =	sshll.u32 s28, $0x1;
	[dreg:$0x2] =	wrdreg s2  }
0xa9: {  	[dreg:$0x3] =	wrdreg s4  }
0xaa: {  	[dreg:$0x4] =	wrdreg $0xC0  }
0xab: {  	_ =	task [dreg:s6], $0x5FFFF  }
0xac: {  	[dreg:$0x1] =	wrdreg $0xFFFFFFFF  }
0xad: {  	[dreg:$0x0] =	wrdreg $0x60  }
0xae: {  	[dreg:$0x2] =	wrdreg s24  }
0xaf: {  	[dreg:$0x3] =	wrdreg $0xA  }
0xb0: {  	_ =	task.clear_ibuf [dreg:s6], $0x4FFFF;
	_ =	strace $0x90000046  }
0xb1: {  	s29 =	simm.s32 $0xA;
	_ =	strace $0x80000048  }
0xb2: {  	_ =	swait.ge [sflag:s29], $0x1  }
0xb3: {  	[sflag:s29] =	ssyncadd.s32 $0xFFFFFFFF  }
0xb4: {  	_ =	strace $0x90000048  }
0xb5: {  	_ =	sfence  }
0xb6: {  	s30 =	sld [smem:$0x0];
	_ =	sdelay $0x2  }
0xb7: {  	s31 =	sshll.u32 s1, $0xD;
	s1 =	sshrl.u32 s1, $0x2  }
0xb8: {  	s3 =	sand.u32 $0x4000, s31;
	s1 =	sadd.s32 s1, s30  }
0xb9: {  	s0 =	sor.u32 s3, s0;
	s1 =	sshll.u32 s1, $0x11  }
0xba: {  	s0 =	sor.u32 s1, s0  }
0xbb: {  	s0 =	sadd.s32 $0x8F2B, s0  }
0xbc: {  	[sflag:s0] =	ssyncadd.remote.s32 $0x1  }
0xbd: {  	_ =	sfence.sel $0xFFFF  }
0xbe: {  	[dreg:$0x0] =	wrdreg $0xFFFFFFFF;
	(pc) =	sbr.abs _section_cstart, $3  }
0xbf: {  	[dreg:$0x1] =	wrdreg $0xFFFFFFFF  }
0xc0: {  	_ =	task.clear_ibuf [dreg:s6], $0x2FFFF;
	_ =	strace $0x9FFFFFFF  }
0xc1: {  	(tm) =	ssettm $0x7FFFFFFF  }
tec
execute0_lowered:
.L_overlay_start_1:
0x0: {  	(tag) =	ssettag $0x1  }
0x1: {  	s0 =	srdreg.scid;
	s5 =	rddreg [dreg:$0x0]  }
0x2: {  	s2 =	simm.s32 $0x0;
	s8 =	simm.s32 $0x7D;
	s4 =	sand.u32 $0x1, s0  }
0x3: {  	s9 =	simm.s32 $0x1;
	s0 =	stileid.u32;
	s1 =	sshll.u32 s4, $0x4  }
0x4: {  	s10 =	simm.s32 $0x1400;
	s11 =	simm.s32 $0x0;
	s3 =	sor.u32 s0, s1  }
0x5: {  	[smem:$0x7FF] =	sst s2;
	s4 =	ssub.s32 $0x2, s4;
	s6 =	smul.u32 $0x280, s3  }
0x6: {  	s1 =	rddreg [dreg:$0x1];
	_ =	strace $0x80000047;
	s7 =	smul.u32 $0x2710, s3  }
0x7: {  	s31 =	sshrl.u32 s4, $0x1;
	s3 =	sadd.s32 $0x9800, s5;
	s6 =	sadd.s32 s6, s5  }
0x8: {  	s5 =	sadd.s32 s7, s5;
	s7 =	ssub.s32 s4, s31;
	s4 =	sadd.s32 $0xE800, s6  }
0x9: {  	s5 =	sadd.s32 $0x13800, s5;
	s6 =	smax.u32 s7, $0x1;
	s7 =	simm.s32 $0x2  }
.LBB2_1:
0xa: {  	[tilespmem:s2], [sflag:$0x2] =	stream.linear.gather [hbm4b:s4+s2], $0x1400, $0x38;
	[tilespmem:$0x14C80] =	vst v63  }
0xb: {  	_ =	swait.ge [sflag:s7], $0x1400  }
0xc: {  	s12 =	simm.s32 $0x200;
	s15 =	simm.s32 $0x0;
	[sflag:s7] =	ssyncset.done $0x0  }
0xd: {  	s13 =	simm.s32 $0x1BD0;
	s14 =	simm.s32 $0x1400;
	[sflag:s7] =	ssyncadd.s32 $0xFFFFEC00  }
.LBB2_2:
0xe: {  	[tilespmem:s14], [sflag:$0x1] =	stream.indirect.gather [hbm4b:s3+s8], $0x10, s15, s8, $0xb8;
	[tilespmem:$0x14C80] =	vst v63  }
0xf: {  	s15 =	smov.u32 s12;
	s14 =	smov.u32 s13;
	p0 =	sne.s32 s12, $0x4E00  }
.Ltmp0:
0x10: {  	s12 =	sadd.s32 $0x200, s12;
	(pc) =	sbr.rel @p0 .LBB2_2-.Ltmp0, $2  }
0x11: {  	_ =	sdelay $0x2  }
0x12: {  	s13 =	sadd.s32 $0x7D0, s13;
	s15 =	sshra.s32 s15, $0x2  }
0x13: {  	[tilespmem:s14], [sflag:$0x1] =	stream.indirect.gather [hbm4b:s3+s8], $0x10, s15, s8, $0xb8;
	[tilespmem:$0x14C80] =	vst v63  }
0x14: {  	s11 =	sadd.s32 $0x1, s11;
	_ =	swait.ge [sflag:s9], $0x13880  }
0x15: {  	p0 =	sne.s32 s11, s6;
	[sflag:s9] =	ssyncset.done $0x0  }
.Ltmp1:
0x16: {  	[sflag:s9] =	ssyncadd.s32 $0xFFFEC780;
	(pc) =	sbr.rel @p0 .LBB2_1-.Ltmp1, $4  }
0x17: {  	[hbm4b:s5+s2] =	stream.linear.scatter [tilespmem:s10], [sflag:$0x2], $0x13880, $0x38;
	[tilespmem:$0x14C80] =	vst v63  }
0x18: {  	_ =	swait.ge [sflag:s7], $0x13880  }
0x19: {  	[sflag:s7] =	ssyncset.done $0x0  }
0x1a: {  	[sflag:s7] =	ssyncadd.s32 $0xFFFEC780  }
0x1b: {  	_ =	sfence.sel $0x180000  }
0x1c: {  	[bflag:$0x0] =	sbarrier.arrive $0xFFFF  }
0x1d: {  	p0 =	sne.s32 s0, $0x0;
	_ =	strace $0x90000047  }
0x1e: {  	s0 =	sadd.s32 @!p0 $0x100000, s1;
	[bflag:$0x2] =	sbarrier.arrive $0xFFFF  }
0x1f: {  	[sflag:s0] =	ssyncadd.tile.s32 @!p0 $0x1;
	_ =	shalt  }
.Lfunc_end2:
_tile_overlayer_lowered:
.L_overlay_start_2:
0x20: {  	(tag) =	ssettag $0x2  }
0x21: {  	s0 =	rddreg [dreg:$0x0];
	s2 =	stileid.u32  }
0x22: {  	s1 =	rddreg [dreg:$0x1];
	p0 =	sne.s32 s2, $0x0  }
0x23: {  	s3 =	rddreg [dreg:$0x2];
	[bflag:$0x3] =	sbarrier.arrive $0xFFFF;
	s2 =	simm.s32 @!p0 $0x1C02  }
0x24: {  	[timem:s3], [sflag:s2] =	dma.local @!p0 [hbm:s0], s1  }
0x25: {  	s0 =	simm.s32 @!p0 $0x2  }
0x26: {  	_ =	swait.ge @!p0 [sflag:s0], s1  }
0x27: {  	s1 =	ssub.s32 @!p0 $0x0, s1;
	[sflag:s0] =	ssyncset.done @!p0 $0x0  }
0x28: {  	[sflag:s0] =	ssyncadd.s32 @!p0 s1  }
0x29: {  	[bflag:$0x3] =	sbarrier.arrive $0xFFFF  }
0x2a: {  	_ =	shalt  }

// kernel: kernel.25.cloned.1.call-start
scs
__scs_entry_jumppad:
0x0: {  	(pc) =	sbr.rel $0x88, $3  }
0x1: {  	(tag) =	ssettag $0x0;
	lr =	simm.s32 $0x1  }
0x2: {  	[smem:$0x3F88] =	sst lr;
	_ =	strace $0xD0000000  }
0x3: {  	_ = 	snop  }
0x4: {  	_ = 	snop  }
0x5: {  	_ = 	snop  }
0x6: {  	_ = 	snop  }
0x7: {  	_ = 	snop  }
__scs_overlays_trampoline_lowered:
0x8: {  	[smem:$0x3F97] =	sst s0  }
0x9: {  	[smem:$0x3F98] =	sst s1  }
0xa: {  	[smem:$0x3F99] =	sst s2  }
0xb: {  	[smem:$0x3F9A] =	sst s3  }
0xc: {  	[smem:$0x3F9B] =	sst s4  }
0xd: {  	[smem:$0x3F9C] =	sst s5  }
0xe: {  	[smem:$0x3F9D] =	sst s6  }
0xf: {  	[smem:$0x3F9E] =	sst s7  }
0x10: {  	[smem:$0x3F9F] =	sst s8  }
0x11: {  	[smem:$0x3FA0] =	sst s9;
	s0 =	simm.s32 @!p0 $0x0  }
0x12: {  	s1 =	sld [smem:$0x3F86];
	s0 =	simm.s32 @p0 $0x1  }
0x13: {  	[smem:$0x3FA1] =	sst s0;
	s0 =	simm.s32 @!p1 $0x0  }
0x14: {  	s2 =	sld [smem:$0x3F85];
	s0 =	simm.s32 @p1 $0x1  }
0x15: {  	[smem:$0x3FA2] =	sst s0;
	s0 =	simm.s32 @!p2 $0x0  }
0x16: {  	s3 =	sld [smem:$0x3FDB];
	s0 =	simm.s32 @p2 $0x1  }
0x17: {  	s4 =	simm.s32 $0x1BF5;
	[smem:$0x3FA4] =	sst s0  }
0x18: {  	s0 =	sld [smem:$0x3F87];
	_ =	swait.ge [sflag:s4], $0x0  }
0x19: {  	s7 =	sld [smem:$0x3F88]  }
0x1a: {  	s8 =	sadd.s32 $0xFFFFE003, lr  }
0x1b: {  	s9 =	sadd.s32 $0xFFFFFEF7, lr;
	s5 =	simm.s32 $0xFFFFFFFF;
	p2 =	slt.u32 s8, $0xFFFFF086  }
0x1c: {  	p1 =	slt.u32 s9, $0xF7A;
	s5 =	simm.s32 @!p2 $0x0  }
0x1d: {  	s5 =	simm.s32 @p1 $0x1;
	p0 =	seq.s32 s7, s2  }
0x1e: {  	s7 =	smul.u32 @!p0 $0xF7A, s2;
	p2 =	seq.s32 @!p0 s5, $0x0  }
0x1f: {  	s9 =	smul.u32 $0xF7A, s1;
	s8 =	simm.s32 @!p0 $0x1BF5;
	p2 =	por !p2, p0  }
0x20: {  	[sflag:s8] =	ssyncset.s32 @!p0 $0xFFFFF086;
	s6 =	sadd.s32 @!p0 s3, s7;
	s7 =	simm.s32 @!p0 $0x108  }
0x21: {  	s3 =	sadd.s32 s3, s9;
	s6 =	sadd.s32 @!p0 $0x88, s6;
	s7 =	simm.s32 @p2 $0x1082  }
0x22: {  	[simem:s7], [sflag:s8] =	dma.local @!p0 [hbm:s6], $0xF7A  }
0x23: {  	s9 =	sor.u32 $0xD0000000, s2;
	s6 =	simm.s32 $0x108;
	_ =	swait.ge @!p0 [sflag:s8], $0x0  }
0x24: {  	s3 =	sadd.s32 $0x88, s3;
	s6 =	simm.s32 @!p1 $0x1082;
	[sflag:s4] =	ssyncset.s32 $0xFFFFF086  }
0x25: {  	[simem:s6], [sflag:s4] =	dma.local [hbm:s3], $0xF7A  }
0x26: {  	[smem:$0x3F88] =	sst s1;
	(tag) =	ssettag s2;
	_ =	strace s9  }
0x27: {  	s1 =	sld [smem:$0x3F98]  }
0x28: {  	s2 =	sld [smem:$0x3F99]  }
0x29: {  	s4 =	sld [smem:$0x3F9B]  }
0x2a: {  	p0 =	seq.s32 s5, $0x0;
	s5 =	sld [smem:$0x3F9C]  }
0x2b: {  	s6 =	sld [smem:$0x3F9D]  }
0x2c: {  	s7 =	sld [smem:$0x3F9E]  }
0x2d: {  	s3 =	simm.s32 $0x108;
	s8 =	sld [smem:$0x3F9F]  }
0x2e: {  	s3 =	simm.s32 @!p0 $0x1082;
	s9 =	sld [smem:$0x3FA0]  }
0x2f: {  	lr =	sadd.s32 s0, s3;
	s0 =	sld [smem:$0x3F97]  }
0x30: {  	s3 =	sld [smem:$0x3F9A]  }
0x31: {  	[smem:$0x3FA3] =	sst s10  }
0x32: {  	s10 =	sld [smem:$0x3FA1];
	_ =	sdelay $0x3  }
0x33: {  	p0 =	seq.s32 s10, $0x1;
	s10 =	sld [smem:$0x3FA3];
	_ =	sdelay $0x3  }
0x34: {  	[smem:$0x3FA3] =	sst s10  }
0x35: {  	s10 =	sld [smem:$0x3FA2];
	_ =	sdelay $0x3  }
0x36: {  	p1 =	seq.s32 s10, $0x1;
	s10 =	sld [smem:$0x3FA3];
	_ =	sdelay $0x3  }
0x37: {  	[smem:$0x3FA3] =	sst s10  }
0x38: {  	s10 =	sld [smem:$0x3FA4]  }
0x39: {  	_ = 	snop;
	(pc) =	sbr.ind lr, $3  }
0x3a: {  	_ = 	snop  }
0x3b: {  	_ = 	snop  }
0x3c: {  	p2 =	seq.s32 s10, $0x1;
	s10 =	sld [smem:$0x3FA3]  }
0x3d: {  	_ =	shalt  }
0x3e: {  	_ =	shalt  }
0x3f: {  	_ =	shalt  }
0x40: {  	_ =	shalt  }
0x41: {  	_ =	shalt  }
0x42: {  	_ =	shalt  }
0x43: {  	_ =	shalt  }
0x44: {  	_ =	shalt  }
0x45: {  	_ =	shalt  }
0x46: {  	_ =	shalt  }
0x47: {  	_ =	shalt  }
0x48: {  	_ =	shalt  }
0x49: {  	_ =	shalt  }
0x4a: {  	_ =	shalt  }
0x4b: {  	_ =	shalt  }
0x4c: {  	_ =	shalt  }
0x4d: {  	_ =	shalt  }
0x4e: {  	_ =	shalt  }
0x4f: {  	_ =	shalt  }
0x50: {  	_ =	shalt  }
0x51: {  	_ =	shalt  }
0x52: {  	_ =	shalt  }
0x53: {  	_ =	shalt  }
0x54: {  	_ =	shalt  }
0x55: {  	_ =	shalt  }
0x56: {  	_ =	shalt  }
0x57: {  	_ =	shalt  }
0x58: {  	_ =	shalt  }
0x59: {  	_ =	shalt  }
0x5a: {  	_ =	shalt  }
0x5b: {  	_ =	shalt  }
0x5c: {  	_ =	shalt  }
0x5d: {  	_ =	shalt  }
0x5e: {  	_ =	shalt  }
0x5f: {  	_ =	shalt  }
0x60: {  	_ =	shalt  }
0x61: {  	_ =	shalt  }
0x62: {  	_ =	shalt  }
0x63: {  	_ =	shalt  }
0x64: {  	_ =	shalt  }
0x65: {  	_ =	shalt  }
0x66: {  	_ =	shalt  }
0x67: {  	_ =	shalt  }
0x68: {  	_ =	shalt  }
0x69: {  	_ =	shalt  }
0x6a: {  	_ =	shalt  }
0x6b: {  	_ =	shalt  }
0x6c: {  	_ =	shalt  }
0x6d: {  	_ =	shalt  }
0x6e: {  	_ =	shalt  }
0x6f: {  	_ =	shalt  }
0x70: {  	_ =	shalt  }
0x71: {  	_ =	shalt  }
0x72: {  	_ =	shalt  }
0x73: {  	_ =	shalt  }
0x74: {  	_ =	shalt  }
0x75: {  	_ =	shalt  }
0x76: {  	_ =	shalt  }
0x77: {  	_ =	shalt  }
0x78: {  	_ =	shalt  }
0x79: {  	_ =	shalt  }
0x7a: {  	_ =	shalt  }
0x7b: {  	_ =	shalt  }
0x7c: {  	_ =	shalt  }
0x7d: {  	_ =	shalt  }
0x7e: {  	_ =	shalt  }
0x7f: {  	_ =	shalt  }
0x80: {  	_ =	shalt  }
0x81: {  	_ =	shalt  }
0x82: {  	_ =	shalt  }
0x83: {  	_ =	shalt  }
0x84: {  	_ =	shalt  }
0x85: {  	_ =	shalt  }
0x86: {  	_ =	shalt  }
0x87: {  	_ =	shalt  }
.Lfunc_end0:
.L_simem_size_0:
called_computation.2_lowered:
.L_overlay_start_0:
0x88: {  	s2 =	sld [smem:$0x3FD9]  }
0x89: {  	s3 =	sld [smem:$0x3FFE];
	_ =	sdelay $0x1  }
0x8a: {  	s1 =	srdreg.scid  }
0x8b: {  	s0 =	sand.u32 $0x1, s1  }
0x8c: {  	s17 =	sshll.u32 s0, $0xA;
	s2 =	sadd.s32 s3, s2  }
0x8d: {  	s2 =	sadd.s32 s2, s17  }
0x8e: {  	[smem:$0x3FAF] =	sst s2  }
0x8f: {  	_ = 	snop  }
0x90: {  	(tm) =	ssettm $0x1  }
0x91: {  	s18 =	sld [smem:$0x3FFB];
	_ =	sdelay $0x3  }
0x92: {  	_ =	strace s18  }
0x93: {  	s2 =	sld [smem:$0x3FFC];
	_ =	sdelay $0x3  }
0x94: {  	_ =	strace s2  }
0x95: {  	s2 =	sld [smem:$0x3FFD];
	_ =	sdelay $0x3  }
0x96: {  	_ =	strace s2  }
0x97: {  	_ =	strace $0x8FFFFFFF  }
0x98: {  	s19 =	sld [smem:$0x3FDB];
	_ =	sdelay $0x1  }
0x99: {  	s20 =	simm.s32 $_scs_section_size  }
0x9a: {  	s4 =	simm.s32 $_size__tile_overlayer_lowered;
	s5 =	simm.s32 $_tile_overlayer_lowered  }
0x9b: {  	s6 =	simm.s32 $0x1BFF;
	s21 =	sshll.u32 s5, $0x1;
	s3 =	sadd.s32 s20, s19  }
0x9c: {  	s22 =	simm.s32 $0x0;
	s4 =	sshll.u32 s4, $0x1;
	s5 =	sadd.s32 s21, s3  }
0x9d: {  	[timem:s22], [sflag:s6] =	dma.local [hbm:s5], s4  }
0x9e: {  	_ =	swait.ge [sflag:s6], s4  }
0x9f: {  	s4 =	ssub.s32 $0x0, s4;
	[sflag:s6] =	ssyncset.done $0x0  }
0xa0: {  	[sflag:s6] =	ssyncadd.s32 s4;
	_ =	sdelay $0x1  }
0xa1: {  	s23 =	simm.s32 $0x1B8B  }
0xa2: {  	_ =	swait.ge [sflag:s23], $0x1  }
0xa3: {  	[sflag:s23] =	ssyncset.done $0x0  }
0xa4: {  	[sflag:s23] =	ssyncadd.s32 $0xFFFFFFFF  }
0xa5: {  	s4 =	sld [smem:$0x0]  }
0xa6: {  	s5 =	sand.u32 $0xFFFFFFFE, s1  }
0xa7: {  	p0 =	sne.s32 s1, s5  }
0xa8: {  	s5 =	sshll.u32 @p0 s5, $0xE  }
0xa9: {  	s5 =	sadd.s32 @p0 $0x11B8D, s5;
	s6 =	sshll.u32 @p0 s4, $0x11  }
0xaa: {  	s5 =	sor.u32 @p0 s6, s5  }
0xab: {  	[sflag:s5] =	ssyncadd.remote.s32 @p0 $0x1;
	_ =	sdelay $0x1  }
0xac: {  	s5 =	simm.s32 @p0 $0x1B8D  }
0xad: {  	_ =	swait.eq @p0 [sflag:s5], $0x1  }
0xae: {  	[sflag:s5] =	ssyncadd.s32 @p0 $0xFFFFFFFF  }
0xaf: {  	s6 =	sshll.u32 @!p0 s1, $0xE  }
0xb0: {  	s6 =	sor.u32 @!p0 $0x4000, s6;
	s5 =	simm.s32 @!p0 $0x1B8D  }
0xb1: {  	s4 =	sshll.u32 @!p0 s4, $0x11;
	s6 =	sadd.s32 @!p0 $0x11B8D, s6;
	_ =	swait.eq @!p0 [sflag:s5], $0x1  }
0xb2: {  	s4 =	sor.u32 @!p0 s4, s6;
	[sflag:s5] =	ssyncadd.s32 @!p0 $0xFFFFFFFF  }
0xb3: {  	s25 =	simm.s32 $0x1B8E;
	s24 =	sld [smem:$0x3FFE];
	[sflag:s4] =	ssyncadd.remote.s32 @!p0 $0x1  }
0xb4: {  	s26 =	simm.s32 $execute0_lowered;
	[smem:$0x3FD2] =	sst s25  }
0xb5: {  	s5 =	sshll.u32 s26, $0x1;
	_ =	strace $0x8000004C;
	[dreg:$0x1] =	wrdreg $0xFFFFFFFF  }
0xb6: {  	s28 =	simm.s32 $_size_execute0_lowered;
	s3 =	sadd.s32 s3, s5;
	[dreg:$0x0] =	wrdreg $0x0  }
0xb7: {  	s5 =	sshll.u32 s28, $0x1;
	[dreg:$0x2] =	wrdreg s3  }
0xb8: {  	[dreg:$0x3] =	wrdreg s5  }
0xb9: {  	[dreg:$0x4] =	wrdreg $0xC0  }
0xba: {  	_ =	task [dreg:s22], $0x5FFFF  }
0xbb: {  	[dreg:$0x1] =	wrdreg $0xFFFFFFFF  }
0xbc: {  	[dreg:$0x0] =	wrdreg $0x60  }
0xbd: {  	[dreg:$0x2] =	wrdreg s24  }
0xbe: {  	[dreg:$0x3] =	wrdreg $0x0  }
0xbf: {  	[dreg:$0x4] =	wrdreg $0xA  }
0xc0: {  	_ =	task.clear_ibuf [dreg:s22], $0x5FFFF;
	_ =	strace $0x9000004C  }
0xc1: {  	s29 =	simm.s32 $0xA;
	_ =	strace $0x8000004E  }
0xc2: {  	_ =	swait.ge [sflag:s29], $0x1  }
0xc3: {  	[sflag:s29] =	ssyncadd.s32 $0xFFFFFFFF  }
0xc4: {  	_ =	strace $0x9000004E  }
0xc5: {  	_ =	sfence  }
0xc6: {  	s30 =	sld [smem:$0x0];
	_ =	sdelay $0x2  }
0xc7: {  	s31 =	sshll.u32 s1, $0xD;
	s1 =	sshrl.u32 s1, $0x2  }
0xc8: {  	s4 =	sand.u32 $0x4000, s31;
	s1 =	sadd.s32 s1, s30  }
0xc9: {  	s0 =	sor.u32 s4, s0;
	s1 =	sshll.u32 s1, $0x11  }
0xca: {  	s0 =	sor.u32 s1, s0  }
0xcb: {  	s0 =	sadd.s32 $0x8F2B, s0  }
0xcc: {  	[sflag:s0] =	ssyncadd.remote.s32 $0x1  }
0xcd: {  	_ =	sfence.sel $0xFFFF  }
0xce: {  	[dreg:$0x0] =	wrdreg $0xFFFFFFFF;
	(pc) =	sbr.abs _section_cstart, $3  }
0xcf: {  	[dreg:$0x1] =	wrdreg $0xFFFFFFFF  }
0xd0: {  	_ =	task.clear_ibuf [dreg:s22], $0x2FFFF;
	_ =	strace $0x9FFFFFFF  }
0xd1: {  	(tm) =	ssettm $0x7FFFFFFF  }
tec
execute0_lowered:
.L_overlay_start_1:
0x0: {  	(tag) =	ssettag $0x1  }
0x1: {  	s0 =	srdreg.scid;
	s5 =	rddreg [dreg:$0x0]  }
0x2: {  	s2 =	rddreg [dreg:$0x1];
	s4 =	sand.u32 $0x1, s0;
	s0 =	stileid.u32  }
0x3: {  	s3 =	simm.s32 $0x0;
	s14 =	simm.s32 $0x1;
	s8 =	smul.u32 $0x4E2, s0  }
0x4: {  	s15 =	simm.s32 $0x0;
	s1 =	sshll.u32 s4, $0x4;
	s9 =	smul.u32 $0x4E20, s4  }
0x5: {  	[smem:$0x7FF] =	sst s3;
	s28 =	smul.u32 $0x9C40, s0;
	s1 =	sor.u32 s0, s1  }
0x6: {  	s26 =	ssub.s32 $0x2, s4;
	s4 =	sadd.s32 $0x66A00, s5;
	s6 =	smul.u32 $0x2710, s1  }
0x7: {  	s31 =	sshll.u32 s0, $0x6;
	s29 =	sshrl.u32 s26, $0x1;
	s7 =	smul.u32 $0x280, s1  }
0x8: {  	s1 =	rddreg [dreg:$0x2];
	_ =	strace $0x8000004D;
	s25 =	sadd.s32 s8, s9  }
0x9: {  	s12 =	ssub.s32 s26, s29;
	s30 =	sshrl.u32 s28, $0x2;
	s11 =	sadd.s32 s25, s5  }
0xa: {  	s13 =	sadd.s32 s30, s2;
	s9 =	smax.u32 s12, $0x1;
	s12 =	simm.s32 $0x2710  }
0xb: {  	s10 =	sadd.s32 s6, s5;
	s24 =	sadd.s32 s7, s5;
	s5 =	sor.u32 $0x1C02, s31  }
0xc: {  	s8 =	sadd.s32 $0x70E00, s11;
	s11 =	simm.s32 $0x2;
	s6 =	sadd.s32 $0x61A00, s24  }
0xd: {  	s7 =	sadd.s32 $0x13800, s10;
	s10 =	sshrl.u32 s13, $0x3;
	s13 =	simm.s32 $0x7D  }
.LBB2_1:
0xe: {  	[spmem:s10], [sflag:s5] =	dma.local [hbm:s4], $0x4E2  }
0xf: {  	_ =	swait.ge [sflag:s11], $0x4E2  }
0x10: {  	[sflag:s11] =	ssyncset.done $0x0  }
0x11: {  	[sflag:s11] =	ssyncadd.s32 $0xFFFFFB1E  }
0x12: {  	[tilespmem:s12], [sflag:$0x2] =	stream.linear.gather [hbm4b:s6+s3], $0x1400, $0x38;
	[tilespmem:$0x17390] =	vst v63  }
0x13: {  	_ =	swait.ge [sflag:s11], $0x1400  }
0x14: {  	[sflag:s11] =	ssyncset.done $0x0  }
0x15: {  	s16 =	simm.s32 $0x3B10;
	[sflag:s11] =	ssyncadd.s32 $0xFFFFEC00  }
0x16: {  	[tilespmem:s16], [sflag:$0x2] =	stream.linear.gather [hbm4b:s7+s3], $0x13880, $0x38;
	[tilespmem:$0x17390] =	vst v63  }
0x17: {  	_ =	swait.ge [sflag:s11], $0x13880  }
0x18: {  	[sflag:s11] =	ssyncset.done $0x0  }
0x19: {  	[sflag:s11] =	ssyncadd.s32 $0xFFFEC780  }
0x1a: {  	s17 =	simm.s32 $0x2710;
	[bflag:$0x0] =	sbarrier.arrive $0xFFFF  }
0x1b: {  	[spmem:s2] =	stream.indirect.scatter.add.f32 [tilespmem:s16], [sflag:$0x1], $0x10, s17, s13, $0xb8;
	[tilespmem:$0x17390] =	vst v63  }
0x1c: {  	s17 =	simm.s32 $0x200  }
.LBB2_2:
0x1d: {  	p0 =	sne.s32 s17, $0x4E00  }
.Ltmp0:
0x1e: {  	_ = 	snop;
	(pc) =	sbr.rel @p0 .LBB2_2-.Ltmp0, $4  }
0x1f: {  	_ = 	snop  }
0x20: {  	s18 =	sshra.s32 s17, $0x2;
	s17 =	sadd.s32 $0x200, s17  }
0x21: {  	s16 =	sadd.s32 $0x7D0, s16;
	s18 =	sadd.s32 $0x2710, s18  }
0x22: {  	[spmem:s2] =	stream.indirect.scatter.add.f32 [tilespmem:s16], [sflag:$0x1], $0x10, s18, s13, $0xb8;
	[tilespmem:$0x17390] =	vst v63  }
0x23: {  	_ =	swait.ge [sflag:s14], $0x13880  }
0x24: {  	s15 =	sadd.s32 $0x1, s15;
	[sflag:s14] =	ssyncset.done $0x0  }
0x25: {  	p0 =	sne.s32 s15, s9;
	[sflag:s14] =	ssyncadd.s32 $0xFFFEC780  }
.Ltmp1:
0x26: {  	[bflag:$0x0] =	sbarrier.arrive $0xFFFF;
	(pc) =	sbr.rel @p0 .LBB2_1-.Ltmp1, $4  }
0x27: {  	[hbm:s8], [sflag:s5] =	dma.local [spmem:s10], $0x4E2  }
0x28: {  	_ =	swait.ge [sflag:s11], $0x4E2  }
0x29: {  	[sflag:s11] =	ssyncset.done $0x0  }
0x2a: {  	[sflag:s11] =	ssyncadd.s32 $0xFFFFFB1E  }
0x2b: {  	_ =	sfence.sel $0x180000  }
0x2c: {  	[bflag:$0x0] =	sbarrier.arrive $0xFFFF  }
0x2d: {  	p0 =	sne.s32 s0, $0x0;
	_ =	strace $0x9000004D  }
0x2e: {  	s0 =	sadd.s32 @!p0 $0x100000, s1;
	[bflag:$0x2] =	sbarrier.arrive $0xFFFF  }
0x2f: {  	[sflag:s0] =	ssyncadd.tile.s32 @!p0 $0x1;
	_ =	shalt  }
.Lfunc_end2:
_tile_overlayer_lowered:
.L_overlay_start_2:
0x30: {  	(tag) =	ssettag $0x2  }
0x31: {  	s0 =	rddreg [dreg:$0x0];
	s2 =	stileid.u32  }
0x32: {  	s1 =	rddreg [dreg:$0x1];
	p0 =	sne.s32 s2, $0x0  }
0x33: {  	s3 =	rddreg [dreg:$0x2];
	[bflag:$0x3] =	sbarrier.arrive $0xFFFF;
	s2 =	simm.s32 @!p0 $0x1C02  }
0x34: {  	[timem:s3], [sflag:s2] =	dma.local @!p0 [hbm:s0], s1  }
0x35: {  	s0 =	simm.s32 @!p0 $0x2  }
0x36: {  	_ =	swait.ge @!p0 [sflag:s0], s1  }
0x37: {  	s1 =	ssub.s32 @!p0 $0x0, s1;
	[sflag:s0] =	ssyncset.done @!p0 $0x0  }
0x38: {  	[sflag:s0] =	ssyncadd.s32 @!p0 s1  }
0x39: {  	[bflag:$0x3] =	sbarrier.arrive $0xFFFF  }
0x3a: {  	_ =	shalt  }

// kernel: kernel.28.cloned.1.call-start
scs
__scs_entry_jumppad:
0x0: {  	(pc) =	sbr.rel $0x88, $3  }
0x1: {  	(tag) =	ssettag $0x0;
	lr =	simm.s32 $0x1  }
0x2: {  	[smem:$0x3F88] =	sst lr;
	_ =	strace $0xD0000000  }
0x3: {  	_ = 	snop  }
0x4: {  	_ = 	snop  }
0x5: {  	_ = 	snop  }
0x6: {  	_ = 	snop  }
0x7: {  	_ = 	snop  }
__scs_overlays_trampoline_lowered:
0x8: {  	[smem:$0x3F97] =	sst s0  }
0x9: {  	[smem:$0x3F98] =	sst s1  }
0xa: {  	[smem:$0x3F99] =	sst s2  }
0xb: {  	[smem:$0x3F9A] =	sst s3  }
0xc: {  	[smem:$0x3F9B] =	sst s4  }
0xd: {  	[smem:$0x3F9C] =	sst s5  }
0xe: {  	[smem:$0x3F9D] =	sst s6  }
0xf: {  	[smem:$0x3F9E] =	sst s7  }
0x10: {  	[smem:$0x3F9F] =	sst s8  }
0x11: {  	[smem:$0x3FA0] =	sst s9;
	s0 =	simm.s32 @!p0 $0x0  }
0x12: {  	s1 =	sld [smem:$0x3F86];
	s0 =	simm.s32 @p0 $0x1  }
0x13: {  	[smem:$0x3FA1] =	sst s0;
	s0 =	simm.s32 @!p1 $0x0  }
0x14: {  	s2 =	sld [smem:$0x3F85];
	s0 =	simm.s32 @p1 $0x1  }
0x15: {  	[smem:$0x3FA2] =	sst s0;
	s0 =	simm.s32 @!p2 $0x0  }
0x16: {  	s3 =	sld [smem:$0x3FDB];
	s0 =	simm.s32 @p2 $0x1  }
0x17: {  	s4 =	simm.s32 $0x1BF5;
	[smem:$0x3FA4] =	sst s0  }
0x18: {  	s0 =	sld [smem:$0x3F87];
	_ =	swait.ge [sflag:s4], $0x0  }
0x19: {  	s7 =	sld [smem:$0x3F88]  }
0x1a: {  	s8 =	sadd.s32 $0xFFFFE003, lr  }
0x1b: {  	s9 =	sadd.s32 $0xFFFFFEF7, lr;
	s5 =	simm.s32 $0xFFFFFFFF;
	p2 =	slt.u32 s8, $0xFFFFF086  }
0x1c: {  	p1 =	slt.u32 s9, $0xF7A;
	s5 =	simm.s32 @!p2 $0x0  }
0x1d: {  	s5 =	simm.s32 @p1 $0x1;
	p0 =	seq.s32 s7, s2  }
0x1e: {  	s7 =	smul.u32 @!p0 $0xF7A, s2;
	p2 =	seq.s32 @!p0 s5, $0x0  }
0x1f: {  	s9 =	smul.u32 $0xF7A, s1;
	s8 =	simm.s32 @!p0 $0x1BF5;
	p2 =	por !p2, p0  }
0x20: {  	[sflag:s8] =	ssyncset.s32 @!p0 $0xFFFFF086;
	s6 =	sadd.s32 @!p0 s3, s7;
	s7 =	simm.s32 @!p0 $0x108  }
0x21: {  	s3 =	sadd.s32 s3, s9;
	s6 =	sadd.s32 @!p0 $0x88, s6;
	s7 =	simm.s32 @p2 $0x1082  }
0x22: {  	[simem:s7], [sflag:s8] =	dma.local @!p0 [hbm:s6], $0xF7A  }
0x23: {  	s9 =	sor.u32 $0xD0000000, s2;
	s6 =	simm.s32 $0x108;
	_ =	swait.ge @!p0 [sflag:s8], $0x0  }
0x24: {  	s3 =	sadd.s32 $0x88, s3;
	s6 =	simm.s32 @!p1 $0x1082;
	[sflag:s4] =	ssyncset.s32 $0xFFFFF086  }
0x25: {  	[simem:s6], [sflag:s4] =	dma.local [hbm:s3], $0xF7A  }
0x26: {  	[smem:$0x3F88] =	sst s1;
	(tag) =	ssettag s2;
	_ =	strace s9  }
0x27: {  	s1 =	sld [smem:$0x3F98]  }
0x28: {  	s2 =	sld [smem:$0x3F99]  }
0x29: {  	s4 =	sld [smem:$0x3F9B]  }
0x2a: {  	p0 =	seq.s32 s5, $0x0;
	s5 =	sld [smem:$0x3F9C]  }
0x2b: {  	s6 =	sld [smem:$0x3F9D]  }
0x2c: {  	s7 =	sld [smem:$0x3F9E]  }
0x2d: {  	s3 =	simm.s32 $0x108;
	s8 =	sld [smem:$0x3F9F]  }
0x2e: {  	s3 =	simm.s32 @!p0 $0x1082;
	s9 =	sld [smem:$0x3FA0]  }
0x2f: {  	lr =	sadd.s32 s0, s3;
	s0 =	sld [smem:$0x3F97]  }
0x30: {  	s3 =	sld [smem:$0x3F9A]  }
0x31: {  	[smem:$0x3FA3] =	sst s10  }
0x32: {  	s10 =	sld [smem:$0x3FA1];
	_ =	sdelay $0x3  }
0x33: {  	p0 =	seq.s32 s10, $0x1;
	s10 =	sld [smem:$0x3FA3];
	_ =	sdelay $0x3  }
0x34: {  	[smem:$0x3FA3] =	sst s10  }
0x35: {  	s10 =	sld [smem:$0x3FA2];
	_ =	sdelay $0x3  }
0x36: {  	p1 =	seq.s32 s10, $0x1;
	s10 =	sld [smem:$0x3FA3];
	_ =	sdelay $0x3  }
0x37: {  	[smem:$0x3FA3] =	sst s10  }
0x38: {  	s10 =	sld [smem:$0x3FA4]  }
0x39: {  	_ = 	snop;
	(pc) =	sbr.ind lr, $3  }
0x3a: {  	_ = 	snop  }
0x3b: {  	_ = 	snop  }
0x3c: {  	p2 =	seq.s32 s10, $0x1;
	s10 =	sld [smem:$0x3FA3]  }
0x3d: {  	_ =	shalt  }
0x3e: {  	_ =	shalt  }
0x3f: {  	_ =	shalt  }
0x40: {  	_ =	shalt  }
0x41: {  	_ =	shalt  }
0x42: {  	_ =	shalt  }
0x43: {  	_ =	shalt  }
0x44: {  	_ =	shalt  }
0x45: {  	_ =	shalt  }
0x46: {  	_ =	shalt  }
0x47: {  	_ =	shalt  }
0x48: {  	_ =	shalt  }
0x49: {  	_ =	shalt  }
0x4a: {  	_ =	shalt  }
0x4b: {  	_ =	shalt  }
0x4c: {  	_ =	shalt  }
0x4d: {  	_ =	shalt  }
0x4e: {  	_ =	shalt  }
0x4f: {  	_ =	shalt  }
0x50: {  	_ =	shalt  }
0x51: {  	_ =	shalt  }
0x52: {  	_ =	shalt  }
0x53: {  	_ =	shalt  }
0x54: {  	_ =	shalt  }
0x55: {  	_ =	shalt  }
0x56: {  	_ =	shalt  }
0x57: {  	_ =	shalt  }
0x58: {  	_ =	shalt  }
0x59: {  	_ =	shalt  }
0x5a: {  	_ =	shalt  }
0x5b: {  	_ =	shalt  }
0x5c: {  	_ =	shalt  }
0x5d: {  	_ =	shalt  }
0x5e: {  	_ =	shalt  }
0x5f: {  	_ =	shalt  }
0x60: {  	_ =	shalt  }
0x61: {  	_ =	shalt  }
0x62: {  	_ =	shalt  }
0x63: {  	_ =	shalt  }
0x64: {  	_ =	shalt  }
0x65: {  	_ =	shalt  }
0x66: {  	_ =	shalt  }
0x67: {  	_ =	shalt  }
0x68: {  	_ =	shalt  }
0x69: {  	_ =	shalt  }
0x6a: {  	_ =	shalt  }
0x6b: {  	_ =	shalt  }
0x6c: {  	_ =	shalt  }
0x6d: {  	_ =	shalt  }
0x6e: {  	_ =	shalt  }
0x6f: {  	_ =	shalt  }
0x70: {  	_ =	shalt  }
0x71: {  	_ =	shalt  }
0x72: {  	_ =	shalt  }
0x73: {  	_ =	shalt  }
0x74: {  	_ =	shalt  }
0x75: {  	_ =	shalt  }
0x76: {  	_ =	shalt  }
0x77: {  	_ =	shalt  }
0x78: {  	_ =	shalt  }
0x79: {  	_ =	shalt  }
0x7a: {  	_ =	shalt  }
0x7b: {  	_ =	shalt  }
0x7c: {  	_ =	shalt  }
0x7d: {  	_ =	shalt  }
0x7e: {  	_ =	shalt  }
0x7f: {  	_ =	shalt  }
0x80: {  	_ =	shalt  }
0x81: {  	_ =	shalt  }
0x82: {  	_ =	shalt  }
0x83: {  	_ =	shalt  }
0x84: {  	_ =	shalt  }
0x85: {  	_ =	shalt  }
0x86: {  	_ =	shalt  }
0x87: {  	_ =	shalt  }
.Lfunc_end0:
.L_simem_size_0:
called_computation.3_lowered:
.L_overlay_start_0:
0x88: {  	s2 =	sld [smem:$0x3FD9]  }
0x89: {  	s3 =	sld [smem:$0x3FFE];
	_ =	sdelay $0x1  }
0x8a: {  	s1 =	srdreg.scid  }
0x8b: {  	s0 =	sand.u32 $0x1, s1  }
0x8c: {  	s16 =	sshll.u32 s0, $0xA;
	s2 =	sadd.s32 s3, s2  }
0x8d: {  	s2 =	sadd.s32 s2, s16  }
0x8e: {  	[smem:$0x3FAF] =	sst s2  }
0x8f: {  	_ = 	snop  }
0x90: {  	(tm) =	ssettm $0x1  }
0x91: {  	s17 =	sld [smem:$0x3FFB];
	_ =	sdelay $0x3  }
0x92: {  	_ =	strace s17  }
0x93: {  	s2 =	sld [smem:$0x3FFC];
	_ =	sdelay $0x3  }
0x94: {  	_ =	strace s2  }
0x95: {  	s2 =	sld [smem:$0x3FFD];
	_ =	sdelay $0x3  }
0x96: {  	_ =	strace s2  }
0x97: {  	_ =	strace $0x8FFFFFFF  }
0x98: {  	s18 =	sld [smem:$0x3FDB];
	_ =	sdelay $0x1  }
0x99: {  	s19 =	simm.s32 $_scs_section_size  }
0x9a: {  	s4 =	simm.s32 $_size__tile_overlayer_lowered;
	s5 =	simm.s32 $_tile_overlayer_lowered  }
0x9b: {  	s22 =	simm.s32 $0x1BFF;
	s21 =	sshll.u32 s5, $0x1;
	s2 =	sadd.s32 s19, s18  }
0x9c: {  	s6 =	simm.s32 $0x0;
	s20 =	sshll.u32 s4, $0x1;
	s4 =	sadd.s32 s21, s2  }
0x9d: {  	[timem:s6], [sflag:s22] =	dma.local [hbm:s4], s20  }
0x9e: {  	_ =	swait.ge [sflag:s22], s20  }
0x9f: {  	s3 =	ssub.s32 $0x0, s20;
	[sflag:s22] =	ssyncset.done $0x0  }
0xa0: {  	[sflag:s22] =	ssyncadd.s32 s3;
	_ =	sdelay $0x1  }
0xa1: {  	s23 =	simm.s32 $0x1B8B  }
0xa2: {  	_ =	swait.ge [sflag:s23], $0x1  }
0xa3: {  	[sflag:s23] =	ssyncset.done $0x0  }
0xa4: {  	s25 =	simm.s32 $0x1B8E;
	s24 =	sld [smem:$0x3FFE];
	[sflag:s23] =	ssyncadd.s32 $0xFFFFFFFF  }
0xa5: {  	s26 =	simm.s32 $execute0_lowered;
	[smem:$0x3FD2] =	sst s25  }
0xa6: {  	s4 =	sshll.u32 s26, $0x1;
	_ =	strace $0x8000004F;
	[dreg:$0x1] =	wrdreg $0xFFFFFFFF  }
0xa7: {  	s28 =	simm.s32 $_size_execute0_lowered;
	s2 =	sadd.s32 s2, s4;
	[dreg:$0x0] =	wrdreg $0x0  }
0xa8: {  	s4 =	sshll.u32 s28, $0x1;
	[dreg:$0x2] =	wrdreg s2  }
0xa9: {  	[dreg:$0x3] =	wrdreg s4  }
0xaa: {  	[dreg:$0x4] =	wrdreg $0xC0  }
0xab: {  	_ =	task [dreg:s6], $0x5FFFF  }
0xac: {  	[dreg:$0x1] =	wrdreg $0xFFFFFFFF  }
0xad: {  	[dreg:$0x0] =	wrdreg $0x60  }
0xae: {  	[dreg:$0x2] =	wrdreg s24  }
0xaf: {  	[dreg:$0x3] =	wrdreg $0x9  }
0xb0: {  	_ =	task.clear_ibuf [dreg:s6], $0x4FFFF;
	_ =	strace $0x9000004F  }
0xb1: {  	s29 =	simm.s32 $0x9;
	_ =	strace $0x80000051  }
0xb2: {  	_ =	swait.ge [sflag:s29], $0x1  }
0xb3: {  	[sflag:s29] =	ssyncadd.s32 $0xFFFFFFFF  }
0xb4: {  	_ =	strace $0x90000051  }
0xb5: {  	_ =	sfence  }
0xb6: {  	s30 =	sld [smem:$0x0];
	_ =	sdelay $0x2  }
0xb7: {  	s31 =	sshll.u32 s1, $0xD;
	s1 =	sshrl.u32 s1, $0x2  }
0xb8: {  	s3 =	sand.u32 $0x4000, s31;
	s1 =	sadd.s32 s1, s30  }
0xb9: {  	s0 =	sor.u32 s3, s0;
	s1 =	sshll.u32 s1, $0x11  }
0xba: {  	s0 =	sor.u32 s1, s0  }
0xbb: {  	s0 =	sadd.s32 $0x8F2B, s0  }
0xbc: {  	[sflag:s0] =	ssyncadd.remote.s32 $0x1  }
0xbd: {  	_ =	sfence.sel $0xFFFF  }
0xbe: {  	[dreg:$0x0] =	wrdreg $0xFFFFFFFF;
	(pc) =	sbr.abs _section_cstart, $3  }
0xbf: {  	[dreg:$0x1] =	wrdreg $0xFFFFFFFF  }
0xc0: {  	_ =	task.clear_ibuf [dreg:s6], $0x2FFFF;
	_ =	strace $0x9FFFFFFF  }
0xc1: {  	(tm) =	ssettm $0x7FFFFFFF  }
tec
execute0_lowered:
.L_overlay_start_1:
0x0: {  	(tag) =	ssettag $0x1  }
0x1: {  	s0 =	srdreg.scid;
	s5 =	rddreg [dreg:$0x0]  }
0x2: {  	s2 =	simm.s32 $0x0;
	s8 =	simm.s32 $0x7D;
	s4 =	sand.u32 $0x1, s0  }
0x3: {  	s9 =	simm.s32 $0x1;
	s0 =	stileid.u32;
	s1 =	sshll.u32 s4, $0x4  }
0x4: {  	s10 =	simm.s32 $0x1400;
	s11 =	simm.s32 $0x0;
	s3 =	sor.u32 s0, s1  }
0x5: {  	[smem:$0x7FF] =	sst s2;
	s4 =	ssub.s32 $0x2, s4;
	s6 =	smul.u32 $0x280, s3  }
0x6: {  	s1 =	rddreg [dreg:$0x1];
	_ =	strace $0x80000050;
	s7 =	smul.u32 $0x2710, s3  }
0x7: {  	s31 =	sshrl.u32 s4, $0x1;
	s3 =	sadd.s32 $0x9800, s5;
	s6 =	sadd.s32 s6, s5  }
0x8: {  	s5 =	sadd.s32 s7, s5;
	s7 =	ssub.s32 s4, s31;
	s4 =	sadd.s32 $0xE800, s6  }
0x9: {  	s5 =	sadd.s32 $0x13800, s5;
	s6 =	smax.u32 s7, $0x1;
	s7 =	simm.s32 $0x2  }
.LBB2_1:
0xa: {  	[tilespmem:s2], [sflag:$0x2] =	stream.linear.gather [hbm4b:s4+s2], $0x1400, $0x38;
	[tilespmem:$0x14C80] =	vst v63  }
0xb: {  	_ =	swait.ge [sflag:s7], $0x1400  }
0xc: {  	s12 =	simm.s32 $0x200;
	s15 =	simm.s32 $0x0;
	[sflag:s7] =	ssyncset.done $0x0  }
0xd: {  	s13 =	simm.s32 $0x1BD0;
	s14 =	simm.s32 $0x1400;
	[sflag:s7] =	ssyncadd.s32 $0xFFFFEC00  }
.LBB2_2:
0xe: {  	[tilespmem:s14], [sflag:$0x1] =	stream.indirect.gather [hbm4b:s3+s8], $0x10, s15, s8, $0xb8;
	[tilespmem:$0x14C80] =	vst v63  }
0xf: {  	s15 =	smov.u32 s12;
	s14 =	smov.u32 s13;
	p0 =	sne.s32 s12, $0x4E00  }
.Ltmp0:
0x10: {  	s12 =	sadd.s32 $0x200, s12;
	(pc) =	sbr.rel @p0 .LBB2_2-.Ltmp0, $2  }
0x11: {  	_ =	sdelay $0x2  }
0x12: {  	s13 =	sadd.s32 $0x7D0, s13;
	s15 =	sshra.s32 s15, $0x2  }
0x13: {  	[tilespmem:s14], [sflag:$0x1] =	stream.indirect.gather [hbm4b:s3+s8], $0x10, s15, s8, $0xb8;
	[tilespmem:$0x14C80] =	vst v63  }
0x14: {  	s11 =	sadd.s32 $0x1, s11;
	_ =	swait.ge [sflag:s9], $0x13880  }
0x15: {  	p0 =	sne.s32 s11, s6;
	[sflag:s9] =	ssyncset.done $0x0  }
.Ltmp1:
0x16: {  	[sflag:s9] =	ssyncadd.s32 $0xFFFEC780;
	(pc) =	sbr.rel @p0 .LBB2_1-.Ltmp1, $4  }
0x17: {  	[hbm4b:s5+s2] =	stream.linear.scatter [tilespmem:s10], [sflag:$0x2], $0x13880, $0x38;
	[tilespmem:$0x14C80] =	vst v63  }
0x18: {  	_ =	swait.ge [sflag:s7], $0x13880  }
0x19: {  	[sflag:s7] =	ssyncset.done $0x0  }
0x1a: {  	[sflag:s7] =	ssyncadd.s32 $0xFFFEC780  }
0x1b: {  	_ =	sfence.sel $0x180000  }
0x1c: {  	[bflag:$0x0] =	sbarrier.arrive $0xFFFF  }
0x1d: {  	p0 =	sne.s32 s0, $0x0;
	_ =	strace $0x90000050  }
0x1e: {  	s0 =	sadd.s32 @!p0 $0x100000, s1;
	[bflag:$0x2] =	sbarrier.arrive $0xFFFF  }
0x1f: {  	[sflag:s0] =	ssyncadd.tile.s32 @!p0 $0x1;
	_ =	shalt  }
.Lfunc_end2:
_tile_overlayer_lowered:
.L_overlay_start_2:
0x20: {  	(tag) =	ssettag $0x2  }
0x21: {  	s0 =	rddreg [dreg:$0x0];
	s2 =	stileid.u32  }
0x22: {  	s1 =	rddreg [dreg:$0x1];
	p0 =	sne.s32 s2, $0x0  }
0x23: {  	s3 =	rddreg [dreg:$0x2];
	[bflag:$0x3] =	sbarrier.arrive $0xFFFF;
	s2 =	simm.s32 @!p0 $0x1C02  }
0x24: {  	[timem:s3], [sflag:s2] =	dma.local @!p0 [hbm:s0], s1  }
0x25: {  	s0 =	simm.s32 @!p0 $0x2  }
0x26: {  	_ =	swait.ge @!p0 [sflag:s0], s1  }
0x27: {  	s1 =	ssub.s32 @!p0 $0x0, s1;
	[sflag:s0] =	ssyncset.done @!p0 $0x0  }
0x28: {  	[sflag:s0] =	ssyncadd.s32 @!p0 s1  }
0x29: {  	[bflag:$0x3] =	sbarrier.arrive $0xFFFF  }
0x2a: {  	_ =	shalt  }

// kernel: kernel.31.cloned.1.call-start
scs
__scs_entry_jumppad:
0x0: {  	(pc) =	sbr.rel $0x88, $3  }
0x1: {  	(tag) =	ssettag $0x0;
	lr =	simm.s32 $0x1  }
0x2: {  	[smem:$0x3F88] =	sst lr;
	_ =	strace $0xD0000000  }
0x3: {  	_ = 	snop  }
0x4: {  	_ = 	snop  }
0x5: {  	_ = 	snop  }
0x6: {  	_ = 	snop  }
0x7: {  	_ = 	snop  }
__scs_overlays_trampoline_lowered:
0x8: {  	[smem:$0x3F97] =	sst s0  }
0x9: {  	[smem:$0x3F98] =	sst s1  }
0xa: {  	[smem:$0x3F99] =	sst s2  }
0xb: {  	[smem:$0x3F9A] =	sst s3  }
0xc: {  	[smem:$0x3F9B] =	sst s4  }
0xd: {  	[smem:$0x3F9C] =	sst s5  }
0xe: {  	[smem:$0x3F9D] =	sst s6  }
0xf: {  	[smem:$0x3F9E] =	sst s7  }
0x10: {  	[smem:$0x3F9F] =	sst s8  }
0x11: {  	[smem:$0x3FA0] =	sst s9;
	s0 =	simm.s32 @!p0 $0x0  }
0x12: {  	s1 =	sld [smem:$0x3F86];
	s0 =	simm.s32 @p0 $0x1  }
0x13: {  	[smem:$0x3FA1] =	sst s0;
	s0 =	simm.s32 @!p1 $0x0  }
0x14: {  	s2 =	sld [smem:$0x3F85];
	s0 =	simm.s32 @p1 $0x1  }
0x15: {  	[smem:$0x3FA2] =	sst s0;
	s0 =	simm.s32 @!p2 $0x0  }
0x16: {  	s3 =	sld [smem:$0x3FDB];
	s0 =	simm.s32 @p2 $0x1  }
0x17: {  	s4 =	simm.s32 $0x1BF5;
	[smem:$0x3FA4] =	sst s0  }
0x18: {  	s0 =	sld [smem:$0x3F87];
	_ =	swait.ge [sflag:s4], $0x0  }
0x19: {  	s7 =	sld [smem:$0x3F88]  }
0x1a: {  	s8 =	sadd.s32 $0xFFFFE003, lr  }
0x1b: {  	s9 =	sadd.s32 $0xFFFFFEF7, lr;
	s5 =	simm.s32 $0xFFFFFFFF;
	p2 =	slt.u32 s8, $0xFFFFF086  }
0x1c: {  	p1 =	slt.u32 s9, $0xF7A;
	s5 =	simm.s32 @!p2 $0x0  }
0x1d: {  	s5 =	simm.s32 @p1 $0x1;
	p0 =	seq.s32 s7, s2  }
0x1e: {  	s7 =	smul.u32 @!p0 $0xF7A, s2;
	p2 =	seq.s32 @!p0 s5, $0x0  }
0x1f: {  	s9 =	smul.u32 $0xF7A, s1;
	s8 =	simm.s32 @!p0 $0x1BF5;
	p2 =	por !p2, p0  }
0x20: {  	[sflag:s8] =	ssyncset.s32 @!p0 $0xFFFFF086;
	s6 =	sadd.s32 @!p0 s3, s7;
	s7 =	simm.s32 @!p0 $0x108  }
0x21: {  	s3 =	sadd.s32 s3, s9;
	s6 =	sadd.s32 @!p0 $0x88, s6;
	s7 =	simm.s32 @p2 $0x1082  }
0x22: {  	[simem:s7], [sflag:s8] =	dma.local @!p0 [hbm:s6], $0xF7A  }
0x23: {  	s9 =	sor.u32 $0xD0000000, s2;
	s6 =	simm.s32 $0x108;
	_ =	swait.ge @!p0 [sflag:s8], $0x0  }
0x24: {  	s3 =	sadd.s32 $0x88, s3;
	s6 =	simm.s32 @!p1 $0x1082;
	[sflag:s4] =	ssyncset.s32 $0xFFFFF086  }
0x25: {  	[simem:s6], [sflag:s4] =	dma.local [hbm:s3], $0xF7A  }
0x26: {  	[smem:$0x3F88] =	sst s1;
	(tag) =	ssettag s2;
	_ =	strace s9  }
0x27: {  	s1 =	sld [smem:$0x3F98]  }
0x28: {  	s2 =	sld [smem:$0x3F99]  }
0x29: {  	s4 =	sld [smem:$0x3F9B]  }
0x2a: {  	p0 =	seq.s32 s5, $0x0;
	s5 =	sld [smem:$0x3F9C]  }
0x2b: {  	s6 =	sld [smem:$0x3F9D]  }
0x2c: {  	s7 =	sld [smem:$0x3F9E]  }
0x2d: {  	s3 =	simm.s32 $0x108;
	s8 =	sld [smem:$0x3F9F]  }
0x2e: {  	s3 =	simm.s32 @!p0 $0x1082;
	s9 =	sld [smem:$0x3FA0]  }
0x2f: {  	lr =	sadd.s32 s0, s3;
	s0 =	sld [smem:$0x3F97]  }
0x30: {  	s3 =	sld [smem:$0x3F9A]  }
0x31: {  	[smem:$0x3FA3] =	sst s10  }
0x32: {  	s10 =	sld [smem:$0x3FA1];
	_ =	sdelay $0x3  }
0x33: {  	p0 =	seq.s32 s10, $0x1;
	s10 =	sld [smem:$0x3FA3];
	_ =	sdelay $0x3  }
0x34: {  	[smem:$0x3FA3] =	sst s10  }
0x35: {  	s10 =	sld [smem:$0x3FA2];
	_ =	sdelay $0x3  }
0x36: {  	p1 =	seq.s32 s10, $0x1;
	s10 =	sld [smem:$0x3FA3];
	_ =	sdelay $0x3  }
0x37: {  	[smem:$0x3FA3] =	sst s10  }
0x38: {  	s10 =	sld [smem:$0x3FA4]  }
0x39: {  	_ = 	snop;
	(pc) =	sbr.ind lr, $3  }
0x3a: {  	_ = 	snop  }
0x3b: {  	_ = 	snop  }
0x3c: {  	p2 =	seq.s32 s10, $0x1;
	s10 =	sld [smem:$0x3FA3]  }
0x3d: {  	_ =	shalt  }
0x3e: {  	_ =	shalt  }
0x3f: {  	_ =	shalt  }
0x40: {  	_ =	shalt  }
0x41: {  	_ =	shalt  }
0x42: {  	_ =	shalt  }
0x43: {  	_ =	shalt  }
0x44: {  	_ =	shalt  }
0x45: {  	_ =	shalt  }
0x46: {  	_ =	shalt  }
0x47: {  	_ =	shalt  }
0x48: {  	_ =	shalt  }
0x49: {  	_ =	shalt  }
0x4a: {  	_ =	shalt  }
0x4b: {  	_ =	shalt  }
0x4c: {  	_ =	shalt  }
0x4d: {  	_ =	shalt  }
0x4e: {  	_ =	shalt  }
0x4f: {  	_ =	shalt  }
0x50: {  	_ =	shalt  }
0x51: {  	_ =	shalt  }
0x52: {  	_ =	shalt  }
0x53: {  	_ =	shalt  }
0x54: {  	_ =	shalt  }
0x55: {  	_ =	shalt  }
0x56: {  	_ =	shalt  }
0x57: {  	_ =	shalt  }
0x58: {  	_ =	shalt  }
0x59: {  	_ =	shalt  }
0x5a: {  	_ =	shalt  }
0x5b: {  	_ =	shalt  }
0x5c: {  	_ =	shalt  }
0x5d: {  	_ =	shalt  }
0x5e: {  	_ =	shalt  }
0x5f: {  	_ =	shalt  }
0x60: {  	_ =	shalt  }
0x61: {  	_ =	shalt  }
0x62: {  	_ =	shalt  }
0x63: {  	_ =	shalt  }
0x64: {  	_ =	shalt  }
0x65: {  	_ =	shalt  }
0x66: {  	_ =	shalt  }
0x67: {  	_ =	shalt  }
0x68: {  	_ =	shalt  }
0x69: {  	_ =	shalt  }
0x6a: {  	_ =	shalt  }
0x6b: {  	_ =	shalt  }
0x6c: {  	_ =	shalt  }
0x6d: {  	_ =	shalt  }
0x6e: {  	_ =	shalt  }
0x6f: {  	_ =	shalt  }
0x70: {  	_ =	shalt  }
0x71: {  	_ =	shalt  }
0x72: {  	_ =	shalt  }
0x73: {  	_ =	shalt  }
0x74: {  	_ =	shalt  }
0x75: {  	_ =	shalt  }
0x76: {  	_ =	shalt  }
0x77: {  	_ =	shalt  }
0x78: {  	_ =	shalt  }
0x79: {  	_ =	shalt  }
0x7a: {  	_ =	shalt  }
0x7b: {  	_ =	shalt  }
0x7c: {  	_ =	shalt  }
0x7d: {  	_ =	shalt  }
0x7e: {  	_ =	shalt  }
0x7f: {  	_ =	shalt  }
0x80: {  	_ =	shalt  }
0x81: {  	_ =	shalt  }
0x82: {  	_ =	shalt  }
0x83: {  	_ =	shalt  }
0x84: {  	_ =	shalt  }
0x85: {  	_ =	shalt  }
0x86: {  	_ =	shalt  }
0x87: {  	_ =	shalt  }
.Lfunc_end0:
.L_simem_size_0:
called_computation.4_lowered:
.L_overlay_start_0:
0x88: {  	s2 =	sld [smem:$0x3FD9]  }
0x89: {  	s3 =	sld [smem:$0x3FFE];
	_ =	sdelay $0x1  }
0x8a: {  	s1 =	srdreg.scid  }
0x8b: {  	s0 =	sand.u32 $0x1, s1  }
0x8c: {  	s16 =	sshll.u32 s0, $0xA;
	s2 =	sadd.s32 s3, s2  }
0x8d: {  	s2 =	sadd.s32 s2, s16  }
0x8e: {  	[smem:$0x3FAF] =	sst s2  }
0x8f: {  	_ = 	snop  }
0x90: {  	(tm) =	ssettm $0x1  }
0x91: {  	s17 =	sld [smem:$0x3FFB];
	_ =	sdelay $0x3  }
0x92: {  	_ =	strace s17  }
0x93: {  	s2 =	sld [smem:$0x3FFC];
	_ =	sdelay $0x3  }
0x94: {  	_ =	strace s2  }
0x95: {  	s2 =	sld [smem:$0x3FFD];
	_ =	sdelay $0x3  }
0x96: {  	_ =	strace s2  }
0x97: {  	_ =	strace $0x8FFFFFFF  }
0x98: {  	s18 =	sld [smem:$0x3FDB];
	_ =	sdelay $0x1  }
0x99: {  	s19 =	simm.s32 $_scs_section_size  }
0x9a: {  	s4 =	simm.s32 $_size__tile_overlayer_lowered;
	s5 =	simm.s32 $_tile_overlayer_lowered  }
0x9b: {  	s22 =	simm.s32 $0x1BFF;
	s21 =	sshll.u32 s5, $0x1;
	s2 =	sadd.s32 s19, s18  }
0x9c: {  	s6 =	simm.s32 $0x0;
	s20 =	sshll.u32 s4, $0x1;
	s4 =	sadd.s32 s21, s2  }
0x9d: {  	[timem:s6], [sflag:s22] =	dma.local [hbm:s4], s20  }
0x9e: {  	_ =	swait.ge [sflag:s22], s20  }
0x9f: {  	s3 =	ssub.s32 $0x0, s20;
	[sflag:s22] =	ssyncset.done $0x0  }
0xa0: {  	[sflag:s22] =	ssyncadd.s32 s3;
	_ =	sdelay $0x1  }
0xa1: {  	s23 =	simm.s32 $0x1B8B  }
0xa2: {  	_ =	swait.ge [sflag:s23], $0x1  }
0xa3: {  	[sflag:s23] =	ssyncset.done $0x0  }
0xa4: {  	s25 =	simm.s32 $0x1B8E;
	s24 =	sld [smem:$0x3FFE];
	[sflag:s23] =	ssyncadd.s32 $0xFFFFFFFF  }
0xa5: {  	s26 =	simm.s32 $execute0_lowered;
	[smem:$0x3FD2] =	sst s25  }
0xa6: {  	s4 =	sshll.u32 s26, $0x1;
	_ =	strace $0x80000052;
	[dreg:$0x1] =	wrdreg $0xFFFFFFFF  }
0xa7: {  	s28 =	simm.s32 $_size_execute0_lowered;
	s2 =	sadd.s32 s2, s4;
	[dreg:$0x0] =	wrdreg $0x0  }
0xa8: {  	s4 =	sshll.u32 s28, $0x1;
	[dreg:$0x2] =	wrdreg s2  }
0xa9: {  	[dreg:$0x3] =	wrdreg s4  }
0xaa: {  	[dreg:$0x4] =	wrdreg $0xC0  }
0xab: {  	_ =	task [dreg:s6], $0x5FFFF  }
0xac: {  	[dreg:$0x1] =	wrdreg $0xFFFFFFFF  }
0xad: {  	[dreg:$0x0] =	wrdreg $0x60  }
0xae: {  	[dreg:$0x2] =	wrdreg s24  }
0xaf: {  	[dreg:$0x3] =	wrdreg $0x0  }
0xb0: {  	[dreg:$0x4] =	wrdreg $0x9  }
0xb1: {  	_ =	task.clear_ibuf [dreg:s6], $0x5FFFF;
	_ =	strace $0x90000052  }
0xb2: {  	s29 =	simm.s32 $0x9;
	_ =	strace $0x80000054  }
0xb3: {  	_ =	swait.ge [sflag:s29], $0x1  }
0xb4: {  	[sflag:s29] =	ssyncadd.s32 $0xFFFFFFFF  }
0xb5: {  	_ =	strace $0x90000054  }
0xb6: {  	_ =	sfence  }
0xb7: {  	s30 =	sld [smem:$0x0];
	_ =	sdelay $0x2  }
0xb8: {  	s31 =	sshll.u32 s1, $0xD;
	s1 =	sshrl.u32 s1, $0x2  }
0xb9: {  	s3 =	sand.u32 $0x4000, s31;
	s1 =	sadd.s32 s1, s30  }
0xba: {  	s0 =	sor.u32 s3, s0;
	s1 =	sshll.u32 s1, $0x11  }
0xbb: {  	s0 =	sor.u32 s1, s0  }
0xbc: {  	s0 =	sadd.s32 $0x8F2B, s0  }
0xbd: {  	[sflag:s0] =	ssyncadd.remote.s32 $0x1  }
0xbe: {  	_ =	sfence.sel $0xFFFF  }
0xbf: {  	[dreg:$0x0] =	wrdreg $0xFFFFFFFF;
	(pc) =	sbr.abs _section_cstart, $3  }
0xc0: {  	[dreg:$0x1] =	wrdreg $0xFFFFFFFF  }
0xc1: {  	_ =	task.clear_ibuf [dreg:s6], $0x2FFFF;
	_ =	strace $0x9FFFFFFF  }
0xc2: {  	(tm) =	ssettm $0x7FFFFFFF  }
0xc3: {  	_ =	shalt  }
tec
execute0_lowered:
.L_overlay_start_1:
0x0: {  	(tag) =	ssettag $0x1  }
0x1: {  	s0 =	srdreg.scid;
	s5 =	rddreg [dreg:$0x0]  }
0x2: {  	s2 =	rddreg [dreg:$0x1];
	s4 =	sand.u32 $0x1, s0;
	s0 =	stileid.u32  }
0x3: {  	s3 =	simm.s32 $0x0;
	s14 =	simm.s32 $0x1;
	s8 =	smul.u32 $0x4E2, s0  }
0x4: {  	s15 =	simm.s32 $0x0;
	s1 =	sshll.u32 s4, $0x4;
	s9 =	smul.u32 $0x4E20, s4  }
0x5: {  	[smem:$0x7FF] =	sst s3;
	s28 =	smul.u32 $0x9C40, s0;
	s1 =	sor.u32 s0, s1  }
0x6: {  	s26 =	ssub.s32 $0x2, s4;
	s4 =	sadd.s32 $0x66A00, s5;
	s6 =	smul.u32 $0x2710, s1  }
0x7: {  	s31 =	sshll.u32 s0, $0x6;
	s29 =	sshrl.u32 s26, $0x1;
	s7 =	smul.u32 $0x280, s1  }
0x8: {  	s1 =	rddreg [dreg:$0x2];
	_ =	strace $0x80000053;
	s25 =	sadd.s32 s8, s9  }
0x9: {  	s12 =	ssub.s32 s26, s29;
	s30 =	sshrl.u32 s28, $0x2;
	s11 =	sadd.s32 s25, s5  }
0xa: {  	s13 =	sadd.s32 s30, s2;
	s9 =	smax.u32 s12, $0x1;
	s12 =	simm.s32 $0x2710  }
0xb: {  	s10 =	sadd.s32 s6, s5;
	s24 =	sadd.s32 s7, s5;
	s5 =	sor.u32 $0x1C02, s31  }
0xc: {  	s8 =	sadd.s32 $0x70E00, s11;
	s11 =	simm.s32 $0x2;
	s6 =	sadd.s32 $0x61A00, s24  }
0xd: {  	s7 =	sadd.s32 $0x13800, s10;
	s10 =	sshrl.u32 s13, $0x3;
	s13 =	simm.s32 $0x7D  }
.LBB2_1:
0xe: {  	[spmem:s10], [sflag:s5] =	dma.local [hbm:s4], $0x4E2  }
0xf: {  	_ =	swait.ge [sflag:s11], $0x4E2  }
0x10: {  	[sflag:s11] =	ssyncset.done $0x0  }
0x11: {  	[sflag:s11] =	ssyncadd.s32 $0xFFFFFB1E  }
0x12: {  	[tilespmem:s12], [sflag:$0x2] =	stream.linear.gather [hbm4b:s6+s3], $0x1400, $0x38;
	[tilespmem:$0x17390] =	vst v63  }
0x13: {  	_ =	swait.ge [sflag:s11], $0x1400  }
0x14: {  	[sflag:s11] =	ssyncset.done $0x0  }
0x15: {  	s16 =	simm.s32 $0x3B10;
	[sflag:s11] =	ssyncadd.s32 $0xFFFFEC00  }
0x16: {  	[tilespmem:s16], [sflag:$0x2] =	stream.linear.gather [hbm4b:s7+s3], $0x13880, $0x38;
	[tilespmem:$0x17390] =	vst v63  }
0x17: {  	_ =	swait.ge [sflag:s11], $0x13880  }
0x18: {  	[sflag:s11] =	ssyncset.done $0x0  }
0x19: {  	[sflag:s11] =	ssyncadd.s32 $0xFFFEC780  }
0x1a: {  	s17 =	simm.s32 $0x2710;
	[bflag:$0x0] =	sbarrier.arrive $0xFFFF  }
0x1b: {  	[spmem:s2] =	stream.indirect.scatter.add.f32 [tilespmem:s16], [sflag:$0x1], $0x10, s17, s13, $0xb8;
	[tilespmem:$0x17390] =	vst v63  }
0x1c: {  	s17 =	simm.s32 $0x200  }
.LBB2_2:
0x1d: {  	p0 =	sne.s32 s17, $0x4E00  }
.Ltmp0:
0x1e: {  	_ = 	snop;
	(pc) =	sbr.rel @p0 .LBB2_2-.Ltmp0, $4  }
0x1f: {  	_ = 	snop  }
0x20: {  	s18 =	sshra.s32 s17, $0x2;
	s17 =	sadd.s32 $0x200, s17  }
0x21: {  	s16 =	sadd.s32 $0x7D0, s16;
	s18 =	sadd.s32 $0x2710, s18  }
0x22: {  	[spmem:s2] =	stream.indirect.scatter.add.f32 [tilespmem:s16], [sflag:$0x1], $0x10, s18, s13, $0xb8;
	[tilespmem:$0x17390] =	vst v63  }
0x23: {  	_ =	swait.ge [sflag:s14], $0x13880  }
0x24: {  	s15 =	sadd.s32 $0x1, s15;
	[sflag:s14] =	ssyncset.done $0x0  }
0x25: {  	p0 =	sne.s32 s15, s9;
	[sflag:s14] =	ssyncadd.s32 $0xFFFEC780  }
.Ltmp1:
0x26: {  	[bflag:$0x0] =	sbarrier.arrive $0xFFFF;
	(pc) =	sbr.rel @p0 .LBB2_1-.Ltmp1, $4  }
0x27: {  	[hbm:s8], [sflag:s5] =	dma.local [spmem:s10], $0x4E2  }
0x28: {  	_ =	swait.ge [sflag:s11], $0x4E2  }
0x29: {  	[sflag:s11] =	ssyncset.done $0x0  }
0x2a: {  	[sflag:s11] =	ssyncadd.s32 $0xFFFFFB1E  }
0x2b: {  	_ =	sfence.sel $0x180000  }
0x2c: {  	[bflag:$0x0] =	sbarrier.arrive $0xFFFF  }
0x2d: {  	p0 =	sne.s32 s0, $0x0;
	_ =	strace $0x90000053  }
0x2e: {  	s0 =	sadd.s32 @!p0 $0x100000, s1;
	[bflag:$0x2] =	sbarrier.arrive $0xFFFF  }
0x2f: {  	[sflag:s0] =	ssyncadd.tile.s32 @!p0 $0x1;
	_ =	shalt  }
.Lfunc_end2:
_tile_overlayer_lowered:
.L_overlay_start_2:
0x30: {  	(tag) =	ssettag $0x2  }
0x31: {  	s0 =	rddreg [dreg:$0x0];
	s2 =	stileid.u32  }
0x32: {  	s1 =	rddreg [dreg:$0x1];
	p0 =	sne.s32 s2, $0x0  }
0x33: {  	s3 =	rddreg [dreg:$0x2];
	[bflag:$0x3] =	sbarrier.arrive $0xFFFF;
	s2 =	simm.s32 @!p0 $0x1C02  }
0x34: {  	[timem:s3], [sflag:s2] =	dma.local @!p0 [hbm:s0], s1  }
0x35: {  	s0 =	simm.s32 @!p0 $0x2  }
0x36: {  	_ =	swait.ge @!p0 [sflag:s0], s1  }
0x37: {  	s1 =	ssub.s32 @!p0 $0x0, s1;
	[sflag:s0] =	ssyncset.done @!p0 $0x0  }
0x38: {  	[sflag:s0] =	ssyncadd.s32 @!p0 s1  }
0x39: {  	[bflag:$0x3] =	sbarrier.arrive $0xFFFF  }
0x3a: {  	_ =	shalt  }

// kernel: kernel.34.cloned.1.call-start
scs
__scs_entry_jumppad:
0x0: {  	(pc) =	sbr.rel $0x88, $3  }
0x1: {  	(tag) =	ssettag $0x0;
	lr =	simm.s32 $0x1  }
0x2: {  	[smem:$0x3F88] =	sst lr;
	_ =	strace $0xD0000000  }
0x3: {  	_ = 	snop  }
0x4: {  	_ = 	snop  }
0x5: {  	_ = 	snop  }
0x6: {  	_ = 	snop  }
0x7: {  	_ = 	snop  }
__scs_overlays_trampoline_lowered:
0x8: {  	[smem:$0x3F97] =	sst s0  }
0x9: {  	[smem:$0x3F98] =	sst s1  }
0xa: {  	[smem:$0x3F99] =	sst s2  }
0xb: {  	[smem:$0x3F9A] =	sst s3  }
0xc: {  	[smem:$0x3F9B] =	sst s4  }
0xd: {  	[smem:$0x3F9C] =	sst s5  }
0xe: {  	[smem:$0x3F9D] =	sst s6  }
0xf: {  	[smem:$0x3F9E] =	sst s7  }
0x10: {  	[smem:$0x3F9F] =	sst s8  }
0x11: {  	[smem:$0x3FA0] =	sst s9;
	s0 =	simm.s32 @!p0 $0x0  }
0x12: {  	s1 =	sld [smem:$0x3F86];
	s0 =	simm.s32 @p0 $0x1  }
0x13: {  	[smem:$0x3FA1] =	sst s0;
	s0 =	simm.s32 @!p1 $0x0  }
0x14: {  	s2 =	sld [smem:$0x3F85];
	s0 =	simm.s32 @p1 $0x1  }
0x15: {  	[smem:$0x3FA2] =	sst s0;
	s0 =	simm.s32 @!p2 $0x0  }
0x16: {  	s3 =	sld [smem:$0x3FDB];
	s0 =	simm.s32 @p2 $0x1  }
0x17: {  	s4 =	simm.s32 $0x1BF5;
	[smem:$0x3FA4] =	sst s0  }
0x18: {  	s0 =	sld [smem:$0x3F87];
	_ =	swait.ge [sflag:s4], $0x0  }
0x19: {  	s7 =	sld [smem:$0x3F88]  }
0x1a: {  	s8 =	sadd.s32 $0xFFFFE003, lr  }
0x1b: {  	s9 =	sadd.s32 $0xFFFFFEF7, lr;
	s5 =	simm.s32 $0xFFFFFFFF;
	p2 =	slt.u32 s8, $0xFFFFF086  }
0x1c: {  	p1 =	slt.u32 s9, $0xF7A;
	s5 =	simm.s32 @!p2 $0x0  }
0x1d: {  	s5 =	simm.s32 @p1 $0x1;
	p0 =	seq.s32 s7, s2  }
0x1e: {  	s7 =	smul.u32 @!p0 $0xF7A, s2;
	p2 =	seq.s32 @!p0 s5, $0x0  }
0x1f: {  	s9 =	smul.u32 $0xF7A, s1;
	s8 =	simm.s32 @!p0 $0x1BF5;
	p2 =	por !p2, p0  }
0x20: {  	[sflag:s8] =	ssyncset.s32 @!p0 $0xFFFFF086;
	s6 =	sadd.s32 @!p0 s3, s7;
	s7 =	simm.s32 @!p0 $0x108  }
0x21: {  	s3 =	sadd.s32 s3, s9;
	s6 =	sadd.s32 @!p0 $0x88, s6;
	s7 =	simm.s32 @p2 $0x1082  }
0x22: {  	[simem:s7], [sflag:s8] =	dma.local @!p0 [hbm:s6], $0xF7A  }
0x23: {  	s9 =	sor.u32 $0xD0000000, s2;
	s6 =	simm.s32 $0x108;
	_ =	swait.ge @!p0 [sflag:s8], $0x0  }
0x24: {  	s3 =	sadd.s32 $0x88, s3;
	s6 =	simm.s32 @!p1 $0x1082;
	[sflag:s4] =	ssyncset.s32 $0xFFFFF086  }
0x25: {  	[simem:s6], [sflag:s4] =	dma.local [hbm:s3], $0xF7A  }
0x26: {  	[smem:$0x3F88] =	sst s1;
	(tag) =	ssettag s2;
	_ =	strace s9  }
0x27: {  	s1 =	sld [smem:$0x3F98]  }
0x28: {  	s2 =	sld [smem:$0x3F99]  }
0x29: {  	s4 =	sld [smem:$0x3F9B]  }
0x2a: {  	p0 =	seq.s32 s5, $0x0;
	s5 =	sld [smem:$0x3F9C]  }
0x2b: {  	s6 =	sld [smem:$0x3F9D]  }
0x2c: {  	s7 =	sld [smem:$0x3F9E]  }
0x2d: {  	s3 =	simm.s32 $0x108;
	s8 =	sld [smem:$0x3F9F]  }
0x2e: {  	s3 =	simm.s32 @!p0 $0x1082;
	s9 =	sld [smem:$0x3FA0]  }
0x2f: {  	lr =	sadd.s32 s0, s3;
	s0 =	sld [smem:$0x3F97]  }
0x30: {  	s3 =	sld [smem:$0x3F9A]  }
0x31: {  	[smem:$0x3FA3] =	sst s10  }
0x32: {  	s10 =	sld [smem:$0x3FA1];
	_ =	sdelay $0x3  }
0x33: {  	p0 =	seq.s32 s10, $0x1;
	s10 =	sld [smem:$0x3FA3];
	_ =	sdelay $0x3  }
0x34: {  	[smem:$0x3FA3] =	sst s10  }
0x35: {  	s10 =	sld [smem:$0x3FA2];
	_ =	sdelay $0x3  }
0x36: {  	p1 =	seq.s32 s10, $0x1;
	s10 =	sld [smem:$0x3FA3];
	_ =	sdelay $0x3  }
0x37: {  	[smem:$0x3FA3] =	sst s10  }
0x38: {  	s10 =	sld [smem:$0x3FA4]  }
0x39: {  	_ = 	snop;
	(pc) =	sbr.ind lr, $3  }
0x3a: {  	_ = 	snop  }
0x3b: {  	_ = 	snop  }
0x3c: {  	p2 =	seq.s32 s10, $0x1;
	s10 =	sld [smem:$0x3FA3]  }
0x3d: {  	_ =	shalt  }
0x3e: {  	_ =	shalt  }
0x3f: {  	_ =	shalt  }
0x40: {  	_ =	shalt  }
0x41: {  	_ =	shalt  }
0x42: {  	_ =	shalt  }
0x43: {  	_ =	shalt  }
0x44: {  	_ =	shalt  }
0x45: {  	_ =	shalt  }
0x46: {  	_ =	shalt  }
0x47: {  	_ =	shalt  }
0x48: {  	_ =	shalt  }
0x49: {  	_ =	shalt  }
0x4a: {  	_ =	shalt  }
0x4b: {  	_ =	shalt  }
0x4c: {  	_ =	shalt  }
0x4d: {  	_ =	shalt  }
0x4e: {  	_ =	shalt  }
0x4f: {  	_ =	shalt  }
0x50: {  	_ =	shalt  }
0x51: {  	_ =	shalt  }
0x52: {  	_ =	shalt  }
0x53: {  	_ =	shalt  }
0x54: {  	_ =	shalt  }
0x55: {  	_ =	shalt  }
0x56: {  	_ =	shalt  }
0x57: {  	_ =	shalt  }
0x58: {  	_ =	shalt  }
0x59: {  	_ =	shalt  }
0x5a: {  	_ =	shalt  }
0x5b: {  	_ =	shalt  }
0x5c: {  	_ =	shalt  }
0x5d: {  	_ =	shalt  }
0x5e: {  	_ =	shalt  }
0x5f: {  	_ =	shalt  }
0x60: {  	_ =	shalt  }
0x61: {  	_ =	shalt  }
0x62: {  	_ =	shalt  }
0x63: {  	_ =	shalt  }
0x64: {  	_ =	shalt  }
0x65: {  	_ =	shalt  }
0x66: {  	_ =	shalt  }
0x67: {  	_ =	shalt  }
0x68: {  	_ =	shalt  }
0x69: {  	_ =	shalt  }
0x6a: {  	_ =	shalt  }
0x6b: {  	_ =	shalt  }
0x6c: {  	_ =	shalt  }
0x6d: {  	_ =	shalt  }
0x6e: {  	_ =	shalt  }
0x6f: {  	_ =	shalt  }
0x70: {  	_ =	shalt  }
0x71: {  	_ =	shalt  }
0x72: {  	_ =	shalt  }
0x73: {  	_ =	shalt  }
0x74: {  	_ =	shalt  }
0x75: {  	_ =	shalt  }
0x76: {  	_ =	shalt  }
0x77: {  	_ =	shalt  }
0x78: {  	_ =	shalt  }
0x79: {  	_ =	shalt  }
0x7a: {  	_ =	shalt  }
0x7b: {  	_ =	shalt  }
0x7c: {  	_ =	shalt  }
0x7d: {  	_ =	shalt  }
0x7e: {  	_ =	shalt  }
0x7f: {  	_ =	shalt  }
0x80: {  	_ =	shalt  }
0x81: {  	_ =	shalt  }
0x82: {  	_ =	shalt  }
0x83: {  	_ =	shalt  }
0x84: {  	_ =	shalt  }
0x85: {  	_ =	shalt  }
0x86: {  	_ =	shalt  }
0x87: {  	_ =	shalt  }
.Lfunc_end0:
.L_simem_size_0:
called_computation.5_lowered:
.L_overlay_start_0:
0x88: {  	s2 =	sld [smem:$0x3FD9]  }
0x89: {  	s3 =	sld [smem:$0x3FFE];
	_ =	sdelay $0x1  }
0x8a: {  	s1 =	srdreg.scid  }
0x8b: {  	s0 =	sand.u32 $0x1, s1  }
0x8c: {  	s16 =	sshll.u32 s0, $0xA;
	s2 =	sadd.s32 s3, s2  }
0x8d: {  	s2 =	sadd.s32 s2, s16  }
0x8e: {  	[smem:$0x3FAF] =	sst s2  }
0x8f: {  	_ = 	snop  }
0x90: {  	(tm) =	ssettm $0x1  }
0x91: {  	s17 =	sld [smem:$0x3FFB];
	_ =	sdelay $0x3  }
0x92: {  	_ =	strace s17  }
0x93: {  	s2 =	sld [smem:$0x3FFC];
	_ =	sdelay $0x3  }
0x94: {  	_ =	strace s2  }
0x95: {  	s2 =	sld [smem:$0x3FFD];
	_ =	sdelay $0x3  }
0x96: {  	_ =	strace s2  }
0x97: {  	_ =	strace $0x8FFFFFFF  }
0x98: {  	s18 =	sld [smem:$0x3FDB];
	_ =	sdelay $0x1  }
0x99: {  	s19 =	simm.s32 $_scs_section_size  }
0x9a: {  	s4 =	simm.s32 $_size__tile_overlayer_lowered;
	s5 =	simm.s32 $_tile_overlayer_lowered  }
0x9b: {  	s22 =	simm.s32 $0x1BFF;
	s21 =	sshll.u32 s5, $0x1;
	s2 =	sadd.s32 s19, s18  }
0x9c: {  	s6 =	simm.s32 $0x0;
	s20 =	sshll.u32 s4, $0x1;
	s4 =	sadd.s32 s21, s2  }
0x9d: {  	[timem:s6], [sflag:s22] =	dma.local [hbm:s4], s20  }
0x9e: {  	_ =	swait.ge [sflag:s22], s20  }
0x9f: {  	s3 =	ssub.s32 $0x0, s20;
	[sflag:s22] =	ssyncset.done $0x0  }
0xa0: {  	[sflag:s22] =	ssyncadd.s32 s3;
	_ =	sdelay $0x1  }
0xa1: {  	s23 =	simm.s32 $0x1B8B  }
0xa2: {  	_ =	swait.ge [sflag:s23], $0x1  }
0xa3: {  	[sflag:s23] =	ssyncset.done $0x0  }
0xa4: {  	s25 =	simm.s32 $0x1B8E;
	s24 =	sld [smem:$0x3FFE];
	[sflag:s23] =	ssyncadd.s32 $0xFFFFFFFF  }
0xa5: {  	s26 =	simm.s32 $execute0_lowered;
	[smem:$0x3FD2] =	sst s25  }
0xa6: {  	s4 =	sshll.u32 s26, $0x1;
	_ =	strace $0x80000055;
	[dreg:$0x1] =	wrdreg $0xFFFFFFFF  }
0xa7: {  	s28 =	simm.s32 $_size_execute0_lowered;
	s2 =	sadd.s32 s2, s4;
	[dreg:$0x0] =	wrdreg $0x0  }
0xa8: {  	s4 =	sshll.u32 s28, $0x1;
	[dreg:$0x2] =	wrdreg s2  }
0xa9: {  	[dreg:$0x3] =	wrdreg s4  }
0xaa: {  	[dreg:$0x4] =	wrdreg $0xC0  }
0xab: {  	_ =	task [dreg:s6], $0x5FFFF  }
0xac: {  	[dreg:$0x1] =	wrdreg $0xFFFFFFFF  }
0xad: {  	[dreg:$0x0] =	wrdreg $0x60  }
0xae: {  	[dreg:$0x2] =	wrdreg s24  }
0xaf: {  	[dreg:$0x3] =	wrdreg $0x9  }
0xb0: {  	_ =	task.clear_ibuf [dreg:s6], $0x4FFFF;
	_ =	strace $0x90000055  }
0xb1: {  	s29 =	simm.s32 $0x9;
	_ =	strace $0x80000057  }
0xb2: {  	_ =	swait.ge [sflag:s29], $0x1  }
0xb3: {  	[sflag:s29] =	ssyncadd.s32 $0xFFFFFFFF  }
0xb4: {  	_ =	strace $0x90000057  }
0xb5: {  	_ =	sfence  }
0xb6: {  	s30 =	sld [smem:$0x0];
	_ =	sdelay $0x2  }
0xb7: {  	s31 =	sshll.u32 s1, $0xD;
	s1 =	sshrl.u32 s1, $0x2  }
0xb8: {  	s3 =	sand.u32 $0x4000, s31;
	s1 =	sadd.s32 s1, s30  }
0xb9: {  	s0 =	sor.u32 s3, s0;
	s1 =	sshll.u32 s1, $0x11  }
0xba: {  	s0 =	sor.u32 s1, s0  }
0xbb: {  	s0 =	sadd.s32 $0x8F2B, s0  }
0xbc: {  	[sflag:s0] =	ssyncadd.remote.s32 $0x1  }
0xbd: {  	_ =	sfence.sel $0xFFFF  }
0xbe: {  	[dreg:$0x0] =	wrdreg $0xFFFFFFFF;
	(pc) =	sbr.abs _section_cstart, $3  }
0xbf: {  	[dreg:$0x1] =	wrdreg $0xFFFFFFFF  }
0xc0: {  	_ =	task.clear_ibuf [dreg:s6], $0x2FFFF;
	_ =	strace $0x9FFFFFFF  }
0xc1: {  	(tm) =	ssettm $0x7FFFFFFF  }
tec
execute0_lowered:
.L_overlay_start_1:
0x0: {  	(tag) =	ssettag $0x1  }
0x1: {  	s0 =	srdreg.scid;
	s5 =	rddreg [dreg:$0x0]  }
0x2: {  	s2 =	simm.s32 $0x0;
	s8 =	simm.s32 $0x7D;
	s4 =	sand.u32 $0x1, s0  }
0x3: {  	s9 =	simm.s32 $0x1;
	s0 =	stileid.u32;
	s1 =	sshll.u32 s4, $0x4  }
0x4: {  	s10 =	simm.s32 $0x1400;
	s11 =	simm.s32 $0x0;
	s3 =	sor.u32 s0, s1  }
0x5: {  	[smem:$0x7FF] =	sst s2;
	s4 =	ssub.s32 $0x2, s4;
	s6 =	smul.u32 $0x280, s3  }
0x6: {  	s1 =	rddreg [dreg:$0x1];
	_ =	strace $0x80000056;
	s7 =	smul.u32 $0x2710, s3  }
0x7: {  	s31 =	sshrl.u32 s4, $0x1;
	s3 =	sadd.s32 $0x9800, s5;
	s6 =	sadd.s32 s6, s5  }
0x8: {  	s5 =	sadd.s32 s7, s5;
	s7 =	ssub.s32 s4, s31;
	s4 =	sadd.s32 $0xE800, s6  }
0x9: {  	s5 =	sadd.s32 $0x13800, s5;
	s6 =	smax.u32 s7, $0x1;
	s7 =	simm.s32 $0x2  }
.LBB2_1:
0xa: {  	[tilespmem:s2], [sflag:$0x2] =	stream.linear.gather [hbm4b:s4+s2], $0x1400, $0x38;
	[tilespmem:$0x14C80] =	vst v63  }
0xb: {  	_ =	swait.ge [sflag:s7], $0x1400  }
0xc: {  	s12 =	simm.s32 $0x200;
	s15 =	simm.s32 $0x0;
	[sflag:s7] =	ssyncset.done $0x0  }
0xd: {  	s13 =	simm.s32 $0x1BD0;
	s14 =	simm.s32 $0x1400;
	[sflag:s7] =	ssyncadd.s32 $0xFFFFEC00  }
.LBB2_2:
0xe: {  	[tilespmem:s14], [sflag:$0x1] =	stream.indirect.gather [hbm4b:s3+s8], $0x10, s15, s8, $0xb8;
	[tilespmem:$0x14C80] =	vst v63  }
0xf: {  	s15 =	smov.u32 s12;
	s14 =	smov.u32 s13;
	p0 =	sne.s32 s12, $0x4E00  }
.Ltmp0:
0x10: {  	s12 =	sadd.s32 $0x200, s12;
	(pc) =	sbr.rel @p0 .LBB2_2-.Ltmp0, $2  }
0x11: {  	_ =	sdelay $0x2  }
0x12: {  	s13 =	sadd.s32 $0x7D0, s13;
	s15 =	sshra.s32 s15, $0x2  }
0x13: {  	[tilespmem:s14], [sflag:$0x1] =	stream.indirect.gather [hbm4b:s3+s8], $0x10, s15, s8, $0xb8;
	[tilespmem:$0x14C80] =	vst v63  }
0x14: {  	s11 =	sadd.s32 $0x1, s11;
	_ =	swait.ge [sflag:s9], $0x13880  }
0x15: {  	p0 =	sne.s32 s11, s6;
	[sflag:s9] =	ssyncset.done $0x0  }
.Ltmp1:
0x16: {  	[sflag:s9] =	ssyncadd.s32 $0xFFFEC780;
	(pc) =	sbr.rel @p0 .LBB2_1-.Ltmp1, $4  }
0x17: {  	[hbm4b:s5+s2] =	stream.linear.scatter [tilespmem:s10], [sflag:$0x2], $0x13880, $0x38;
	[tilespmem:$0x14C80] =	vst v63  }
0x18: {  	_ =	swait.ge [sflag:s7], $0x13880  }
0x19: {  	[sflag:s7] =	ssyncset.done $0x0  }
0x1a: {  	[sflag:s7] =	ssyncadd.s32 $0xFFFEC780  }
0x1b: {  	_ =	sfence.sel $0x180000  }
0x1c: {  	[bflag:$0x0] =	sbarrier.arrive $0xFFFF  }
0x1d: {  	p0 =	sne.s32 s0, $0x0;
	_ =	strace $0x90000056  }
0x1e: {  	s0 =	sadd.s32 @!p0 $0x100000, s1;
	[bflag:$0x2] =	sbarrier.arrive $0xFFFF  }
0x1f: {  	[sflag:s0] =	ssyncadd.tile.s32 @!p0 $0x1;
	_ =	shalt  }
.Lfunc_end2:
_tile_overlayer_lowered:
.L_overlay_start_2:
0x20: {  	(tag) =	ssettag $0x2  }
0x21: {  	s0 =	rddreg [dreg:$0x0];
	s2 =	stileid.u32  }
0x22: {  	s1 =	rddreg [dreg:$0x1];
	p0 =	sne.s32 s2, $0x0  }
0x23: {  	s3 =	rddreg [dreg:$0x2];
	[bflag:$0x3] =	sbarrier.arrive $0xFFFF;
	s2 =	simm.s32 @!p0 $0x1C02  }
0x24: {  	[timem:s3], [sflag:s2] =	dma.local @!p0 [hbm:s0], s1  }
0x25: {  	s0 =	simm.s32 @!p0 $0x2  }
0x26: {  	_ =	swait.ge @!p0 [sflag:s0], s1  }
0x27: {  	s1 =	ssub.s32 @!p0 $0x0, s1;
	[sflag:s0] =	ssyncset.done @!p0 $0x0  }
0x28: {  	[sflag:s0] =	ssyncadd.s32 @!p0 s1  }
0x29: {  	[bflag:$0x3] =	sbarrier.arrive $0xFFFF  }
0x2a: {  	_ =	shalt  }

// kernel: kernel.37.cloned.1.call-start
scs
__scs_entry_jumppad:
0x0: {  	(pc) =	sbr.rel $0x88, $3  }
0x1: {  	(tag) =	ssettag $0x0;
	lr =	simm.s32 $0x1  }
0x2: {  	[smem:$0x3F88] =	sst lr;
	_ =	strace $0xD0000000  }
0x3: {  	_ = 	snop  }
0x4: {  	_ = 	snop  }
0x5: {  	_ = 	snop  }
0x6: {  	_ = 	snop  }
0x7: {  	_ = 	snop  }
__scs_overlays_trampoline_lowered:
0x8: {  	[smem:$0x3F97] =	sst s0  }
0x9: {  	[smem:$0x3F98] =	sst s1  }
0xa: {  	[smem:$0x3F99] =	sst s2  }
0xb: {  	[smem:$0x3F9A] =	sst s3  }
0xc: {  	[smem:$0x3F9B] =	sst s4  }
0xd: {  	[smem:$0x3F9C] =	sst s5  }
0xe: {  	[smem:$0x3F9D] =	sst s6  }
0xf: {  	[smem:$0x3F9E] =	sst s7  }
0x10: {  	[smem:$0x3F9F] =	sst s8  }
0x11: {  	[smem:$0x3FA0] =	sst s9;
	s0 =	simm.s32 @!p0 $0x0  }
0x12: {  	s1 =	sld [smem:$0x3F86];
	s0 =	simm.s32 @p0 $0x1  }
0x13: {  	[smem:$0x3FA1] =	sst s0;
	s0 =	simm.s32 @!p1 $0x0  }
0x14: {  	s2 =	sld [smem:$0x3F85];
	s0 =	simm.s32 @p1 $0x1  }
0x15: {  	[smem:$0x3FA2] =	sst s0;
	s0 =	simm.s32 @!p2 $0x0  }
0x16: {  	s3 =	sld [smem:$0x3FDB];
	s0 =	simm.s32 @p2 $0x1  }
0x17: {  	s4 =	simm.s32 $0x1BF5;
	[smem:$0x3FA4] =	sst s0  }
0x18: {  	s0 =	sld [smem:$0x3F87];
	_ =	swait.ge [sflag:s4], $0x0  }
0x19: {  	s7 =	sld [smem:$0x3F88]  }
0x1a: {  	s8 =	sadd.s32 $0xFFFFE003, lr  }
0x1b: {  	s9 =	sadd.s32 $0xFFFFFEF7, lr;
	s5 =	simm.s32 $0xFFFFFFFF;
	p2 =	slt.u32 s8, $0xFFFFF086  }
0x1c: {  	p1 =	slt.u32 s9, $0xF7A;
	s5 =	simm.s32 @!p2 $0x0  }
0x1d: {  	s5 =	simm.s32 @p1 $0x1;
	p0 =	seq.s32 s7, s2  }
0x1e: {  	s7 =	smul.u32 @!p0 $0xF7A, s2;
	p2 =	seq.s32 @!p0 s5, $0x0  }
0x1f: {  	s9 =	smul.u32 $0xF7A, s1;
	s8 =	simm.s32 @!p0 $0x1BF5;
	p2 =	por !p2, p0  }
0x20: {  	[sflag:s8] =	ssyncset.s32 @!p0 $0xFFFFF086;
	s6 =	sadd.s32 @!p0 s3, s7;
	s7 =	simm.s32 @!p0 $0x108  }
0x21: {  	s3 =	sadd.s32 s3, s9;
	s6 =	sadd.s32 @!p0 $0x88, s6;
	s7 =	simm.s32 @p2 $0x1082  }
0x22: {  	[simem:s7], [sflag:s8] =	dma.local @!p0 [hbm:s6], $0xF7A  }
0x23: {  	s9 =	sor.u32 $0xD0000000, s2;
	s6 =	simm.s32 $0x108;
	_ =	swait.ge @!p0 [sflag:s8], $0x0  }
0x24: {  	s3 =	sadd.s32 $0x88, s3;
	s6 =	simm.s32 @!p1 $0x1082;
	[sflag:s4] =	ssyncset.s32 $0xFFFFF086  }
0x25: {  	[simem:s6], [sflag:s4] =	dma.local [hbm:s3], $0xF7A  }
0x26: {  	[smem:$0x3F88] =	sst s1;
	(tag) =	ssettag s2;
	_ =	strace s9  }
0x27: {  	s1 =	sld [smem:$0x3F98]  }
0x28: {  	s2 =	sld [smem:$0x3F99]  }
0x29: {  	s4 =	sld [smem:$0x3F9B]  }
0x2a: {  	p0 =	seq.s32 s5, $0x0;
	s5 =	sld [smem:$0x3F9C]  }
0x2b: {  	s6 =	sld [smem:$0x3F9D]  }
0x2c: {  	s7 =	sld [smem:$0x3F9E]  }
0x2d: {  	s3 =	simm.s32 $0x108;
	s8 =	sld [smem:$0x3F9F]  }
0x2e: {  	s3 =	simm.s32 @!p0 $0x1082;
	s9 =	sld [smem:$0x3FA0]  }
0x2f: {  	lr =	sadd.s32 s0, s3;
	s0 =	sld [smem:$0x3F97]  }
0x30: {  	s3 =	sld [smem:$0x3F9A]  }
0x31: {  	[smem:$0x3FA3] =	sst s10  }
0x32: {  	s10 =	sld [smem:$0x3FA1];
	_ =	sdelay $0x3  }
0x33: {  	p0 =	seq.s32 s10, $0x1;
	s10 =	sld [smem:$0x3FA3];
	_ =	sdelay $0x3  }
0x34: {  	[smem:$0x3FA3] =	sst s10  }
0x35: {  	s10 =	sld [smem:$0x3FA2];
	_ =	sdelay $0x3  }
0x36: {  	p1 =	seq.s32 s10, $0x1;
	s10 =	sld [smem:$0x3FA3];
	_ =	sdelay $0x3  }
0x37: {  	[smem:$0x3FA3] =	sst s10  }
0x38: {  	s10 =	sld [smem:$0x3FA4]  }
0x39: {  	_ = 	snop;
	(pc) =	sbr.ind lr, $3  }
0x3a: {  	_ = 	snop  }
0x3b: {  	_ = 	snop  }
0x3c: {  	p2 =	seq.s32 s10, $0x1;
	s10 =	sld [smem:$0x3FA3]  }
0x3d: {  	_ =	shalt  }
0x3e: {  	_ =	shalt  }
0x3f: {  	_ =	shalt  }
0x40: {  	_ =	shalt  }
0x41: {  	_ =	shalt  }
0x42: {  	_ =	shalt  }
0x43: {  	_ =	shalt  }
0x44: {  	_ =	shalt  }
0x45: {  	_ =	shalt  }
0x46: {  	_ =	shalt  }
0x47: {  	_ =	shalt  }
0x48: {  	_ =	shalt  }
0x49: {  	_ =	shalt  }
0x4a: {  	_ =	shalt  }
0x4b: {  	_ =	shalt  }
0x4c: {  	_ =	shalt  }
0x4d: {  	_ =	shalt  }
0x4e: {  	_ =	shalt  }
0x4f: {  	_ =	shalt  }
0x50: {  	_ =	shalt  }
0x51: {  	_ =	shalt  }
0x52: {  	_ =	shalt  }
0x53: {  	_ =	shalt  }
0x54: {  	_ =	shalt  }
0x55: {  	_ =	shalt  }
0x56: {  	_ =	shalt  }
0x57: {  	_ =	shalt  }
0x58: {  	_ =	shalt  }
0x59: {  	_ =	shalt  }
0x5a: {  	_ =	shalt  }
0x5b: {  	_ =	shalt  }
0x5c: {  	_ =	shalt  }
0x5d: {  	_ =	shalt  }
0x5e: {  	_ =	shalt  }
0x5f: {  	_ =	shalt  }
0x60: {  	_ =	shalt  }
0x61: {  	_ =	shalt  }
0x62: {  	_ =	shalt  }
0x63: {  	_ =	shalt  }
0x64: {  	_ =	shalt  }
0x65: {  	_ =	shalt  }
0x66: {  	_ =	shalt  }
0x67: {  	_ =	shalt  }
0x68: {  	_ =	shalt  }
0x69: {  	_ =	shalt  }
0x6a: {  	_ =	shalt  }
0x6b: {  	_ =	shalt  }
0x6c: {  	_ =	shalt  }
0x6d: {  	_ =	shalt  }
0x6e: {  	_ =	shalt  }
0x6f: {  	_ =	shalt  }
0x70: {  	_ =	shalt  }
0x71: {  	_ =	shalt  }
0x72: {  	_ =	shalt  }
0x73: {  	_ =	shalt  }
0x74: {  	_ =	shalt  }
0x75: {  	_ =	shalt  }
0x76: {  	_ =	shalt  }
0x77: {  	_ =	shalt  }
0x78: {  	_ =	shalt  }
0x79: {  	_ =	shalt  }
0x7a: {  	_ =	shalt  }
0x7b: {  	_ =	shalt  }
0x7c: {  	_ =	shalt  }
0x7d: {  	_ =	shalt  }
0x7e: {  	_ =	shalt  }
0x7f: {  	_ =	shalt  }
0x80: {  	_ =	shalt  }
0x81: {  	_ =	shalt  }
0x82: {  	_ =	shalt  }
0x83: {  	_ =	shalt  }
0x84: {  	_ =	shalt  }
0x85: {  	_ =	shalt  }
0x86: {  	_ =	shalt  }
0x87: {  	_ =	shalt  }
.Lfunc_end0:
.L_simem_size_0:
called_computation.6_lowered:
.L_overlay_start_0:
0x88: {  	s2 =	sld [smem:$0x3FD9]  }
0x89: {  	s3 =	sld [smem:$0x3FFE];
	_ =	sdelay $0x1  }
0x8a: {  	s1 =	srdreg.scid  }
0x8b: {  	s0 =	sand.u32 $0x1, s1  }
0x8c: {  	s16 =	sshll.u32 s0, $0xA;
	s2 =	sadd.s32 s3, s2  }
0x8d: {  	s2 =	sadd.s32 s2, s16  }
0x8e: {  	[smem:$0x3FAF] =	sst s2  }
0x8f: {  	_ = 	snop  }
0x90: {  	(tm) =	ssettm $0x1  }
0x91: {  	s17 =	sld [smem:$0x3FFB];
	_ =	sdelay $0x3  }
0x92: {  	_ =	strace s17  }
0x93: {  	s2 =	sld [smem:$0x3FFC];
	_ =	sdelay $0x3  }
0x94: {  	_ =	strace s2  }
0x95: {  	s2 =	sld [smem:$0x3FFD];
	_ =	sdelay $0x3  }
0x96: {  	_ =	strace s2  }
0x97: {  	_ =	strace $0x8FFFFFFF  }
0x98: {  	s18 =	sld [smem:$0x3FDB];
	_ =	sdelay $0x1  }
0x99: {  	s19 =	simm.s32 $_scs_section_size  }
0x9a: {  	s4 =	simm.s32 $_size__tile_overlayer_lowered;
	s5 =	simm.s32 $_tile_overlayer_lowered  }
0x9b: {  	s22 =	simm.s32 $0x1BFF;
	s21 =	sshll.u32 s5, $0x1;
	s2 =	sadd.s32 s19, s18  }
0x9c: {  	s6 =	simm.s32 $0x0;
	s20 =	sshll.u32 s4, $0x1;
	s4 =	sadd.s32 s21, s2  }
0x9d: {  	[timem:s6], [sflag:s22] =	dma.local [hbm:s4], s20  }
0x9e: {  	_ =	swait.ge [sflag:s22], s20  }
0x9f: {  	s3 =	ssub.s32 $0x0, s20;
	[sflag:s22] =	ssyncset.done $0x0  }
0xa0: {  	[sflag:s22] =	ssyncadd.s32 s3;
	_ =	sdelay $0x1  }
0xa1: {  	s23 =	simm.s32 $0x1B8B  }
0xa2: {  	_ =	swait.ge [sflag:s23], $0x1  }
0xa3: {  	[sflag:s23] =	ssyncset.done $0x0  }
0xa4: {  	s25 =	simm.s32 $0x1B8E;
	s24 =	sld [smem:$0x3FFE];
	[sflag:s23] =	ssyncadd.s32 $0xFFFFFFFF  }
0xa5: {  	s26 =	simm.s32 $execute0_lowered;
	[smem:$0x3FD2] =	sst s25  }
0xa6: {  	s4 =	sshll.u32 s26, $0x1;
	_ =	strace $0x80000058;
	[dreg:$0x1] =	wrdreg $0xFFFFFFFF  }
0xa7: {  	s28 =	simm.s32 $_size_execute0_lowered;
	s2 =	sadd.s32 s2, s4;
	[dreg:$0x0] =	wrdreg $0x0  }
0xa8: {  	s4 =	sshll.u32 s28, $0x1;
	[dreg:$0x2] =	wrdreg s2  }
0xa9: {  	[dreg:$0x3] =	wrdreg s4  }
0xaa: {  	[dreg:$0x4] =	wrdreg $0xC0  }
0xab: {  	_ =	task [dreg:s6], $0x5FFFF  }
0xac: {  	[dreg:$0x1] =	wrdreg $0xFFFFFFFF  }
0xad: {  	[dreg:$0x0] =	wrdreg $0x60  }
0xae: {  	[dreg:$0x2] =	wrdreg s24  }
0xaf: {  	[dreg:$0x3] =	wrdreg $0x0  }
0xb0: {  	[dreg:$0x4] =	wrdreg $0x9  }
0xb1: {  	_ =	task.clear_ibuf [dreg:s6], $0x5FFFF;
	_ =	strace $0x90000058  }
0xb2: {  	s29 =	simm.s32 $0x9;
	_ =	strace $0x8000005A  }
0xb3: {  	_ =	swait.ge [sflag:s29], $0x1  }
0xb4: {  	[sflag:s29] =	ssyncadd.s32 $0xFFFFFFFF  }
0xb5: {  	_ =	strace $0x9000005A  }
0xb6: {  	_ =	sfence  }
0xb7: {  	s30 =	sld [smem:$0x0];
	_ =	sdelay $0x2  }
0xb8: {  	s31 =	sshll.u32 s1, $0xD;
	s1 =	sshrl.u32 s1, $0x2  }
0xb9: {  	s3 =	sand.u32 $0x4000, s31;
	s1 =	sadd.s32 s1, s30  }
0xba: {  	s0 =	sor.u32 s3, s0;
	s1 =	sshll.u32 s1, $0x11  }
0xbb: {  	s0 =	sor.u32 s1, s0  }
0xbc: {  	s0 =	sadd.s32 $0x8F2B, s0  }
0xbd: {  	[sflag:s0] =	ssyncadd.remote.s32 $0x1  }
0xbe: {  	_ =	sfence.sel $0xFFFF  }
0xbf: {  	[dreg:$0x0] =	wrdreg $0xFFFFFFFF;
	(pc) =	sbr.abs _section_cstart, $3  }
0xc0: {  	[dreg:$0x1] =	wrdreg $0xFFFFFFFF  }
0xc1: {  	_ =	task.clear_ibuf [dreg:s6], $0x2FFFF;
	_ =	strace $0x9FFFFFFF  }
0xc2: {  	(tm) =	ssettm $0x7FFFFFFF  }
0xc3: {  	_ =	shalt  }
tec
execute0_lowered:
.L_overlay_start_1:
0x0: {  	(tag) =	ssettag $0x1  }
0x1: {  	s0 =	srdreg.scid;
	s5 =	rddreg [dreg:$0x0]  }
0x2: {  	s2 =	rddreg [dreg:$0x1];
	s4 =	sand.u32 $0x1, s0;
	s0 =	stileid.u32  }
0x3: {  	s3 =	simm.s32 $0x0;
	s14 =	simm.s32 $0x1;
	s8 =	smul.u32 $0x4E2, s0  }
0x4: {  	s15 =	simm.s32 $0x0;
	s1 =	sshll.u32 s4, $0x4;
	s9 =	smul.u32 $0x4E20, s4  }
0x5: {  	[smem:$0x7FF] =	sst s3;
	s28 =	smul.u32 $0x9C40, s0;
	s1 =	sor.u32 s0, s1  }
0x6: {  	s26 =	ssub.s32 $0x2, s4;
	s4 =	sadd.s32 $0x66A00, s5;
	s6 =	smul.u32 $0x2710, s1  }
0x7: {  	s31 =	sshll.u32 s0, $0x6;
	s29 =	sshrl.u32 s26, $0x1;
	s7 =	smul.u32 $0x280, s1  }
0x8: {  	s1 =	rddreg [dreg:$0x2];
	_ =	strace $0x80000059;
	s25 =	sadd.s32 s8, s9  }
0x9: {  	s12 =	ssub.s32 s26, s29;
	s30 =	sshrl.u32 s28, $0x2;
	s11 =	sadd.s32 s25, s5  }
0xa: {  	s13 =	sadd.s32 s30, s2;
	s9 =	smax.u32 s12, $0x1;
	s12 =	simm.s32 $0x2710  }
0xb: {  	s10 =	sadd.s32 s6, s5;
	s24 =	sadd.s32 s7, s5;
	s5 =	sor.u32 $0x1C02, s31  }
0xc: {  	s8 =	sadd.s32 $0x67000, s11;
	s11 =	simm.s32 $0x2;
	s6 =	sadd.s32 $0x61A00, s24  }
0xd: {  	s7 =	sadd.s32 $0x13800, s10;
	s10 =	sshrl.u32 s13, $0x3;
	s13 =	simm.s32 $0x7D  }
.LBB2_1:
0xe: {  	[spmem:s10], [sflag:s5] =	dma.local [hbm:s4], $0x4E2  }
0xf: {  	_ =	swait.ge [sflag:s11], $0x4E2  }
0x10: {  	[sflag:s11] =	ssyncset.done $0x0  }
0x11: {  	[sflag:s11] =	ssyncadd.s32 $0xFFFFFB1E  }
0x12: {  	[tilespmem:s12], [sflag:$0x2] =	stream.linear.gather [hbm4b:s6+s3], $0x1400, $0x38;
	[tilespmem:$0x17390] =	vst v63  }
0x13: {  	_ =	swait.ge [sflag:s11], $0x1400  }
0x14: {  	[sflag:s11] =	ssyncset.done $0x0  }
0x15: {  	s16 =	simm.s32 $0x3B10;
	[sflag:s11] =	ssyncadd.s32 $0xFFFFEC00  }
0x16: {  	[tilespmem:s16], [sflag:$0x2] =	stream.linear.gather [hbm4b:s7+s3], $0x13880, $0x38;
	[tilespmem:$0x17390] =	vst v63  }
0x17: {  	_ =	swait.ge [sflag:s11], $0x13880  }
0x18: {  	[sflag:s11] =	ssyncset.done $0x0  }
0x19: {  	[sflag:s11] =	ssyncadd.s32 $0xFFFEC780  }
0x1a: {  	s17 =	simm.s32 $0x2710;
	[bflag:$0x0] =	sbarrier.arrive $0xFFFF  }
0x1b: {  	[spmem:s2] =	stream.indirect.scatter.add.f32 [tilespmem:s16], [sflag:$0x1], $0x10, s17, s13, $0xb8;
	[tilespmem:$0x17390] =	vst v63  }
0x1c: {  	s17 =	simm.s32 $0x200  }
.LBB2_2:
0x1d: {  	p0 =	sne.s32 s17, $0x4E00  }
.Ltmp0:
0x1e: {  	_ = 	snop;
	(pc) =	sbr.rel @p0 .LBB2_2-.Ltmp0, $4  }
0x1f: {  	_ = 	snop  }
0x20: {  	s18 =	sshra.s32 s17, $0x2;
	s17 =	sadd.s32 $0x200, s17  }
0x21: {  	s16 =	sadd.s32 $0x7D0, s16;
	s18 =	sadd.s32 $0x2710, s18  }
0x22: {  	[spmem:s2] =	stream.indirect.scatter.add.f32 [tilespmem:s16], [sflag:$0x1], $0x10, s18, s13, $0xb8;
	[tilespmem:$0x17390] =	vst v63  }
0x23: {  	_ =	swait.ge [sflag:s14], $0x13880  }
0x24: {  	s15 =	sadd.s32 $0x1, s15;
	[sflag:s14] =	ssyncset.done $0x0  }
0x25: {  	p0 =	sne.s32 s15, s9;
	[sflag:s14] =	ssyncadd.s32 $0xFFFEC780  }
.Ltmp1:
0x26: {  	[bflag:$0x0] =	sbarrier.arrive $0xFFFF;
	(pc) =	sbr.rel @p0 .LBB2_1-.Ltmp1, $4  }
0x27: {  	[hbm:s8], [sflag:s5] =	dma.local [spmem:s10], $0x4E2  }
0x28: {  	_ =	swait.ge [sflag:s11], $0x4E2  }
0x29: {  	[sflag:s11] =	ssyncset.done $0x0  }
0x2a: {  	[sflag:s11] =	ssyncadd.s32 $0xFFFFFB1E  }
0x2b: {  	_ =	sfence.sel $0x180000  }
0x2c: {  	[bflag:$0x0] =	sbarrier.arrive $0xFFFF  }
0x2d: {  	p0 =	sne.s32 s0, $0x0;
	_ =	strace $0x90000059  }
0x2e: {  	s0 =	sadd.s32 @!p0 $0x100000, s1;
	[bflag:$0x2] =	sbarrier.arrive $0xFFFF  }
0x2f: {  	[sflag:s0] =	ssyncadd.tile.s32 @!p0 $0x1;
	_ =	shalt  }
.Lfunc_end2:
_tile_overlayer_lowered:
.L_overlay_start_2:
0x30: {  	(tag) =	ssettag $0x2  }
0x31: {  	s0 =	rddreg [dreg:$0x0];
	s2 =	stileid.u32  }
0x32: {  	s1 =	rddreg [dreg:$0x1];
	p0 =	sne.s32 s2, $0x0  }
0x33: {  	s3 =	rddreg [dreg:$0x2];
	[bflag:$0x3] =	sbarrier.arrive $0xFFFF;
	s2 =	simm.s32 @!p0 $0x1C02  }
0x34: {  	[timem:s3], [sflag:s2] =	dma.local @!p0 [hbm:s0], s1  }
0x35: {  	s0 =	simm.s32 @!p0 $0x2  }
0x36: {  	_ =	swait.ge @!p0 [sflag:s0], s1  }
0x37: {  	s1 =	ssub.s32 @!p0 $0x0, s1;
	[sflag:s0] =	ssyncset.done @!p0 $0x0  }
0x38: {  	[sflag:s0] =	ssyncadd.s32 @!p0 s1  }
0x39: {  	[bflag:$0x3] =	sbarrier.arrive $0xFFFF  }
0x3a: {  	_ =	shalt  }

// kernel: kernel.40.cloned.1.call-start
scs
__scs_entry_jumppad:
0x0: {  	(pc) =	sbr.rel $0x88, $3  }
0x1: {  	(tag) =	ssettag $0x0;
	lr =	simm.s32 $0x1  }
0x2: {  	[smem:$0x3F88] =	sst lr;
	_ =	strace $0xD0000000  }
0x3: {  	_ = 	snop  }
0x4: {  	_ = 	snop  }
0x5: {  	_ = 	snop  }
0x6: {  	_ = 	snop  }
0x7: {  	_ = 	snop  }
__scs_overlays_trampoline_lowered:
0x8: {  	[smem:$0x3F97] =	sst s0  }
0x9: {  	[smem:$0x3F98] =	sst s1  }
0xa: {  	[smem:$0x3F99] =	sst s2  }
0xb: {  	[smem:$0x3F9A] =	sst s3  }
0xc: {  	[smem:$0x3F9B] =	sst s4  }
0xd: {  	[smem:$0x3F9C] =	sst s5  }
0xe: {  	[smem:$0x3F9D] =	sst s6  }
0xf: {  	[smem:$0x3F9E] =	sst s7  }
0x10: {  	[smem:$0x3F9F] =	sst s8  }
0x11: {  	[smem:$0x3FA0] =	sst s9;
	s0 =	simm.s32 @!p0 $0x0  }
0x12: {  	s1 =	sld [smem:$0x3F86];
	s0 =	simm.s32 @p0 $0x1  }
0x13: {  	[smem:$0x3FA1] =	sst s0;
	s0 =	simm.s32 @!p1 $0x0  }
0x14: {  	s2 =	sld [smem:$0x3F85];
	s0 =	simm.s32 @p1 $0x1  }
0x15: {  	[smem:$0x3FA2] =	sst s0;
	s0 =	simm.s32 @!p2 $0x0  }
0x16: {  	s3 =	sld [smem:$0x3FDB];
	s0 =	simm.s32 @p2 $0x1  }
0x17: {  	s4 =	simm.s32 $0x1BF5;
	[smem:$0x3FA4] =	sst s0  }
0x18: {  	s0 =	sld [smem:$0x3F87];
	_ =	swait.ge [sflag:s4], $0x0  }
0x19: {  	s7 =	sld [smem:$0x3F88]  }
0x1a: {  	s8 =	sadd.s32 $0xFFFFE003, lr  }
0x1b: {  	s9 =	sadd.s32 $0xFFFFFEF7, lr;
	s5 =	simm.s32 $0xFFFFFFFF;
	p2 =	slt.u32 s8, $0xFFFFF086  }
0x1c: {  	p1 =	slt.u32 s9, $0xF7A;
	s5 =	simm.s32 @!p2 $0x0  }
0x1d: {  	s5 =	simm.s32 @p1 $0x1;
	p0 =	seq.s32 s7, s2  }
0x1e: {  	s7 =	smul.u32 @!p0 $0xF7A, s2;
	p2 =	seq.s32 @!p0 s5, $0x0  }
0x1f: {  	s9 =	smul.u32 $0xF7A, s1;
	s8 =	simm.s32 @!p0 $0x1BF5;
	p2 =	por !p2, p0  }
0x20: {  	[sflag:s8] =	ssyncset.s32 @!p0 $0xFFFFF086;
	s6 =	sadd.s32 @!p0 s3, s7;
	s7 =	simm.s32 @!p0 $0x108  }
0x21: {  	s3 =	sadd.s32 s3, s9;
	s6 =	sadd.s32 @!p0 $0x88, s6;
	s7 =	simm.s32 @p2 $0x1082  }
0x22: {  	[simem:s7], [sflag:s8] =	dma.local @!p0 [hbm:s6], $0xF7A  }
0x23: {  	s9 =	sor.u32 $0xD0000000, s2;
	s6 =	simm.s32 $0x108;
	_ =	swait.ge @!p0 [sflag:s8], $0x0  }
0x24: {  	s3 =	sadd.s32 $0x88, s3;
	s6 =	simm.s32 @!p1 $0x1082;
	[sflag:s4] =	ssyncset.s32 $0xFFFFF086  }
0x25: {  	[simem:s6], [sflag:s4] =	dma.local [hbm:s3], $0xF7A  }
0x26: {  	[smem:$0x3F88] =	sst s1;
	(tag) =	ssettag s2;
	_ =	strace s9  }
0x27: {  	s1 =	sld [smem:$0x3F98]  }
0x28: {  	s2 =	sld [smem:$0x3F99]  }
0x29: {  	s4 =	sld [smem:$0x3F9B]  }
0x2a: {  	p0 =	seq.s32 s5, $0x0;
	s5 =	sld [smem:$0x3F9C]  }
0x2b: {  	s6 =	sld [smem:$0x3F9D]  }
0x2c: {  	s7 =	sld [smem:$0x3F9E]  }
0x2d: {  	s3 =	simm.s32 $0x108;
	s8 =	sld [smem:$0x3F9F]  }
0x2e: {  	s3 =	simm.s32 @!p0 $0x1082;
	s9 =	sld [smem:$0x3FA0]  }
0x2f: {  	lr =	sadd.s32 s0, s3;
	s0 =	sld [smem:$0x3F97]  }
0x30: {  	s3 =	sld [smem:$0x3F9A]  }
0x31: {  	[smem:$0x3FA3] =	sst s10  }
0x32: {  	s10 =	sld [smem:$0x3FA1];
	_ =	sdelay $0x3  }
0x33: {  	p0 =	seq.s32 s10, $0x1;
	s10 =	sld [smem:$0x3FA3];
	_ =	sdelay $0x3  }
0x34: {  	[smem:$0x3FA3] =	sst s10  }
0x35: {  	s10 =	sld [smem:$0x3FA2];
	_ =	sdelay $0x3  }
0x36: {  	p1 =	seq.s32 s10, $0x1;
	s10 =	sld [smem:$0x3FA3];
	_ =	sdelay $0x3  }
0x37: {  	[smem:$0x3FA3] =	sst s10  }
0x38: {  	s10 =	sld [smem:$0x3FA4]  }
0x39: {  	_ = 	snop;
	(pc) =	sbr.ind lr, $3  }
0x3a: {  	_ = 	snop  }
0x3b: {  	_ = 	snop  }
0x3c: {  	p2 =	seq.s32 s10, $0x1;
	s10 =	sld [smem:$0x3FA3]  }
0x3d: {  	_ =	shalt  }
0x3e: {  	_ =	shalt  }
0x3f: {  	_ =	shalt  }
0x40: {  	_ =	shalt  }
0x41: {  	_ =	shalt  }
0x42: {  	_ =	shalt  }
0x43: {  	_ =	shalt  }
0x44: {  	_ =	shalt  }
0x45: {  	_ =	shalt  }
0x46: {  	_ =	shalt  }
0x47: {  	_ =	shalt  }
0x48: {  	_ =	shalt  }
0x49: {  	_ =	shalt  }
0x4a: {  	_ =	shalt  }
0x4b: {  	_ =	shalt  }
0x4c: {  	_ =	shalt  }
0x4d: {  	_ =	shalt  }
0x4e: {  	_ =	shalt  }
0x4f: {  	_ =	shalt  }
0x50: {  	_ =	shalt  }
0x51: {  	_ =	shalt  }
0x52: {  	_ =	shalt  }
0x53: {  	_ =	shalt  }
0x54: {  	_ =	shalt  }
0x55: {  	_ =	shalt  }
0x56: {  	_ =	shalt  }
0x57: {  	_ =	shalt  }
0x58: {  	_ =	shalt  }
0x59: {  	_ =	shalt  }
0x5a: {  	_ =	shalt  }
0x5b: {  	_ =	shalt  }
0x5c: {  	_ =	shalt  }
0x5d: {  	_ =	shalt  }
0x5e: {  	_ =	shalt  }
0x5f: {  	_ =	shalt  }
0x60: {  	_ =	shalt  }
0x61: {  	_ =	shalt  }
0x62: {  	_ =	shalt  }
0x63: {  	_ =	shalt  }
0x64: {  	_ =	shalt  }
0x65: {  	_ =	shalt  }
0x66: {  	_ =	shalt  }
0x67: {  	_ =	shalt  }
0x68: {  	_ =	shalt  }
0x69: {  	_ =	shalt  }
0x6a: {  	_ =	shalt  }
0x6b: {  	_ =	shalt  }
0x6c: {  	_ =	shalt  }
0x6d: {  	_ =	shalt  }
0x6e: {  	_ =	shalt  }
0x6f: {  	_ =	shalt  }
0x70: {  	_ =	shalt  }
0x71: {  	_ =	shalt  }
0x72: {  	_ =	shalt  }
0x73: {  	_ =	shalt  }
0x74: {  	_ =	shalt  }
0x75: {  	_ =	shalt  }
0x76: {  	_ =	shalt  }
0x77: {  	_ =	shalt  }
0x78: {  	_ =	shalt  }
0x79: {  	_ =	shalt  }
0x7a: {  	_ =	shalt  }
0x7b: {  	_ =	shalt  }
0x7c: {  	_ =	shalt  }
0x7d: {  	_ =	shalt  }
0x7e: {  	_ =	shalt  }
0x7f: {  	_ =	shalt  }
0x80: {  	_ =	shalt  }
0x81: {  	_ =	shalt  }
0x82: {  	_ =	shalt  }
0x83: {  	_ =	shalt  }
0x84: {  	_ =	shalt  }
0x85: {  	_ =	shalt  }
0x86: {  	_ =	shalt  }
0x87: {  	_ =	shalt  }
.Lfunc_end0:
.L_simem_size_0:
called_computation.7_lowered:
.L_overlay_start_0:
0x88: {  	s2 =	sld [smem:$0x3FD9]  }
0x89: {  	s3 =	sld [smem:$0x3FFE];
	_ =	sdelay $0x1  }
0x8a: {  	s1 =	srdreg.scid  }
0x8b: {  	s0 =	sand.u32 $0x1, s1  }
0x8c: {  	s16 =	sshll.u32 s0, $0xA;
	s2 =	sadd.s32 s3, s2  }
0x8d: {  	s2 =	sadd.s32 s2, s16  }
0x8e: {  	[smem:$0x3FAF] =	sst s2  }
0x8f: {  	_ = 	snop  }
0x90: {  	(tm) =	ssettm $0x1  }
0x91: {  	s17 =	sld [smem:$0x3FFB];
	_ =	sdelay $0x3  }
0x92: {  	_ =	strace s17  }
0x93: {  	s2 =	sld [smem:$0x3FFC];
	_ =	sdelay $0x3  }
0x94: {  	_ =	strace s2  }
0x95: {  	s2 =	sld [smem:$0x3FFD];
	_ =	sdelay $0x3  }
0x96: {  	_ =	strace s2  }
0x97: {  	_ =	strace $0x8FFFFFFF  }
0x98: {  	s18 =	sld [smem:$0x3FDB];
	_ =	sdelay $0x1  }
0x99: {  	s19 =	simm.s32 $_scs_section_size  }
0x9a: {  	s4 =	simm.s32 $_size__tile_overlayer_lowered;
	s5 =	simm.s32 $_tile_overlayer_lowered  }
0x9b: {  	s22 =	simm.s32 $0x1BFF;
	s21 =	sshll.u32 s5, $0x1;
	s2 =	sadd.s32 s19, s18  }
0x9c: {  	s6 =	simm.s32 $0x0;
	s20 =	sshll.u32 s4, $0x1;
	s4 =	sadd.s32 s21, s2  }
0x9d: {  	[timem:s6], [sflag:s22] =	dma.local [hbm:s4], s20  }
0x9e: {  	_ =	swait.ge [sflag:s22], s20  }
0x9f: {  	s3 =	ssub.s32 $0x0, s20;
	[sflag:s22] =	ssyncset.done $0x0  }
0xa0: {  	[sflag:s22] =	ssyncadd.s32 s3;
	_ =	sdelay $0x1  }
0xa1: {  	s23 =	simm.s32 $0x1B8B  }
0xa2: {  	_ =	swait.ge [sflag:s23], $0x1  }
0xa3: {  	[sflag:s23] =	ssyncset.done $0x0  }
0xa4: {  	s25 =	simm.s32 $0x1B8E;
	s24 =	sld [smem:$0x3FFE];
	[sflag:s23] =	ssyncadd.s32 $0xFFFFFFFF  }
0xa5: {  	s26 =	simm.s32 $execute0_lowered;
	[smem:$0x3FD2] =	sst s25  }
0xa6: {  	s4 =	sshll.u32 s26, $0x1;
	_ =	strace $0x8000005B;
	[dreg:$0x1] =	wrdreg $0xFFFFFFFF  }
0xa7: {  	s28 =	simm.s32 $_size_execute0_lowered;
	s2 =	sadd.s32 s2, s4;
	[dreg:$0x0] =	wrdreg $0x0  }
0xa8: {  	s4 =	sshll.u32 s28, $0x1;
	[dreg:$0x2] =	wrdreg s2  }
0xa9: {  	[dreg:$0x3] =	wrdreg s4  }
0xaa: {  	[dreg:$0x4] =	wrdreg $0xC0  }
0xab: {  	_ =	task [dreg:s6], $0x5FFFF  }
0xac: {  	[dreg:$0x1] =	wrdreg $0xFFFFFFFF  }
0xad: {  	[dreg:$0x0] =	wrdreg $0x60  }
0xae: {  	[dreg:$0x2] =	wrdreg s24  }
0xaf: {  	[dreg:$0x3] =	wrdreg $0x9  }
0xb0: {  	_ =	task.clear_ibuf [dreg:s6], $0x4FFFF;
	_ =	strace $0x9000005B  }
0xb1: {  	s29 =	simm.s32 $0x9;
	_ =	strace $0x8000005D  }
0xb2: {  	_ =	swait.ge [sflag:s29], $0x1  }
0xb3: {  	[sflag:s29] =	ssyncadd.s32 $0xFFFFFFFF  }
0xb4: {  	_ =	strace $0x9000005D  }
0xb5: {  	_ =	sfence  }
0xb6: {  	s30 =	sld [smem:$0x0];
	_ =	sdelay $0x2  }
0xb7: {  	s31 =	sshll.u32 s1, $0xD;
	s1 =	sshrl.u32 s1, $0x2  }
0xb8: {  	s3 =	sand.u32 $0x4000, s31;
	s1 =	sadd.s32 s1, s30  }
0xb9: {  	s0 =	sor.u32 s3, s0;
	s1 =	sshll.u32 s1, $0x11  }
0xba: {  	s0 =	sor.u32 s1, s0  }
0xbb: {  	s0 =	sadd.s32 $0x8F2B, s0  }
0xbc: {  	[sflag:s0] =	ssyncadd.remote.s32 $0x1  }
0xbd: {  	_ =	sfence.sel $0xFFFF  }
0xbe: {  	[dreg:$0x0] =	wrdreg $0xFFFFFFFF;
	(pc) =	sbr.abs _section_cstart, $3  }
0xbf: {  	[dreg:$0x1] =	wrdreg $0xFFFFFFFF  }
0xc0: {  	_ =	task.clear_ibuf [dreg:s6], $0x2FFFF;
	_ =	strace $0x9FFFFFFF  }
0xc1: {  	(tm) =	ssettm $0x7FFFFFFF  }
tec
execute0_lowered:
.L_overlay_start_1:
0x0: {  	(tag) =	ssettag $0x1  }
0x1: {  	s0 =	srdreg.scid;
	s5 =	rddreg [dreg:$0x0]  }
0x2: {  	s2 =	simm.s32 $0x0;
	s8 =	simm.s32 $0x7D;
	s4 =	sand.u32 $0x1, s0  }
0x3: {  	s9 =	simm.s32 $0x1;
	s0 =	stileid.u32;
	s1 =	sshll.u32 s4, $0x4  }
0x4: {  	s10 =	simm.s32 $0x1400;
	s11 =	simm.s32 $0x0;
	s3 =	sor.u32 s0, s1  }
0x5: {  	[smem:$0x7FF] =	sst s2;
	s4 =	ssub.s32 $0x2, s4;
	s6 =	smul.u32 $0x280, s3  }
0x6: {  	s1 =	rddreg [dreg:$0x1];
	_ =	strace $0x8000005C;
	s7 =	smul.u32 $0x2710, s3  }
0x7: {  	s31 =	sshrl.u32 s4, $0x1;
	s3 =	sadd.s32 $0x9800, s5;
	s6 =	sadd.s32 s6, s5  }
0x8: {  	s5 =	sadd.s32 s7, s5;
	s7 =	ssub.s32 s4, s31;
	s4 =	sadd.s32 $0xE800, s6  }
0x9: {  	s5 =	sadd.s32 $0x13800, s5;
	s6 =	smax.u32 s7, $0x1;
	s7 =	simm.s32 $0x2  }
.LBB2_1:
0xa: {  	[tilespmem:s2], [sflag:$0x2] =	stream.linear.gather [hbm4b:s4+s2], $0x1400, $0x38;
	[tilespmem:$0x14C80] =	vst v63  }
0xb: {  	_ =	swait.ge [sflag:s7], $0x1400  }
0xc: {  	s12 =	simm.s32 $0x200;
	s15 =	simm.s32 $0x0;
	[sflag:s7] =	ssyncset.done $0x0  }
0xd: {  	s13 =	simm.s32 $0x1BD0;
	s14 =	simm.s32 $0x1400;
	[sflag:s7] =	ssyncadd.s32 $0xFFFFEC00  }
.LBB2_2:
0xe: {  	[tilespmem:s14], [sflag:$0x1] =	stream.indirect.gather [hbm4b:s3+s8], $0x10, s15, s8, $0xb8;
	[tilespmem:$0x14C80] =	vst v63  }
0xf: {  	s15 =	smov.u32 s12;
	s14 =	smov.u32 s13;
	p0 =	sne.s32 s12, $0x4E00  }
.Ltmp0:
0x10: {  	s12 =	sadd.s32 $0x200, s12;
	(pc) =	sbr.rel @p0 .LBB2_2-.Ltmp0, $2  }
0x11: {  	_ =	sdelay $0x2  }
0x12: {  	s13 =	sadd.s32 $0x7D0, s13;
	s15 =	sshra.s32 s15, $0x2  }
0x13: {  	[tilespmem:s14], [sflag:$0x1] =	stream.indirect.gather [hbm4b:s3+s8], $0x10, s15, s8, $0xb8;
	[tilespmem:$0x14C80] =	vst v63  }
0x14: {  	s11 =	sadd.s32 $0x1, s11;
	_ =	swait.ge [sflag:s9], $0x13880  }
0x15: {  	p0 =	sne.s32 s11, s6;
	[sflag:s9] =	ssyncset.done $0x0  }
.Ltmp1:
0x16: {  	[sflag:s9] =	ssyncadd.s32 $0xFFFEC780;
	(pc) =	sbr.rel @p0 .LBB2_1-.Ltmp1, $4  }
0x17: {  	[hbm4b:s5+s2] =	stream.linear.scatter [tilespmem:s10], [sflag:$0x2], $0x13880, $0x38;
	[tilespmem:$0x14C80] =	vst v63  }
0x18: {  	_ =	swait.ge [sflag:s7], $0x13880  }
0x19: {  	[sflag:s7] =	ssyncset.done $0x0  }
0x1a: {  	[sflag:s7] =	ssyncadd.s32 $0xFFFEC780  }
0x1b: {  	_ =	sfence.sel $0x180000  }
0x1c: {  	[bflag:$0x0] =	sbarrier.arrive $0xFFFF  }
0x1d: {  	p0 =	sne.s32 s0, $0x0;
	_ =	strace $0x9000005C  }
0x1e: {  	s0 =	sadd.s32 @!p0 $0x100000, s1;
	[bflag:$0x2] =	sbarrier.arrive $0xFFFF  }
0x1f: {  	[sflag:s0] =	ssyncadd.tile.s32 @!p0 $0x1;
	_ =	shalt  }
.Lfunc_end2:
_tile_overlayer_lowered:
.L_overlay_start_2:
0x20: {  	(tag) =	ssettag $0x2  }
0x21: {  	s0 =	rddreg [dreg:$0x0];
	s2 =	stileid.u32  }
0x22: {  	s1 =	rddreg [dreg:$0x1];
	p0 =	sne.s32 s2, $0x0  }
0x23: {  	s3 =	rddreg [dreg:$0x2];
	[bflag:$0x3] =	sbarrier.arrive $0xFFFF;
	s2 =	simm.s32 @!p0 $0x1C02  }
0x24: {  	[timem:s3], [sflag:s2] =	dma.local @!p0 [hbm:s0], s1  }
0x25: {  	s0 =	simm.s32 @!p0 $0x2  }
0x26: {  	_ =	swait.ge @!p0 [sflag:s0], s1  }
0x27: {  	s1 =	ssub.s32 @!p0 $0x0, s1;
	[sflag:s0] =	ssyncset.done @!p0 $0x0  }
0x28: {  	[sflag:s0] =	ssyncadd.s32 @!p0 s1  }
0x29: {  	[bflag:$0x3] =	sbarrier.arrive $0xFFFF  }
0x2a: {  	_ =	shalt  }

// kernel: kernel.43.cloned.1.call-start
scs
__scs_entry_jumppad:
0x0: {  	(pc) =	sbr.rel $0x88, $3  }
0x1: {  	(tag) =	ssettag $0x0;
	lr =	simm.s32 $0x1  }
0x2: {  	[smem:$0x3F88] =	sst lr;
	_ =	strace $0xD0000000  }
0x3: {  	_ = 	snop  }
0x4: {  	_ = 	snop  }
0x5: {  	_ = 	snop  }
0x6: {  	_ = 	snop  }
0x7: {  	_ = 	snop  }
__scs_overlays_trampoline_lowered:
0x8: {  	[smem:$0x3F97] =	sst s0  }
0x9: {  	[smem:$0x3F98] =	sst s1  }
0xa: {  	[smem:$0x3F99] =	sst s2  }
0xb: {  	[smem:$0x3F9A] =	sst s3  }
0xc: {  	[smem:$0x3F9B] =	sst s4  }
0xd: {  	[smem:$0x3F9C] =	sst s5  }
0xe: {  	[smem:$0x3F9D] =	sst s6  }
0xf: {  	[smem:$0x3F9E] =	sst s7  }
0x10: {  	[smem:$0x3F9F] =	sst s8  }
0x11: {  	[smem:$0x3FA0] =	sst s9;
	s0 =	simm.s32 @!p0 $0x0  }
0x12: {  	s1 =	sld [smem:$0x3F86];
	s0 =	simm.s32 @p0 $0x1  }
0x13: {  	[smem:$0x3FA1] =	sst s0;
	s0 =	simm.s32 @!p1 $0x0  }
0x14: {  	s2 =	sld [smem:$0x3F85];
	s0 =	simm.s32 @p1 $0x1  }
0x15: {  	[smem:$0x3FA2] =	sst s0;
	s0 =	simm.s32 @!p2 $0x0  }
0x16: {  	s3 =	sld [smem:$0x3FDB];
	s0 =	simm.s32 @p2 $0x1  }
0x17: {  	s4 =	simm.s32 $0x1BF5;
	[smem:$0x3FA4] =	sst s0  }
0x18: {  	s0 =	sld [smem:$0x3F87];
	_ =	swait.ge [sflag:s4], $0x0  }
0x19: {  	s7 =	sld [smem:$0x3F88]  }
0x1a: {  	s8 =	sadd.s32 $0xFFFFE003, lr  }
0x1b: {  	s9 =	sadd.s32 $0xFFFFFEF7, lr;
	s5 =	simm.s32 $0xFFFFFFFF;
	p2 =	slt.u32 s8, $0xFFFFF086  }
0x1c: {  	p1 =	slt.u32 s9, $0xF7A;
	s5 =	simm.s32 @!p2 $0x0  }
0x1d: {  	s5 =	simm.s32 @p1 $0x1;
	p0 =	seq.s32 s7, s2  }
0x1e: {  	s7 =	smul.u32 @!p0 $0xF7A, s2;
	p2 =	seq.s32 @!p0 s5, $0x0  }
0x1f: {  	s9 =	smul.u32 $0xF7A, s1;
	s8 =	simm.s32 @!p0 $0x1BF5;
	p2 =	por !p2, p0  }
0x20: {  	[sflag:s8] =	ssyncset.s32 @!p0 $0xFFFFF086;
	s6 =	sadd.s32 @!p0 s3, s7;
	s7 =	simm.s32 @!p0 $0x108  }
0x21: {  	s3 =	sadd.s32 s3, s9;
	s6 =	sadd.s32 @!p0 $0x88, s6;
	s7 =	simm.s32 @p2 $0x1082  }
0x22: {  	[simem:s7], [sflag:s8] =	dma.local @!p0 [hbm:s6], $0xF7A  }
0x23: {  	s9 =	sor.u32 $0xD0000000, s2;
	s6 =	simm.s32 $0x108;
	_ =	swait.ge @!p0 [sflag:s8], $0x0  }
0x24: {  	s3 =	sadd.s32 $0x88, s3;
	s6 =	simm.s32 @!p1 $0x1082;
	[sflag:s4] =	ssyncset.s32 $0xFFFFF086  }
0x25: {  	[simem:s6], [sflag:s4] =	dma.local [hbm:s3], $0xF7A  }
0x26: {  	[smem:$0x3F88] =	sst s1;
	(tag) =	ssettag s2;
	_ =	strace s9  }
0x27: {  	s1 =	sld [smem:$0x3F98]  }
0x28: {  	s2 =	sld [smem:$0x3F99]  }
0x29: {  	s4 =	sld [smem:$0x3F9B]  }
0x2a: {  	p0 =	seq.s32 s5, $0x0;
	s5 =	sld [smem:$0x3F9C]  }
0x2b: {  	s6 =	sld [smem:$0x3F9D]  }
0x2c: {  	s7 =	sld [smem:$0x3F9E]  }
0x2d: {  	s3 =	simm.s32 $0x108;
	s8 =	sld [smem:$0x3F9F]  }
0x2e: {  	s3 =	simm.s32 @!p0 $0x1082;
	s9 =	sld [smem:$0x3FA0]  }
0x2f: {  	lr =	sadd.s32 s0, s3;
	s0 =	sld [smem:$0x3F97]  }
0x30: {  	s3 =	sld [smem:$0x3F9A]  }
0x31: {  	[smem:$0x3FA3] =	sst s10  }
0x32: {  	s10 =	sld [smem:$0x3FA1];
	_ =	sdelay $0x3  }
0x33: {  	p0 =	seq.s32 s10, $0x1;
	s10 =	sld [smem:$0x3FA3];
	_ =	sdelay $0x3  }
0x34: {  	[smem:$0x3FA3] =	sst s10  }
0x35: {  	s10 =	sld [smem:$0x3FA2];
	_ =	sdelay $0x3  }
0x36: {  	p1 =	seq.s32 s10, $0x1;
	s10 =	sld [smem:$0x3FA3];
	_ =	sdelay $0x3  }
0x37: {  	[smem:$0x3FA3] =	sst s10  }
0x38: {  	s10 =	sld [smem:$0x3FA4]  }
0x39: {  	_ = 	snop;
	(pc) =	sbr.ind lr, $3  }
0x3a: {  	_ = 	snop  }
0x3b: {  	_ = 	snop  }
0x3c: {  	p2 =	seq.s32 s10, $0x1;
	s10 =	sld [smem:$0x3FA3]  }
0x3d: {  	_ =	shalt  }
0x3e: {  	_ =	shalt  }
0x3f: {  	_ =	shalt  }
0x40: {  	_ =	shalt  }
0x41: {  	_ =	shalt  }
0x42: {  	_ =	shalt  }
0x43: {  	_ =	shalt  }
0x44: {  	_ =	shalt  }
0x45: {  	_ =	shalt  }
0x46: {  	_ =	shalt  }
0x47: {  	_ =	shalt  }
0x48: {  	_ =	shalt  }
0x49: {  	_ =	shalt  }
0x4a: {  	_ =	shalt  }
0x4b: {  	_ =	shalt  }
0x4c: {  	_ =	shalt  }
0x4d: {  	_ =	shalt  }
0x4e: {  	_ =	shalt  }
0x4f: {  	_ =	shalt  }
0x50: {  	_ =	shalt  }
0x51: {  	_ =	shalt  }
0x52: {  	_ =	shalt  }
0x53: {  	_ =	shalt  }
0x54: {  	_ =	shalt  }
0x55: {  	_ =	shalt  }
0x56: {  	_ =	shalt  }
0x57: {  	_ =	shalt  }
0x58: {  	_ =	shalt  }
0x59: {  	_ =	shalt  }
0x5a: {  	_ =	shalt  }
0x5b: {  	_ =	shalt  }
0x5c: {  	_ =	shalt  }
0x5d: {  	_ =	shalt  }
0x5e: {  	_ =	shalt  }
0x5f: {  	_ =	shalt  }
0x60: {  	_ =	shalt  }
0x61: {  	_ =	shalt  }
0x62: {  	_ =	shalt  }
0x63: {  	_ =	shalt  }
0x64: {  	_ =	shalt  }
0x65: {  	_ =	shalt  }
0x66: {  	_ =	shalt  }
0x67: {  	_ =	shalt  }
0x68: {  	_ =	shalt  }
0x69: {  	_ =	shalt  }
0x6a: {  	_ =	shalt  }
0x6b: {  	_ =	shalt  }
0x6c: {  	_ =	shalt  }
0x6d: {  	_ =	shalt  }
0x6e: {  	_ =	shalt  }
0x6f: {  	_ =	shalt  }
0x70: {  	_ =	shalt  }
0x71: {  	_ =	shalt  }
0x72: {  	_ =	shalt  }
0x73: {  	_ =	shalt  }
0x74: {  	_ =	shalt  }
0x75: {  	_ =	shalt  }
0x76: {  	_ =	shalt  }
0x77: {  	_ =	shalt  }
0x78: {  	_ =	shalt  }
0x79: {  	_ =	shalt  }
0x7a: {  	_ =	shalt  }
0x7b: {  	_ =	shalt  }
0x7c: {  	_ =	shalt  }
0x7d: {  	_ =	shalt  }
0x7e: {  	_ =	shalt  }
0x7f: {  	_ =	shalt  }
0x80: {  	_ =	shalt  }
0x81: {  	_ =	shalt  }
0x82: {  	_ =	shalt  }
0x83: {  	_ =	shalt  }
0x84: {  	_ =	shalt  }
0x85: {  	_ =	shalt  }
0x86: {  	_ =	shalt  }
0x87: {  	_ =	shalt  }
.Lfunc_end0:
.L_simem_size_0:
called_computation.8_lowered:
.L_overlay_start_0:
0x88: {  	s2 =	sld [smem:$0x3FD9]  }
0x89: {  	s3 =	sld [smem:$0x3FFE];
	_ =	sdelay $0x1  }
0x8a: {  	s1 =	srdreg.scid  }
0x8b: {  	s0 =	sand.u32 $0x1, s1  }
0x8c: {  	s16 =	sshll.u32 s0, $0xA;
	s2 =	sadd.s32 s3, s2  }
0x8d: {  	s2 =	sadd.s32 s2, s16  }
0x8e: {  	[smem:$0x3FAF] =	sst s2  }
0x8f: {  	_ = 	snop  }
0x90: {  	(tm) =	ssettm $0x1  }
0x91: {  	s17 =	sld [smem:$0x3FFB];
	_ =	sdelay $0x3  }
0x92: {  	_ =	strace s17  }
0x93: {  	s2 =	sld [smem:$0x3FFC];
	_ =	sdelay $0x3  }
0x94: {  	_ =	strace s2  }
0x95: {  	s2 =	sld [smem:$0x3FFD];
	_ =	sdelay $0x3  }
0x96: {  	_ =	strace s2  }
0x97: {  	_ =	strace $0x8FFFFFFF  }
0x98: {  	s18 =	sld [smem:$0x3FDB];
	_ =	sdelay $0x1  }
0x99: {  	s19 =	simm.s32 $_scs_section_size  }
0x9a: {  	s4 =	simm.s32 $_size__tile_overlayer_lowered;
	s5 =	simm.s32 $_tile_overlayer_lowered  }
0x9b: {  	s22 =	simm.s32 $0x1BFF;
	s21 =	sshll.u32 s5, $0x1;
	s2 =	sadd.s32 s19, s18  }
0x9c: {  	s6 =	simm.s32 $0x0;
	s20 =	sshll.u32 s4, $0x1;
	s4 =	sadd.s32 s21, s2  }
0x9d: {  	[timem:s6], [sflag:s22] =	dma.local [hbm:s4], s20  }
0x9e: {  	_ =	swait.ge [sflag:s22], s20  }
0x9f: {  	s3 =	ssub.s32 $0x0, s20;
	[sflag:s22] =	ssyncset.done $0x0  }
0xa0: {  	[sflag:s22] =	ssyncadd.s32 s3;
	_ =	sdelay $0x1  }
0xa1: {  	s23 =	simm.s32 $0x1B8B  }
0xa2: {  	_ =	swait.ge [sflag:s23], $0x1  }
0xa3: {  	[sflag:s23] =	ssyncset.done $0x0  }
0xa4: {  	s25 =	simm.s32 $0x1B8E;
	s24 =	sld [smem:$0x3FFE];
	[sflag:s23] =	ssyncadd.s32 $0xFFFFFFFF  }
0xa5: {  	s26 =	simm.s32 $execute0_lowered;
	[smem:$0x3FD2] =	sst s25  }
0xa6: {  	s4 =	sshll.u32 s26, $0x1;
	_ =	strace $0x8000005E;
	[dreg:$0x1] =	wrdreg $0xFFFFFFFF  }
0xa7: {  	s28 =	simm.s32 $_size_execute0_lowered;
	s2 =	sadd.s32 s2, s4;
	[dreg:$0x0] =	wrdreg $0x0  }
0xa8: {  	s4 =	sshll.u32 s28, $0x1;
	[dreg:$0x2] =	wrdreg s2  }
0xa9: {  	[dreg:$0x3] =	wrdreg s4  }
0xaa: {  	[dreg:$0x4] =	wrdreg $0xC0  }
0xab: {  	_ =	task [dreg:s6], $0x5FFFF  }
0xac: {  	[dreg:$0x1] =	wrdreg $0xFFFFFFFF  }
0xad: {  	[dreg:$0x0] =	wrdreg $0x60  }
0xae: {  	[dreg:$0x2] =	wrdreg s24  }
0xaf: {  	[dreg:$0x3] =	wrdreg $0x0  }
0xb0: {  	[dreg:$0x4] =	wrdreg $0x9  }
0xb1: {  	_ =	task.clear_ibuf [dreg:s6], $0x5FFFF;
	_ =	strace $0x9000005E  }
0xb2: {  	s29 =	simm.s32 $0x9;
	_ =	strace $0x80000060  }
0xb3: {  	_ =	swait.ge [sflag:s29], $0x1  }
0xb4: {  	[sflag:s29] =	ssyncadd.s32 $0xFFFFFFFF  }
0xb5: {  	_ =	strace $0x90000060  }
0xb6: {  	_ =	sfence  }
0xb7: {  	s30 =	sld [smem:$0x0];
	_ =	sdelay $0x2  }
0xb8: {  	s31 =	sshll.u32 s1, $0xD;
	s1 =	sshrl.u32 s1, $0x2  }
0xb9: {  	s3 =	sand.u32 $0x4000, s31;
	s1 =	sadd.s32 s1, s30  }
0xba: {  	s0 =	sor.u32 s3, s0;
	s1 =	sshll.u32 s1, $0x11  }
0xbb: {  	s0 =	sor.u32 s1, s0  }
0xbc: {  	s0 =	sadd.s32 $0x8F2B, s0  }
0xbd: {  	[sflag:s0] =	ssyncadd.remote.s32 $0x1  }
0xbe: {  	_ =	sfence.sel $0xFFFF  }
0xbf: {  	[dreg:$0x0] =	wrdreg $0xFFFFFFFF;
	(pc) =	sbr.abs _section_cstart, $3  }
0xc0: {  	[dreg:$0x1] =	wrdreg $0xFFFFFFFF  }
0xc1: {  	_ =	task.clear_ibuf [dreg:s6], $0x2FFFF;
	_ =	strace $0x9FFFFFFF  }
0xc2: {  	(tm) =	ssettm $0x7FFFFFFF  }
0xc3: {  	_ =	shalt  }
tec
execute0_lowered:
.L_overlay_start_1:
0x0: {  	(tag) =	ssettag $0x1  }
0x1: {  	s0 =	srdreg.scid;
	s5 =	rddreg [dreg:$0x0]  }
0x2: {  	s2 =	rddreg [dreg:$0x1];
	s4 =	sand.u32 $0x1, s0;
	s0 =	stileid.u32  }
0x3: {  	s3 =	simm.s32 $0x0;
	s14 =	simm.s32 $0x1;
	s8 =	smul.u32 $0x4E2, s0  }
0x4: {  	s15 =	simm.s32 $0x0;
	s1 =	sshll.u32 s4, $0x4;
	s9 =	smul.u32 $0x4E20, s4  }
0x5: {  	[smem:$0x7FF] =	sst s3;
	s28 =	smul.u32 $0x9C40, s0;
	s1 =	sor.u32 s0, s1  }
0x6: {  	s26 =	ssub.s32 $0x2, s4;
	s4 =	sadd.s32 $0x66A00, s5;
	s6 =	smul.u32 $0x2710, s1  }
0x7: {  	s31 =	sshll.u32 s0, $0x6;
	s29 =	sshrl.u32 s26, $0x1;
	s7 =	smul.u32 $0x280, s1  }
0x8: {  	s1 =	rddreg [dreg:$0x2];
	_ =	strace $0x8000005F;
	s25 =	sadd.s32 s8, s9  }
0x9: {  	s12 =	ssub.s32 s26, s29;
	s30 =	sshrl.u32 s28, $0x2;
	s11 =	sadd.s32 s25, s5  }
0xa: {  	s13 =	sadd.s32 s30, s2;
	s9 =	smax.u32 s12, $0x1;
	s12 =	simm.s32 $0x2710  }
0xb: {  	s10 =	sadd.s32 s6, s5;
	s24 =	sadd.s32 s7, s5;
	s5 =	sor.u32 $0x1C02, s31  }
0xc: {  	s8 =	sadd.s32 $0x67000, s11;
	s11 =	simm.s32 $0x2;
	s6 =	sadd.s32 $0x61A00, s24  }
0xd: {  	s7 =	sadd.s32 $0xE800, s10;
	s10 =	sshrl.u32 s13, $0x3;
	s13 =	simm.s32 $0x7D  }
.LBB2_1:
0xe: {  	[spmem:s10], [sflag:s5] =	dma.local [hbm:s4], $0x4E2  }
0xf: {  	_ =	swait.ge [sflag:s11], $0x4E2  }
0x10: {  	[sflag:s11] =	ssyncset.done $0x0  }
0x11: {  	[sflag:s11] =	ssyncadd.s32 $0xFFFFFB1E  }
0x12: {  	[tilespmem:s12], [sflag:$0x2] =	stream.linear.gather [hbm4b:s6+s3], $0x1400, $0x38;
	[tilespmem:$0x17390] =	vst v63  }
0x13: {  	_ =	swait.ge [sflag:s11], $0x1400  }
0x14: {  	[sflag:s11] =	ssyncset.done $0x0  }
0x15: {  	s16 =	simm.s32 $0x3B10;
	[sflag:s11] =	ssyncadd.s32 $0xFFFFEC00  }
0x16: {  	[tilespmem:s16], [sflag:$0x2] =	stream.linear.gather [hbm4b:s7+s3], $0x13880, $0x38;
	[tilespmem:$0x17390] =	vst v63  }
0x17: {  	_ =	swait.ge [sflag:s11], $0x13880  }
0x18: {  	[sflag:s11] =	ssyncset.done $0x0  }
0x19: {  	[sflag:s11] =	ssyncadd.s32 $0xFFFEC780  }
0x1a: {  	s17 =	simm.s32 $0x2710;
	[bflag:$0x0] =	sbarrier.arrive $0xFFFF  }
0x1b: {  	[spmem:s2] =	stream.indirect.scatter.add.f32 [tilespmem:s16], [sflag:$0x1], $0x10, s17, s13, $0xb8;
	[tilespmem:$0x17390] =	vst v63  }
0x1c: {  	s17 =	simm.s32 $0x200  }
.LBB2_2:
0x1d: {  	p0 =	sne.s32 s17, $0x4E00  }
.Ltmp0:
0x1e: {  	_ = 	snop;
	(pc) =	sbr.rel @p0 .LBB2_2-.Ltmp0, $4  }
0x1f: {  	_ = 	snop  }
0x20: {  	s18 =	sshra.s32 s17, $0x2;
	s17 =	sadd.s32 $0x200, s17  }
0x21: {  	s16 =	sadd.s32 $0x7D0, s16;
	s18 =	sadd.s32 $0x2710, s18  }
0x22: {  	[spmem:s2] =	stream.indirect.scatter.add.f32 [tilespmem:s16], [sflag:$0x1], $0x10, s18, s13, $0xb8;
	[tilespmem:$0x17390] =	vst v63  }
0x23: {  	_ =	swait.ge [sflag:s14], $0x13880  }
0x24: {  	s15 =	sadd.s32 $0x1, s15;
	[sflag:s14] =	ssyncset.done $0x0  }
0x25: {  	p0 =	sne.s32 s15, s9;
	[sflag:s14] =	ssyncadd.s32 $0xFFFEC780  }
.Ltmp1:
0x26: {  	[bflag:$0x0] =	sbarrier.arrive $0xFFFF;
	(pc) =	sbr.rel @p0 .LBB2_1-.Ltmp1, $4  }
0x27: {  	[hbm:s8], [sflag:s5] =	dma.local [spmem:s10], $0x4E2  }
0x28: {  	_ =	swait.ge [sflag:s11], $0x4E2  }
0x29: {  	[sflag:s11] =	ssyncset.done $0x0  }
0x2a: {  	[sflag:s11] =	ssyncadd.s32 $0xFFFFFB1E  }
0x2b: {  	_ =	sfence.sel $0x180000  }
0x2c: {  	[bflag:$0x0] =	sbarrier.arrive $0xFFFF  }
0x2d: {  	p0 =	sne.s32 s0, $0x0;
	_ =	strace $0x9000005F  }
0x2e: {  	s0 =	sadd.s32 @!p0 $0x100000, s1;
	[bflag:$0x2] =	sbarrier.arrive $0xFFFF  }
0x2f: {  	[sflag:s0] =	ssyncadd.tile.s32 @!p0 $0x1;
	_ =	shalt  }
.Lfunc_end2:
_tile_overlayer_lowered:
.L_overlay_start_2:
0x30: {  	(tag) =	ssettag $0x2  }
0x31: {  	s0 =	rddreg [dreg:$0x0];
	s2 =	stileid.u32  }
0x32: {  	s1 =	rddreg [dreg:$0x1];
	p0 =	sne.s32 s2, $0x0  }
0x33: {  	s3 =	rddreg [dreg:$0x2];
	[bflag:$0x3] =	sbarrier.arrive $0xFFFF;
	s2 =	simm.s32 @!p0 $0x1C02  }
0x34: {  	[timem:s3], [sflag:s2] =	dma.local @!p0 [hbm:s0], s1  }
0x35: {  	s0 =	simm.s32 @!p0 $0x2  }
0x36: {  	_ =	swait.ge @!p0 [sflag:s0], s1  }
0x37: {  	s1 =	ssub.s32 @!p0 $0x0, s1;
	[sflag:s0] =	ssyncset.done @!p0 $0x0  }
0x38: {  	[sflag:s0] =	ssyncadd.s32 @!p0 s1  }
0x39: {  	[bflag:$0x3] =	sbarrier.arrive $0xFFFF  }
0x3a: {  	_ =	shalt  }

</sc_bundles>
